<compile_context>
chip_gen: v7x
topology: tpu7x:2x2x1
jax: 0.10.2.dev20260603
libtpu: 0.0.44.dev20260713+nightly
codegen_flags: <defaults>
</compile_context>

<pallas_src>
import jax
import jax.numpy as jnp
from jax import lax
from jax.experimental import pallas as pl
from jax.experimental.pallas import tpu as pltpu
from jax.experimental.pallas import tpu_sc as plsc

EMB = 64
SCALE = 8.0
B, L = 4096, 200
VOCAB = 100000
NC, NS = 2, 16
NW = NC * NS
BC = B // NW
LB = 4
NG = L // LB
TQ = 4


def _emb_body(table, toks, mid, idx_v, rows_v, si0, si1, sg0, sg1, so0, so1):
    wid = lax.axis_index("s") * NC + lax.axis_index("c")
    b0 = wid * BC
    s_idx = (si0, si1)
    s_g = (sg0, sg1)
    s_o = (so0, so1)

    def fire_idx(g, s):
        pltpu.async_copy(toks.at[pl.ds(g * LB, LB), pl.ds(b0, BC)],
                         idx_v.at[pl.ds(s * LB, LB)], s_idx[s])

    def wait_idx(g, s):
        pltpu.make_async_copy(toks.at[pl.ds(g * LB, LB), pl.ds(b0, BC)],
                              idx_v.at[pl.ds(s * LB, LB)], s_idx[s]).wait()

    def run_gathers(s):
        descs = [
            pltpu.async_copy(table.at[idx_v.at[s * LB + j]],
                             rows_v.at[s * LB + j], s_g[s])
            for j in range(LB)
        ]
        for d in descs:
            d.wait()

    def _out_copies(g, s, fire):
        for j in range(LB):
            q = g * (LB // 2) + j // 2
            dst = mid.at[q, pl.ds(b0, BC), pl.ds((j % 2) * EMB, EMB)]
            if fire:
                pltpu.async_copy(rows_v.at[s * LB + j], dst, s_o[s])
            else:
                pltpu.make_async_copy(rows_v.at[s * LB + j], dst,
                                      s_o[s]).wait()

    def fire_out(g, s):
        _out_copies(g, s, True)

    def wait_out(g, s):
        _out_copies(g, s, False)

    fire_idx(0, 0)
    fire_idx(1, 1)
    for g in (0, 1):
        s = g
        wait_idx(g, s)
        run_gathers(s)
        fire_out(g, s)
        fire_idx(g + 2, s)

    @pl.loop(0, (NG - 4) // 2)
    def _steady(i):
        for s in range(2):
            g = 2 + i * 2 + s
            wait_idx(g, s)
            wait_out(g - 2, s)
            run_gathers(s)
            fire_out(g, s)
            fire_idx(g + 2, s)

    for g in (NG - 2, NG - 1):
        s = g % 2
        wait_idx(g, s)
        wait_out(g - 2, s)
        run_gathers(s)
        fire_out(g, s)
    for g in (NG - 2, NG - 1):
        wait_out(g, g % 2)


def _emb_gather(table, toks_t):
    mesh = plsc.VectorSubcoreMesh(core_axis_name="c", subcore_axis_name="s",
                                  num_cores=NC, num_subcores=NS)
    f = pl.kernel(
        _emb_body,
        out_type=jax.ShapeDtypeStruct((L // 2, B, 2 * EMB), jnp.float32),
        mesh=mesh,
        scratch_types=[
            pltpu.VMEM((2 * LB, BC), jnp.int32),
            pltpu.VMEM((2 * LB, BC, EMB), jnp.float32),
            pltpu.SemaphoreType.DMA,
            pltpu.SemaphoreType.DMA,
            pltpu.SemaphoreType.DMA,
            pltpu.SemaphoreType.DMA,
            pltpu.SemaphoreType.DMA,
            pltpu.SemaphoreType.DMA,
        ],
        compiler_params=pltpu.CompilerParams(use_tc_tiling_on_sc=False),
    )
    return f(table, toks_t)


def _tr_body(x_ref, o_ref):
    for q in range(TQ):
        t = jnp.transpose(x_ref[q]) * SCALE
        o_ref[2 * q] = t[:EMB]
        o_ref[2 * q + 1] = t[EMB:]


def _transpose_scale(mid):
    return pl.pallas_call(
        _tr_body,
        out_shape=jax.ShapeDtypeStruct((L, EMB, B), jnp.float32),
        grid=(L // (2 * TQ),),
        in_specs=[pl.BlockSpec((TQ, B, 2 * EMB), lambda i: (i, 0, 0))],
        out_specs=pl.BlockSpec((2 * TQ, EMB, B), lambda i: (i, 0, 0)),
    )(mid)


def kernel(tokens, table):
    toks_t = jnp.transpose(tokens)
    mid = _emb_gather(table, toks_t)
    out_t = _transpose_scale(mid)
    return jnp.transpose(out_t, (2, 0, 1))

# --- scband reference (transcript-rebuilt; emitter-appended) ---
"""Pipeline reference for scband-token-embedding-56882546868852 (READ-ONLY COPY).

The authoritative reference and input builder live on the scoring server;
editing this copy changes nothing except your own understanding.
"""

import jax, jax.numpy as jnp
import numpy as np
import math

VOCAB = 100000
EMB = 64
B = 4096
L = 200

def setup_inputs(seed: int = 0) -> dict:
    key = jax.random.key(seed)
    k1, k2 = jax.random.split(key)
    tokens = jax.random.randint(k1, (B, L), 0, VOCAB, dtype=jnp.int64 if jax.config.jax_enable_x64 else jnp.int32).astype(jnp.int32)
    table = jax.random.normal(k2, (VOCAB, EMB), dtype=jnp.float32)
    return {"tokens": tokens, "table": table}

def reference(tokens, table):
    # forward: embedding(tokens.long()) * sqrt(emb_size)
    emb = jnp.take(table, tokens, axis=0)
    return emb * math.sqrt(EMB)

if __name__ == "__main__":
    import jax
    _d = setup_inputs()
    print(jax.jit(kernel)(*tuple(_d.values())))

</pallas_src>

<mosaic_0001>
#map = affine_map<(d0, d1) -> (0, 0)>
#map1 = affine_map<(d0, d1) -> (0, 0, 0)>
module attributes {stable_mosaic.version = 14 : i64} {
  func.func @_emb_body(%arg0: i32, %arg1: i32, %arg2: memref<100000x64xf32, #tpu.memory_space<hbm>>, %arg3: memref<200x4096xi32, #tpu.memory_space<hbm>>, %arg4: memref<100x4096x128xf32, #tpu.memory_space<hbm>>, %arg5: memref<8x128xi32, #tpu.memory_space<vmem>>, %arg6: memref<8x128x64xf32, #tpu.memory_space<vmem>>, %arg7: memref<!tpu.dma_semaphore, #tpu.memory_space<semaphore_mem>>, %arg8: memref<!tpu.dma_semaphore, #tpu.memory_space<semaphore_mem>>, %arg9: memref<!tpu.dma_semaphore, #tpu.memory_space<semaphore_mem>>, %arg10: memref<!tpu.dma_semaphore, #tpu.memory_space<semaphore_mem>>, %arg11: memref<!tpu.dma_semaphore, #tpu.memory_space<semaphore_mem>>, %arg12: memref<!tpu.dma_semaphore, #tpu.memory_space<semaphore_mem>>) attributes {dimension_semantics = [#tpu.dimension_semantics<core_parallel>, #tpu.dimension_semantics<subcore_parallel>], iteration_bounds = array<i64: 2, 16>, scalar_prefetch = 0 : i64, scratch_operands = 8 : i64, tpu.core_type = #tpu.core_type<sc_vector_subcore>, window_params = [{transform_indices = #map}, {transform_indices = #map}, {transform_indices = #map1}]} {
    %mul3A = arith.constant 2 : i32
    %mul3A_0 = arith.muli %arg1, %mul3A : i32
    %add3A = arith.addi %mul3A_0, %arg0 : i32
    %mul3A_1 = arith.constant 128 : i32
    %mul3A_2 = arith.muli %add3A, %mul3A_1 : i32
    %dma_start3A = arith.constant 0 : i32
    %dma_start3A_3 = arith.constant 0 : i32
    %dma_start3A_4 = tpu.memref_slice %arg5[%dma_start3A, %dma_start3A_3] : memref<8x128xi32, #tpu.memory_space<vmem>> -> memref<4x128xi32, #tpu.memory_space<vmem>>
    %dma_start3A_5 = arith.constant 0 : i32
    %dma_start3A_6 = tpu.memref_slice %arg3[%dma_start3A_5, %mul3A_2] : memref<200x4096xi32, #tpu.memory_space<hbm>> -> memref<4x128xi32, #tpu.memory_space<hbm>>
    %dma_start3A_7 = arith.constant 0 : i32
    %dma_start3A_8 = arith.constant 0 : i32
    %dma_start3A_9 = tpu.memref_slice %arg5[%dma_start3A_7, %dma_start3A_8] : memref<8x128xi32, #tpu.memory_space<vmem>> -> memref<4x128xi32, #tpu.memory_space<vmem>>
    %dma_start3A_10 = arith.constant 0 : i32
    %dma_start3A_11 = tpu.memref_slice %arg3[%dma_start3A_10, %mul3A_2] : memref<200x4096xi32, #tpu.memory_space<hbm>> -> memref<4x128xi32, #tpu.memory_space<hbm>>
    tpu.enqueue_dma source(%dma_start3A_11 : memref<4x128xi32, #tpu.memory_space<hbm>>) target(%dma_start3A_9 : memref<4x128xi32, #tpu.memory_space<vmem>>) target_semaphore(%arg7 : memref<!tpu.dma_semaphore, #tpu.memory_space<semaphore_mem>>)
    %dma_start3A_12 = arith.constant 4 : i32
    %dma_start3A_13 = arith.constant 0 : i32
    %dma_start3A_14 = tpu.memref_slice %arg5[%dma_start3A_12, %dma_start3A_13] : memref<8x128xi32, #tpu.memory_space<vmem>> -> memref<4x128xi32, #tpu.memory_space<vmem>>
    %dma_start3A_15 = arith.constant 4 : i32
    %dma_start3A_16 = tpu.memref_slice %arg3[%dma_start3A_15, %mul3A_2] : memref<200x4096xi32, #tpu.memory_space<hbm>> -> memref<4x128xi32, #tpu.memory_space<hbm>>
    %dma_start3A_17 = arith.constant 4 : i32
    %dma_start3A_18 = arith.constant 0 : i32
    %dma_start3A_19 = tpu.memref_slice %arg5[%dma_start3A_17, %dma_start3A_18] : memref<8x128xi32, #tpu.memory_space<vmem>> -> memref<4x128xi32, #tpu.memory_space<vmem>>
    %dma_start3A_20 = arith.constant 4 : i32
    %dma_start3A_21 = tpu.memref_slice %arg3[%dma_start3A_20, %mul3A_2] : memref<200x4096xi32, #tpu.memory_space<hbm>> -> memref<4x128xi32, #tpu.memory_space<hbm>>
    tpu.enqueue_dma source(%dma_start3A_21 : memref<4x128xi32, #tpu.memory_space<hbm>>) target(%dma_start3A_19 : memref<4x128xi32, #tpu.memory_space<vmem>>) target_semaphore(%arg8 : memref<!tpu.dma_semaphore, #tpu.memory_space<semaphore_mem>>)
    %dma_wait3A = arith.constant 0 : i32
    %dma_wait3A_22 = arith.constant 0 : i32
    %dma_wait3A_23 = tpu.memref_slice %arg5[%dma_wait3A, %dma_wait3A_22] : memref<8x128xi32, #tpu.memory_space<vmem>> -> memref<4x128xi32, #tpu.memory_space<vmem>>
    %dma_wait3A_24 = arith.constant 0 : i32
    %dma_wait3A_25 = tpu.memref_slice %arg3[%dma_wait3A_24, %mul3A_2] : memref<200x4096xi32, #tpu.memory_space<hbm>> -> memref<4x128xi32, #tpu.memory_space<hbm>>
    %dma_wait3A_26 = arith.constant 0 : i32
    %dma_wait3A_27 = arith.constant 0 : i32
    %dma_wait3A_28 = tpu.memref_slice %arg5[%dma_wait3A_26, %dma_wait3A_27] : memref<8x128xi32, #tpu.memory_space<vmem>> -> memref<4x128xi32, #tpu.memory_space<vmem>>
    %dma_wait3A_29 = arith.constant 0 : i32
    %dma_wait3A_30 = tpu.memref_slice %arg3[%dma_wait3A_29, %mul3A_2] : memref<200x4096xi32, #tpu.memory_space<hbm>> -> memref<4x128xi32, #tpu.memory_space<hbm>>
    tpu.wait_dma2 semaphore(%arg7 : memref<!tpu.dma_semaphore, #tpu.memory_space<semaphore_mem>>) src(%dma_wait3A_30 : memref<4x128xi32, #tpu.memory_space<hbm>>) dst(%dma_wait3A_28 : memref<4x128xi32, #tpu.memory_space<vmem>>)
    %dma_start3A_31 = arith.constant 0 : i32
    %dma_start3A_32 = arith.constant 0 : i32
    %dma_start3A_33 = arith.constant 0 : i32
    %dma_start3A_34 = arith.constant 0 : i32
    %dma_start3A_35 = tpu.memref_slice %arg6[%dma_start3A_32, %dma_start3A_33, %dma_start3A_34] : memref<8x128x64xf32, #tpu.memory_space<vmem>> -> memref<1x128x64xf32, #tpu.memory_space<vmem>>
    %dma_start3A_36 = tpu.memref_squeeze %dma_start3A_35 : memref<1x128x64xf32, #tpu.memory_space<vmem>> -> memref<128x64xf32, #tpu.memory_space<vmem>>
    %dma_start3A_37 = arith.constant 0 : i32
    %dma_start3A_38 = tpu.memref_slice %arg5[%dma_start3A_31, %dma_start3A_37] : memref<8x128xi32, #tpu.memory_space<vmem>> -> memref<1x128xi32, #tpu.memory_space<vmem>>
    %dma_start3A_39 = tpu.memref_squeeze %dma_start3A_38 : memref<1x128xi32, #tpu.memory_space<vmem>> -> memref<128xi32, #tpu.memory_space<vmem>>
    %dma_start3A_40 = arith.constant 0 : i32
    %dma_start3A_41 = arith.constant 0 : i32
    %dma_start3A_42 = tpu.memref_slice %arg2[%dma_start3A_40, %dma_start3A_41] : memref<100000x64xf32, #tpu.memory_space<hbm>> -> memref<100000x64xf32, #tpu.memory_space<hbm>>
    tpu.enqueue_indirect_dma source(%dma_start3A_42 : memref<100000x64xf32, #tpu.memory_space<hbm>>) target(%dma_start3A_36 : memref<128x64xf32, #tpu.memory_space<vmem>>) offsets(%dma_start3A_39 : memref<128xi32, #tpu.memory_space<vmem>>) semaphore(%arg9 : memref<!tpu.dma_semaphore, #tpu.memory_space<semaphore_mem>>)
    %dma_start3A_43 = arith.constant 1 : i32
    %dma_start3A_44 = arith.constant 1 : i32
    %dma_start3A_45 = arith.constant 0 : i32
    %dma_start3A_46 = arith.constant 0 : i32
    %dma_start3A_47 = tpu.memref_slice %arg6[%dma_start3A_44, %dma_start3A_45, %dma_start3A_46] : memref<8x128x64xf32, #tpu.memory_space<vmem>> -> memref<1x128x64xf32, #tpu.memory_space<vmem>>
    %dma_start3A_48 = tpu.memref_squeeze %dma_start3A_47 : memref<1x128x64xf32, #tpu.memory_space<vmem>> -> memref<128x64xf32, #tpu.memory_space<vmem>>
    %dma_start3A_49 = arith.constant 0 : i32
    %dma_start3A_50 = tpu.memref_slice %arg5[%dma_start3A_43, %dma_start3A_49] : memref<8x128xi32, #tpu.memory_space<vmem>> -> memref<1x128xi32, #tpu.memory_space<vmem>>
    %dma_start3A_51 = tpu.memref_squeeze %dma_start3A_50 : memref<1x128xi32, #tpu.memory_space<vmem>> -> memref<128xi32, #tpu.memory_space<vmem>>
    %dma_start3A_52 = arith.constant 0 : i32
    %dma_start3A_53 = arith.constant 0 : i32
    %dma_start3A_54 = tpu.memref_slice %arg2[%dma_start3A_52, %dma_start3A_53] : memref<100000x64xf32, #tpu.memory_space<hbm>> -> memref<100000x64xf32, #tpu.memory_space<hbm>>
    tpu.enqueue_indirect_dma source(%dma_start3A_54 : memref<100000x64xf32, #tpu.memory_space<hbm>>) target(%dma_start3A_48 : memref<128x64xf32, #tpu.memory_space<vmem>>) offsets(%dma_start3A_51 : memref<128xi32, #tpu.memory_space<vmem>>) semaphore(%arg9 : memref<!tpu.dma_semaphore, #tpu.memory_space<semaphore_mem>>)
    %dma_start3A_55 = arith.constant 2 : i32
    %dma_start3A_56 = arith.constant 2 : i32
    %dma_start3A_57 = arith.constant 0 : i32
    %dma_start3A_58 = arith.constant 0 : i32
    %dma_start3A_59 = tpu.memref_slice %arg6[%dma_start3A_56, %dma_start3A_57, %dma_start3A_58] : memref<8x128x64xf32, #tpu.memory_space<vmem>> -> memref<1x128x64xf32, #tpu.memory_space<vmem>>
    %dma_start3A_60 = tpu.memref_squeeze %dma_start3A_59 : memref<1x128x64xf32, #tpu.memory_space<vmem>> -> memref<128x64xf32, #tpu.memory_space<vmem>>
    %dma_start3A_61 = arith.constant 0 : i32
    %dma_start3A_62 = tpu.memref_slice %arg5[%dma_start3A_55, %dma_start3A_61] : memref<8x128xi32, #tpu.memory_space<vmem>> -> memref<1x128xi32, #tpu.memory_space<vmem>>
    %dma_start3A_63 = tpu.memref_squeeze %dma_start3A_62 : memref<1x128xi32, #tpu.memory_space<vmem>> -> memref<128xi32, #tpu.memory_space<vmem>>
    %dma_start3A_64 = arith.constant 0 : i32
    %dma_start3A_65 = arith.constant 0 : i32
    %dma_start3A_66 = tpu.memref_slice %arg2[%dma_start3A_64, %dma_start3A_65] : memref<100000x64xf32, #tpu.memory_space<hbm>> -> memref<100000x64xf32, #tpu.memory_space<hbm>>
    tpu.enqueue_indirect_dma source(%dma_start3A_66 : memref<100000x64xf32, #tpu.memory_space<hbm>>) target(%dma_start3A_60 : memref<128x64xf32, #tpu.memory_space<vmem>>) offsets(%dma_start3A_63 : memref<128xi32, #tpu.memory_space<vmem>>) semaphore(%arg9 : memref<!tpu.dma_semaphore, #tpu.memory_space<semaphore_mem>>)
    %dma_start3A_67 = arith.constant 3 : i32
    %dma_start3A_68 = arith.constant 3 : i32
    %dma_start3A_69 = arith.constant 0 : i32
    %dma_start3A_70 = arith.constant 0 : i32
    %dma_start3A_71 = tpu.memref_slice %arg6[%dma_start3A_68, %dma_start3A_69, %dma_start3A_70] : memref<8x128x64xf32, #tpu.memory_space<vmem>> -> memref<1x128x64xf32, #tpu.memory_space<vmem>>
    %dma_start3A_72 = tpu.memref_squeeze %dma_start3A_71 : memref<1x128x64xf32, #tpu.memory_space<vmem>> -> memref<128x64xf32, #tpu.memory_space<vmem>>
    %dma_start3A_73 = arith.constant 0 : i32
    %dma_start3A_74 = tpu.memref_slice %arg5[%dma_start3A_67, %dma_start3A_73] : memref<8x128xi32, #tpu.memory_space<vmem>> -> memref<1x128xi32, #tpu.memory_space<vmem>>
    %dma_start3A_75 = tpu.memref_squeeze %dma_start3A_74 : memref<1x128xi32, #tpu.memory_space<vmem>> -> memref<128xi32, #tpu.memory_space<vmem>>
    %dma_start3A_76 = arith.constant 0 : i32
    %dma_start3A_77 = arith.constant 0 : i32
    %dma_start3A_78 = tpu.memref_slice %arg2[%dma_start3A_76, %dma_start3A_77] : memref<100000x64xf32, #tpu.memory_space<hbm>> -> memref<100000x64xf32, #tpu.memory_space<hbm>>
    tpu.enqueue_indirect_dma source(%dma_start3A_78 : memref<100000x64xf32, #tpu.memory_space<hbm>>) target(%dma_start3A_72 : memref<128x64xf32, #tpu.memory_space<vmem>>) offsets(%dma_start3A_75 : memref<128xi32, #tpu.memory_space<vmem>>) semaphore(%arg9 : memref<!tpu.dma_semaphore, #tpu.memory_space<semaphore_mem>>)
    %dma_wait3A_79 = arith.constant 0 : i32
    %dma_wait3A_80 = arith.constant 0 : i32
    %dma_wait3A_81 = arith.constant 0 : i32
    %dma_wait3A_82 = arith.constant 0 : i32
    %dma_wait3A_83 = tpu.memref_slice %arg6[%dma_wait3A_80, %dma_wait3A_81, %dma_wait3A_82] : memref<8x128x64xf32, #tpu.memory_space<vmem>> -> memref<1x128x64xf32, #tpu.memory_space<vmem>>
    %dma_wait3A_84 = tpu.memref_squeeze %dma_wait3A_83 : memref<1x128x64xf32, #tpu.memory_space<vmem>> -> memref<128x64xf32, #tpu.memory_space<vmem>>
    %dma_wait3A_85 = arith.constant 0 : i32
    %dma_wait3A_86 = tpu.memref_slice %arg5[%dma_wait3A_79, %dma_wait3A_85] : memref<8x128xi32, #tpu.memory_space<vmem>> -> memref<1x128xi32, #tpu.memory_space<vmem>>
    %dma_wait3A_87 = tpu.memref_squeeze %dma_wait3A_86 : memref<1x128xi32, #tpu.memory_space<vmem>> -> memref<128xi32, #tpu.memory_space<vmem>>
    %dma_wait3A_88 = arith.constant 0 : i32
    %dma_wait3A_89 = arith.constant 0 : i32
    %dma_wait3A_90 = tpu.memref_slice %arg2[%dma_wait3A_88, %dma_wait3A_89] : memref<100000x64xf32, #tpu.memory_space<hbm>> -> memref<100000x64xf32, #tpu.memory_space<hbm>>
    tpu.wait_indirect_dma semaphore(%arg9 : memref<!tpu.dma_semaphore, #tpu.memory_space<semaphore_mem>>) src(%dma_wait3A_90 : memref<100000x64xf32, #tpu.memory_space<hbm>>) dst(%dma_wait3A_84 : memref<128x64xf32, #tpu.memory_space<vmem>>)
    %dma_wait3A_91 = arith.constant 1 : i32
    %dma_wait3A_92 = arith.constant 1 : i32
    %dma_wait3A_93 = arith.constant 0 : i32
    %dma_wait3A_94 = arith.constant 0 : i32
    %dma_wait3A_95 = tpu.memref_slice %arg6[%dma_wait3A_92, %dma_wait3A_93, %dma_wait3A_94] : memref<8x128x64xf32, #tpu.memory_space<vmem>> -> memref<1x128x64xf32, #tpu.memory_space<vmem>>
    %dma_wait3A_96 = tpu.memref_squeeze %dma_wait3A_95 : memref<1x128x64xf32, #tpu.memory_space<vmem>> -> memref<128x64xf32, #tpu.memory_space<vmem>>
    %dma_wait3A_97 = arith.constant 0 : i32
    %dma_wait3A_98 = tpu.memref_slice %arg5[%dma_wait3A_91, %dma_wait3A_97] : memref<8x128xi32, #tpu.memory_space<vmem>> -> memref<1x128xi32, #tpu.memory_space<vmem>>
    %dma_wait3A_99 = tpu.memref_squeeze %dma_wait3A_98 : memref<1x128xi32, #tpu.memory_space<vmem>> -> memref<128xi32, #tpu.memory_space<vmem>>
    %dma_wait3A_100 = arith.constant 0 : i32
    %dma_wait3A_101 = arith.constant 0 : i32
    %dma_wait3A_102 = tpu.memref_slice %arg2[%dma_wait3A_100, %dma_wait3A_101] : memref<100000x64xf32, #tpu.memory_space<hbm>> -> memref<100000x64xf32, #tpu.memory_space<hbm>>
    tpu.wait_indirect_dma semaphore(%arg9 : memref<!tpu.dma_semaphore, #tpu.memory_space<semaphore_mem>>) src(%dma_wait3A_102 : memref<100000x64xf32, #tpu.memory_space<hbm>>) dst(%dma_wait3A_96 : memref<128x64xf32, #tpu.memory_space<vmem>>)
    %dma_wait3A_103 = arith.constant 2 : i32
    %dma_wait3A_104 = arith.constant 2 : i32
    %dma_wait3A_105 = arith.constant 0 : i32
    %dma_wait3A_106 = arith.constant 0 : i32
    %dma_wait3A_107 = tpu.memref_slice %arg6[%dma_wait3A_104, %dma_wait3A_105, %dma_wait3A_106] : memref<8x128x64xf32, #tpu.memory_space<vmem>> -> memref<1x128x64xf32, #tpu.memory_space<vmem>>
    %dma_wait3A_108 = tpu.memref_squeeze %dma_wait3A_107 : memref<1x128x64xf32, #tpu.memory_space<vmem>> -> memref<128x64xf32, #tpu.memory_space<vmem>>
    %dma_wait3A_109 = arith.constant 0 : i32
    %dma_wait3A_110 = tpu.memref_slice %arg5[%dma_wait3A_103, %dma_wait3A_109] : memref<8x128xi32, #tpu.memory_space<vmem>> -> memref<1x128xi32, #tpu.memory_space<vmem>>
    %dma_wait3A_111 = tpu.memref_squeeze %dma_wait3A_110 : memref<1x128xi32, #tpu.memory_space<vmem>> -> memref<128xi32, #tpu.memory_space<vmem>>
    %dma_wait3A_112 = arith.constant 0 : i32
    %dma_wait3A_113 = arith.constant 0 : i32
    %dma_wait3A_114 = tpu.memref_slice %arg2[%dma_wait3A_112, %dma_wait3A_113] : memref<100000x64xf32, #tpu.memory_space<hbm>> -> memref<100000x64xf32, #tpu.memory_space<hbm>>
    tpu.wait_indirect_dma semaphore(%arg9 : memref<!tpu.dma_semaphore, #tpu.memory_space<semaphore_mem>>) src(%dma_wait3A_114 : memref<100000x64xf32, #tpu.memory_space<hbm>>) dst(%dma_wait3A_108 : memref<128x64xf32, #tpu.memory_space<vmem>>)
    %dma_wait3A_115 = arith.constant 3 : i32
    %dma_wait3A_116 = arith.constant 3 : i32
    %dma_wait3A_117 = arith.constant 0 : i32
    %dma_wait3A_118 = arith.constant 0 : i32
    %dma_wait3A_119 = tpu.memref_slice %arg6[%dma_wait3A_116, %dma_wait3A_117, %dma_wait3A_118] : memref<8x128x64xf32, #tpu.memory_space<vmem>> -> memref<1x128x64xf32, #tpu.memory_space<vmem>>
    %dma_wait3A_120 = tpu.memref_squeeze %dma_wait3A_119 : memref<1x128x64xf32, #tpu.memory_space<vmem>> -> memref<128x64xf32, #tpu.memory_space<vmem>>
    %dma_wait3A_121 = arith.constant 0 : i32
    %dma_wait3A_122 = tpu.memref_slice %arg5[%dma_wait3A_115, %dma_wait3A_121] : memref<8x128xi32, #tpu.memory_space<vmem>> -> memref<1x128xi32, #tpu.memory_space<vmem>>
    %dma_wait3A_123 = tpu.memref_squeeze %dma_wait3A_122 : memref<1x128xi32, #tpu.memory_space<vmem>> -> memref<128xi32, #tpu.memory_space<vmem>>
    %dma_wait3A_124 = arith.constant 0 : i32
    %dma_wait3A_125 = arith.constant 0 : i32
    %dma_wait3A_126 = tpu.memref_slice %arg2[%dma_wait3A_124, %dma_wait3A_125] : memref<100000x64xf32, #tpu.memory_space<hbm>> -> memref<100000x64xf32, #tpu.memory_space<hbm>>
    tpu.wait_indirect_dma semaphore(%arg9 : memref<!tpu.dma_semaphore, #tpu.memory_space<semaphore_mem>>) src(%dma_wait3A_126 : memref<100000x64xf32, #tpu.memory_space<hbm>>) dst(%dma_wait3A_120 : memref<128x64xf32, #tpu.memory_space<vmem>>)
    %dma_start3A_127 = arith.constant 0 : i32
    %dma_start3A_128 = arith.constant 0 : i32
    %dma_start3A_129 = arith.constant 0 : i32
    %dma_start3A_130 = arith.constant 0 : i32
    %dma_start3A_131 = tpu.memref_slice %arg6[%dma_start3A_127, %dma_start3A_129, %dma_start3A_130] : memref<8x128x64xf32, #tpu.memory_space<vmem>> -> memref<1x128x64xf32, #tpu.memory_space<vmem>>
    %dma_start3A_132 = tpu.memref_squeeze %dma_start3A_131 : memref<1x128x64xf32, #tpu.memory_space<vmem>> -> memref<128x64xf32, #tpu.memory_space<vmem>>
    %dma_start3A_133 = arith.constant 0 : i32
    %dma_start3A_134 = tpu.memref_slice %arg4[%dma_start3A_128, %mul3A_2, %dma_start3A_133] : memref<100x4096x128xf32, #tpu.memory_space<hbm>> -> memref<1x128x64xf32, #tpu.memory_space<hbm>>
    %dma_start3A_135 = tpu.memref_squeeze %dma_start3A_134 : memref<1x128x64xf32, #tpu.memory_space<hbm>> -> memref<128x64xf32, #tpu.memory_space<hbm>>
    %dma_start3A_136 = arith.constant 0 : i32
    %dma_start3A_137 = tpu.memref_slice %arg4[%dma_start3A_128, %mul3A_2, %dma_start3A_136] : memref<100x4096x128xf32, #tpu.memory_space<hbm>> -> memref<1x128x64xf32, #tpu.memory_space<hbm>>
    %dma_start3A_138 = tpu.memref_squeeze %dma_start3A_137 : memref<1x128x64xf32, #tpu.memory_space<hbm>> -> memref<128x64xf32, #tpu.memory_space<hbm>>
    %dma_start3A_139 = arith.constant 0 : i32
    %dma_start3A_140 = arith.constant 0 : i32
    %dma_start3A_141 = tpu.memref_slice %arg6[%dma_start3A_127, %dma_start3A_139, %dma_start3A_140] : memref<8x128x64xf32, #tpu.memory_space<vmem>> -> memref<1x128x64xf32, #tpu.memory_space<vmem>>
    %dma_start3A_142 = tpu.memref_squeeze %dma_start3A_141 : memref<1x128x64xf32, #tpu.memory_space<vmem>> -> memref<128x64xf32, #tpu.memory_space<vmem>>
    tpu.enqueue_dma source(%dma_start3A_142 : memref<128x64xf32, #tpu.memory_space<vmem>>) target(%dma_start3A_138 : memref<128x64xf32, #tpu.memory_space<hbm>>) target_semaphore(%arg11 : memref<!tpu.dma_semaphore, #tpu.memory_space<semaphore_mem>>)
    %dma_start3A_143 = arith.constant 1 : i32
    %dma_start3A_144 = arith.constant 0 : i32
    %dma_start3A_145 = arith.constant 0 : i32
    %dma_start3A_146 = arith.constant 0 : i32
    %dma_start3A_147 = tpu.memref_slice %arg6[%dma_start3A_143, %dma_start3A_145, %dma_start3A_146] : memref<8x128x64xf32, #tpu.memory_space<vmem>> -> memref<1x128x64xf32, #tpu.memory_space<vmem>>
    %dma_start3A_148 = tpu.memref_squeeze %dma_start3A_147 : memref<1x128x64xf32, #tpu.memory_space<vmem>> -> memref<128x64xf32, #tpu.memory_space<vmem>>
    %dma_start3A_149 = arith.constant 64 : i32
    %dma_start3A_150 = tpu.memref_slice %arg4[%dma_start3A_144, %mul3A_2, %dma_start3A_149] : memref<100x4096x128xf32, #tpu.memory_space<hbm>> -> memref<1x128x64xf32, #tpu.memory_space<hbm>>
    %dma_start3A_151 = tpu.memref_squeeze %dma_start3A_150 : memref<1x128x64xf32, #tpu.memory_space<hbm>> -> memref<128x64xf32, #tpu.memory_space<hbm>>
    %dma_start3A_152 = arith.constant 64 : i32
    %dma_start3A_153 = tpu.memref_slice %arg4[%dma_start3A_144, %mul3A_2, %dma_start3A_152] : memref<100x4096x128xf32, #tpu.memory_space<hbm>> -> memref<1x128x64xf32, #tpu.memory_space<hbm>>
    %dma_start3A_154 = tpu.memref_squeeze %dma_start3A_153 : memref<1x128x64xf32, #tpu.memory_space<hbm>> -> memref<128x64xf32, #tpu.memory_space<hbm>>
    %dma_start3A_155 = arith.constant 0 : i32
    %dma_start3A_156 = arith.constant 0 : i32
    %dma_start3A_157 = tpu.memref_slice %arg6[%dma_start3A_143, %dma_start3A_155, %dma_start3A_156] : memref<8x128x64xf32, #tpu.memory_space<vmem>> -> memref<1x128x64xf32, #tpu.memory_space<vmem>>
    %dma_start3A_158 = tpu.memref_squeeze %dma_start3A_157 : memref<1x128x64xf32, #tpu.memory_space<vmem>> -> memref<128x64xf32, #tpu.memory_space<vmem>>
    tpu.enqueue_dma source(%dma_start3A_158 : memref<128x64xf32, #tpu.memory_space<vmem>>) target(%dma_start3A_154 : memref<128x64xf32, #tpu.memory_space<hbm>>) target_semaphore(%arg11 : memref<!tpu.dma_semaphore, #tpu.memory_space<semaphore_mem>>)
    %dma_start3A_159 = arith.constant 2 : i32
    %dma_start3A_160 = arith.constant 1 : i32
    %dma_start3A_161 = arith.constant 0 : i32
    %dma_start3A_162 = arith.constant 0 : i32
    %dma_start3A_163 = tpu.memref_slice %arg6[%dma_start3A_159, %dma_start3A_161, %dma_start3A_162] : memref<8x128x64xf32, #tpu.memory_space<vmem>> -> memref<1x128x64xf32, #tpu.memory_space<vmem>>
    %dma_start3A_164 = tpu.memref_squeeze %dma_start3A_163 : memref<1x128x64xf32, #tpu.memory_space<vmem>> -> memref<128x64xf32, #tpu.memory_space<vmem>>
    %dma_start3A_165 = arith.constant 0 : i32
    %dma_start3A_166 = tpu.memref_slice %arg4[%dma_start3A_160, %mul3A_2, %dma_start3A_165] : memref<100x4096x128xf32, #tpu.memory_space<hbm>> -> memref<1x128x64xf32, #tpu.memory_space<hbm>>
    %dma_start3A_167 = tpu.memref_squeeze %dma_start3A_166 : memref<1x128x64xf32, #tpu.memory_space<hbm>> -> memref<128x64xf32, #tpu.memory_space<hbm>>
    %dma_start3A_168 = arith.constant 0 : i32
    %dma_start3A_169 = tpu.memref_slice %arg4[%dma_start3A_160, %mul3A_2, %dma_start3A_168] : memref<100x4096x128xf32, #tpu.memory_space<hbm>> -> memref<1x128x64xf32, #tpu.memory_space<hbm>>
    %dma_start3A_170 = tpu.memref_squeeze %dma_start3A_169 : memref<1x128x64xf32, #tpu.memory_space<hbm>> -> memref<128x64xf32, #tpu.memory_space<hbm>>
    %dma_start3A_171 = arith.constant 0 : i32
    %dma_start3A_172 = arith.constant 0 : i32
    %dma_start3A_173 = tpu.memref_slice %arg6[%dma_start3A_159, %dma_start3A_171, %dma_start3A_172] : memref<8x128x64xf32, #tpu.memory_space<vmem>> -> memref<1x128x64xf32, #tpu.memory_space<vmem>>
    %dma_start3A_174 = tpu.memref_squeeze %dma_start3A_173 : memref<1x128x64xf32, #tpu.memory_space<vmem>> -> memref<128x64xf32, #tpu.memory_space<vmem>>
    tpu.enqueue_dma source(%dma_start3A_174 : memref<128x64xf32, #tpu.memory_space<vmem>>) target(%dma_start3A_170 : memref<128x64xf32, #tpu.memory_space<hbm>>) target_semaphore(%arg11 : memref<!tpu.dma_semaphore, #tpu.memory_space<semaphore_mem>>)
    %dma_start3A_175 = arith.constant 3 : i32
    %dma_start3A_176 = arith.constant 1 : i32
    %dma_start3A_177 = arith.constant 0 : i32
    %dma_start3A_178 = arith.constant 0 : i32
    %dma_start3A_179 = tpu.memref_slice %arg6[%dma_start3A_175, %dma_start3A_177, %dma_start3A_178] : memref<8x128x64xf32, #tpu.memory_space<vmem>> -> memref<1x128x64xf32, #tpu.memory_space<vmem>>
    %dma_start3A_180 = tpu.memref_squeeze %dma_start3A_179 : memref<1x128x64xf32, #tpu.memory_space<vmem>> -> memref<128x64xf32, #tpu.memory_space<vmem>>
    %dma_start3A_181 = arith.constant 64 : i32
    %dma_start3A_182 = tpu.memref_slice %arg4[%dma_start3A_176, %mul3A_2, %dma_start3A_181] : memref<100x4096x128xf32, #tpu.memory_space<hbm>> -> memref<1x128x64xf32, #tpu.memory_space<hbm>>
    %dma_start3A_183 = tpu.memref_squeeze %dma_start3A_182 : memref<1x128x64xf32, #tpu.memory_space<hbm>> -> memref<128x64xf32, #tpu.memory_space<hbm>>
    %dma_start3A_184 = arith.constant 64 : i32
    %dma_start3A_185 = tpu.memref_slice %arg4[%dma_start3A_176, %mul3A_2, %dma_start3A_184] : memref<100x4096x128xf32, #tpu.memory_space<hbm>> -> memref<1x128x64xf32, #tpu.memory_space<hbm>>
    %dma_start3A_186 = tpu.memref_squeeze %dma_start3A_185 : memref<1x128x64xf32, #tpu.memory_space<hbm>> -> memref<128x64xf32, #tpu.memory_space<hbm>>
    %dma_start3A_187 = arith.constant 0 : i32
    %dma_start3A_188 = arith.constant 0 : i32
    %dma_start3A_189 = tpu.memref_slice %arg6[%dma_start3A_175, %dma_start3A_187, %dma_start3A_188] : memref<8x128x64xf32, #tpu.memory_space<vmem>> -> memref<1x128x64xf32, #tpu.memory_space<vmem>>
    %dma_start3A_190 = tpu.memref_squeeze %dma_start3A_189 : memref<1x128x64xf32, #tpu.memory_space<vmem>> -> memref<128x64xf32, #tpu.memory_space<vmem>>
    tpu.enqueue_dma source(%dma_start3A_190 : memref<128x64xf32, #tpu.memory_space<vmem>>) target(%dma_start3A_186 : memref<128x64xf32, #tpu.memory_space<hbm>>) target_semaphore(%arg11 : memref<!tpu.dma_semaphore, #tpu.memory_space<semaphore_mem>>)
    %dma_start3A_191 = arith.constant 0 : i32
    %dma_start3A_192 = arith.constant 0 : i32
    %dma_start3A_193 = tpu.memref_slice %arg5[%dma_start3A_191, %dma_start3A_192] : memref<8x128xi32, #tpu.memory_space<vmem>> -> memref<4x128xi32, #tpu.memory_space<vmem>>
    %dma_start3A_194 = arith.constant 8 : i32
    %dma_start3A_195 = tpu.memref_slice %arg3[%dma_start3A_194, %mul3A_2] : memref<200x4096xi32, #tpu.memory_space<hbm>> -> memref<4x128xi32, #tpu.memory_space<hbm>>
    %dma_start3A_196 = arith.constant 0 : i32
    %dma_start3A_197 = arith.constant 0 : i32
    %dma_start3A_198 = tpu.memref_slice %arg5[%dma_start3A_196, %dma_start3A_197] : memref<8x128xi32, #tpu.memory_space<vmem>> -> memref<4x128xi32, #tpu.memory_space<vmem>>
    %dma_start3A_199 = arith.constant 8 : i32
    %dma_start3A_200 = tpu.memref_slice %arg3[%dma_start3A_199, %mul3A_2] : memref<200x4096xi32, #tpu.memory_space<hbm>> -> memref<4x128xi32, #tpu.memory_space<hbm>>
    tpu.enqueue_dma source(%dma_start3A_200 : memref<4x128xi32, #tpu.memory_space<hbm>>) target(%dma_start3A_198 : memref<4x128xi32, #tpu.memory_space<vmem>>) target_semaphore(%arg7 : memref<!tpu.dma_semaphore, #tpu.memory_space<semaphore_mem>>)
    %dma_wait3A_201 = arith.constant 4 : i32
    %dma_wait3A_202 = arith.constant 0 : i32
    %dma_wait3A_203 = tpu.memref_slice %arg5[%dma_wait3A_201, %dma_wait3A_202] : memref<8x128xi32, #tpu.memory_space<vmem>> -> memref<4x128xi32, #tpu.memory_space<vmem>>
    %dma_wait3A_204 = arith.constant 4 : i32
    %dma_wait3A_205 = tpu.memref_slice %arg3[%dma_wait3A_204, %mul3A_2] : memref<200x4096xi32, #tpu.memory_space<hbm>> -> memref<4x128xi32, #tpu.memory_space<hbm>>
    %dma_wait3A_206 = arith.constant 4 : i32
    %dma_wait3A_207 = arith.constant 0 : i32
    %dma_wait3A_208 = tpu.memref_slice %arg5[%dma_wait3A_206, %dma_wait3A_207] : memref<8x128xi32, #tpu.memory_space<vmem>> -> memref<4x128xi32, #tpu.memory_space<vmem>>
    %dma_wait3A_209 = arith.constant 4 : i32
    %dma_wait3A_210 = tpu.memref_slice %arg3[%dma_wait3A_209, %mul3A_2] : memref<200x4096xi32, #tpu.memory_space<hbm>> -> memref<4x128xi32, #tpu.memory_space<hbm>>
    tpu.wait_dma2 semaphore(%arg8 : memref<!tpu.dma_semaphore, #tpu.memory_space<semaphore_mem>>) src(%dma_wait3A_210 : memref<4x128xi32, #tpu.memory_space<hbm>>) dst(%dma_wait3A_208 : memref<4x128xi32, #tpu.memory_space<vmem>>)
    %dma_start3A_211 = arith.constant 4 : i32
    %dma_start3A_212 = arith.constant 4 : i32
    %dma_start3A_213 = arith.constant 0 : i32
    %dma_start3A_214 = arith.constant 0 : i32
    %dma_start3A_215 = tpu.memref_slice %arg6[%dma_start3A_212, %dma_start3A_213, %dma_start3A_214] : memref<8x128x64xf32, #tpu.memory_space<vmem>> -> memref<1x128x64xf32, #tpu.memory_space<vmem>>
    %dma_start3A_216 = tpu.memref_squeeze %dma_start3A_215 : memref<1x128x64xf32, #tpu.memory_space<vmem>> -> memref<128x64xf32, #tpu.memory_space<vmem>>
    %dma_start3A_217 = arith.constant 0 : i32
    %dma_start3A_218 = tpu.memref_slice %arg5[%dma_start3A_211, %dma_start3A_217] : memref<8x128xi32, #tpu.memory_space<vmem>> -> memref<1x128xi32, #tpu.memory_space<vmem>>
    %dma_start3A_219 = tpu.memref_squeeze %dma_start3A_218 : memref<1x128xi32, #tpu.memory_space<vmem>> -> memref<128xi32, #tpu.memory_space<vmem>>
    %dma_start3A_220 = arith.constant 0 : i32
    %dma_start3A_221 = arith.constant 0 : i32
    %dma_start3A_222 = tpu.memref_slice %arg2[%dma_start3A_220, %dma_start3A_221] : memref<100000x64xf32, #tpu.memory_space<hbm>> -> memref<100000x64xf32, #tpu.memory_space<hbm>>
    tpu.enqueue_indirect_dma source(%dma_start3A_222 : memref<100000x64xf32, #tpu.memory_space<hbm>>) target(%dma_start3A_216 : memref<128x64xf32, #tpu.memory_space<vmem>>) offsets(%dma_start3A_219 : memref<128xi32, #tpu.memory_space<vmem>>) semaphore(%arg10 : memref<!tpu.dma_semaphore, #tpu.memory_space<semaphore_mem>>)
    %dma_start3A_223 = arith.constant 5 : i32
    %dma_start3A_224 = arith.constant 5 : i32
    %dma_start3A_225 = arith.constant 0 : i32
    %dma_start3A_226 = arith.constant 0 : i32
    %dma_start3A_227 = tpu.memref_slice %arg6[%dma_start3A_224, %dma_start3A_225, %dma_start3A_226] : memref<8x128x64xf32, #tpu.memory_space<vmem>> -> memref<1x128x64xf32, #tpu.memory_space<vmem>>
    %dma_start3A_228 = tpu.memref_squeeze %dma_start3A_227 : memref<1x128x64xf32, #tpu.memory_space<vmem>> -> memref<128x64xf32, #tpu.memory_space<vmem>>
    %dma_start3A_229 = arith.constant 0 : i32
    %dma_start3A_230 = tpu.memref_slice %arg5[%dma_start3A_223, %dma_start3A_229] : memref<8x128xi32, #tpu.memory_space<vmem>> -> memref<1x128xi32, #tpu.memory_space<vmem>>
    %dma_start3A_231 = tpu.memref_squeeze %dma_start3A_230 : memref<1x128xi32, #tpu.memory_space<vmem>> -> memref<128xi32, #tpu.memory_space<vmem>>
    %dma_start3A_232 = arith.constant 0 : i32
    %dma_start3A_233 = arith.constant 0 : i32
    %dma_start3A_234 = tpu.memref_slice %arg2[%dma_start3A_232, %dma_start3A_233] : memref<100000x64xf32, #tpu.memory_space<hbm>> -> memref<100000x64xf32, #tpu.memory_space<hbm>>
    tpu.enqueue_indirect_dma source(%dma_start3A_234 : memref<100000x64xf32, #tpu.memory_space<hbm>>) target(%dma_start3A_228 : memref<128x64xf32, #tpu.memory_space<vmem>>) offsets(%dma_start3A_231 : memref<128xi32, #tpu.memory_space<vmem>>) semaphore(%arg10 : memref<!tpu.dma_semaphore, #tpu.memory_space<semaphore_mem>>)
    %dma_start3A_235 = arith.constant 6 : i32
    %dma_start3A_236 = arith.constant 6 : i32
    %dma_start3A_237 = arith.constant 0 : i32
    %dma_start3A_238 = arith.constant 0 : i32
    %dma_start3A_239 = tpu.memref_slice %arg6[%dma_start3A_236, %dma_start3A_237, %dma_start3A_238] : memref<8x128x64xf32, #tpu.memory_space<vmem>> -> memref<1x128x64xf32, #tpu.memory_space<vmem>>
    %dma_start3A_240 = tpu.memref_squeeze %dma_start3A_239 : memref<1x128x64xf32, #tpu.memory_space<vmem>> -> memref<128x64xf32, #tpu.memory_space<vmem>>
    %dma_start3A_241 = arith.constant 0 : i32
    %dma_start3A_242 = tpu.memref_slice %arg5[%dma_start3A_235, %dma_start3A_241] : memref<8x128xi32, #tpu.memory_space<vmem>> -> memref<1x128xi32, #tpu.memory_space<vmem>>
    %dma_start3A_243 = tpu.memref_squeeze %dma_start3A_242 : memref<1x128xi32, #tpu.memory_space<vmem>> -> memref<128xi32, #tpu.memory_space<vmem>>
    %dma_start3A_244 = arith.constant 0 : i32
    %dma_start3A_245 = arith.constant 0 : i32
    %dma_start3A_246 = tpu.memref_slice %arg2[%dma_start3A_244, %dma_start3A_245] : memref<100000x64xf32, #tpu.memory_space<hbm>> -> memref<100000x64xf32, #tpu.memory_space<hbm>>
    tpu.enqueue_indirect_dma source(%dma_start3A_246 : memref<100000x64xf32, #tpu.memory_space<hbm>>) target(%dma_start3A_240 : memref<128x64xf32, #tpu.memory_space<vmem>>) offsets(%dma_start3A_243 : memref<128xi32, #tpu.memory_space<vmem>>) semaphore(%arg10 : memref<!tpu.dma_semaphore, #tpu.memory_space<semaphore_mem>>)
    %dma_start3A_247 = arith.constant 7 : i32
    %dma_start3A_248 = arith.constant 7 : i32
    %dma_start3A_249 = arith.constant 0 : i32
    %dma_start3A_250 = arith.constant 0 : i32
    %dma_start3A_251 = tpu.memref_slice %arg6[%dma_start3A_248, %dma_start3A_249, %dma_start3A_250] : memref<8x128x64xf32, #tpu.memory_space<vmem>> -> memref<1x128x64xf32, #tpu.memory_space<vmem>>
    %dma_start3A_252 = tpu.memref_squeeze %dma_start3A_251 : memref<1x128x64xf32, #tpu.memory_space<vmem>> -> memref<128x64xf32, #tpu.memory_space<vmem>>
    %dma_start3A_253 = arith.constant 0 : i32
    %dma_start3A_254 = tpu.memref_slice %arg5[%dma_start3A_247, %dma_start3A_253] : memref<8x128xi32, #tpu.memory_space<vmem>> -> memref<1x128xi32, #tpu.memory_space<vmem>>
    %dma_start3A_255 = tpu.memref_squeeze %dma_start3A_254 : memref<1x128xi32, #tpu.memory_space<vmem>> -> memref<128xi32, #tpu.memory_space<vmem>>
    %dma_start3A_256 = arith.constant 0 : i32
    %dma_start3A_257 = arith.constant 0 : i32
    %dma_start3A_258 = tpu.memref_slice %arg2[%dma_start3A_256, %dma_start3A_257] : memref<100000x64xf32, #tpu.memory_space<hbm>> -> memref<100000x64xf32, #tpu.memory_space<hbm>>
    tpu.enqueue_indirect_dma source(%dma_start3A_258 : memref<100000x64xf32, #tpu.memory_space<hbm>>) target(%dma_start3A_252 : memref<128x64xf32, #tpu.memory_space<vmem>>) offsets(%dma_start3A_255 : memref<128xi32, #tpu.memory_space<vmem>>) semaphore(%arg10 : memref<!tpu.dma_semaphore, #tpu.memory_space<semaphore_mem>>)
    %dma_wait3A_259 = arith.constant 4 : i32
    %dma_wait3A_260 = arith.constant 4 : i32
    %dma_wait3A_261 = arith.constant 0 : i32
    %dma_wait3A_262 = arith.constant 0 : i32
    %dma_wait3A_263 = tpu.memref_slice %arg6[%dma_wait3A_260, %dma_wait3A_261, %dma_wait3A_262] : memref<8x128x64xf32, #tpu.memory_space<vmem>> -> memref<1x128x64xf32, #tpu.memory_space<vmem>>
    %dma_wait3A_264 = tpu.memref_squeeze %dma_wait3A_263 : memref<1x128x64xf32, #tpu.memory_space<vmem>> -> memref<128x64xf32, #tpu.memory_space<vmem>>
    %dma_wait3A_265 = arith.constant 0 : i32
    %dma_wait3A_266 = tpu.memref_slice %arg5[%dma_wait3A_259, %dma_wait3A_265] : memref<8x128xi32, #tpu.memory_space<vmem>> -> memref<1x128xi32, #tpu.memory_space<vmem>>
    %dma_wait3A_267 = tpu.memref_squeeze %dma_wait3A_266 : memref<1x128xi32, #tpu.memory_space<vmem>> -> memref<128xi32, #tpu.memory_space<vmem>>
    %dma_wait3A_268 = arith.constant 0 : i32
    %dma_wait3A_269 = arith.constant 0 : i32
    %dma_wait3A_270 = tpu.memref_slice %arg2[%dma_wait3A_268, %dma_wait3A_269] : memref<100000x64xf32, #tpu.memory_space<hbm>> -> memref<100000x64xf32, #tpu.memory_space<hbm>>
    tpu.wait_indirect_dma semaphore(%arg10 : memref<!tpu.dma_semaphore, #tpu.memory_space<semaphore_mem>>) src(%dma_wait3A_270 : memref<100000x64xf32, #tpu.memory_space<hbm>>) dst(%dma_wait3A_264 : memref<128x64xf32, #tpu.memory_space<vmem>>)
    %dma_wait3A_271 = arith.constant 5 : i32
    %dma_wait3A_272 = arith.constant 5 : i32
    %dma_wait3A_273 = arith.constant 0 : i32
    %dma_wait3A_274 = arith.constant 0 : i32
    %dma_wait3A_275 = tpu.memref_slice %arg6[%dma_wait3A_272, %dma_wait3A_273, %dma_wait3A_274] : memref<8x128x64xf32, #tpu.memory_space<vmem>> -> memref<1x128x64xf32, #tpu.memory_space<vmem>>
    %dma_wait3A_276 = tpu.memref_squeeze %dma_wait3A_275 : memref<1x128x64xf32, #tpu.memory_space<vmem>> -> memref<128x64xf32, #tpu.memory_space<vmem>>
    %dma_wait3A_277 = arith.constant 0 : i32
    %dma_wait3A_278 = tpu.memref_slice %arg5[%dma_wait3A_271, %dma_wait3A_277] : memref<8x128xi32, #tpu.memory_space<vmem>> -> memref<1x128xi32, #tpu.memory_space<vmem>>
    %dma_wait3A_279 = tpu.memref_squeeze %dma_wait3A_278 : memref<1x128xi32, #tpu.memory_space<vmem>> -> memref<128xi32, #tpu.memory_space<vmem>>
    %dma_wait3A_280 = arith.constant 0 : i32
    %dma_wait3A_281 = arith.constant 0 : i32
    %dma_wait3A_282 = tpu.memref_slice %arg2[%dma_wait3A_280, %dma_wait3A_281] : memref<100000x64xf32, #tpu.memory_space<hbm>> -> memref<100000x64xf32, #tpu.memory_space<hbm>>
    tpu.wait_indirect_dma semaphore(%arg10 : memref<!tpu.dma_semaphore, #tpu.memory_space<semaphore_mem>>) src(%dma_wait3A_282 : memref<100000x64xf32, #tpu.memory_space<hbm>>) dst(%dma_wait3A_276 : memref<128x64xf32, #tpu.memory_space<vmem>>)
    %dma_wait3A_283 = arith.constant 6 : i32
    %dma_wait3A_284 = arith.constant 6 : i32
    %dma_wait3A_285 = arith.constant 0 : i32
    %dma_wait3A_286 = arith.constant 0 : i32
    %dma_wait3A_287 = tpu.memref_slice %arg6[%dma_wait3A_284, %dma_wait3A_285, %dma_wait3A_286] : memref<8x128x64xf32, #tpu.memory_space<vmem>> -> memref<1x128x64xf32, #tpu.memory_space<vmem>>
    %dma_wait3A_288 = tpu.memref_squeeze %dma_wait3A_287 : memref<1x128x64xf32, #tpu.memory_space<vmem>> -> memref<128x64xf32, #tpu.memory_space<vmem>>
    %dma_wait3A_289 = arith.constant 0 : i32
    %dma_wait3A_290 = tpu.memref_slice %arg5[%dma_wait3A_283, %dma_wait3A_289] : memref<8x128xi32, #tpu.memory_space<vmem>> -> memref<1x128xi32, #tpu.memory_space<vmem>>
    %dma_wait3A_291 = tpu.memref_squeeze %dma_wait3A_290 : memref<1x128xi32, #tpu.memory_space<vmem>> -> memref<128xi32, #tpu.memory_space<vmem>>
    %dma_wait3A_292 = arith.constant 0 : i32
    %dma_wait3A_293 = arith.constant 0 : i32
    %dma_wait3A_294 = tpu.memref_slice %arg2[%dma_wait3A_292, %dma_wait3A_293] : memref<100000x64xf32, #tpu.memory_space<hbm>> -> memref<100000x64xf32, #tpu.memory_space<hbm>>
    tpu.wait_indirect_dma semaphore(%arg10 : memref<!tpu.dma_semaphore, #tpu.memory_space<semaphore_mem>>) src(%dma_wait3A_294 : memref<100000x64xf32, #tpu.memory_space<hbm>>) dst(%dma_wait3A_288 : memref<128x64xf32, #tpu.memory_space<vmem>>)
    %dma_wait3A_295 = arith.constant 7 : i32
    %dma_wait3A_296 = arith.constant 7 : i32
    %dma_wait3A_297 = arith.constant 0 : i32
    %dma_wait3A_298 = arith.constant 0 : i32
    %dma_wait3A_299 = tpu.memref_slice %arg6[%dma_wait3A_296, %dma_wait3A_297, %dma_wait3A_298] : memref<8x128x64xf32, #tpu.memory_space<vmem>> -> memref<1x128x64xf32, #tpu.memory_space<vmem>>
    %dma_wait3A_300 = tpu.memref_squeeze %dma_wait3A_299 : memref<1x128x64xf32, #tpu.memory_space<vmem>> -> memref<128x64xf32, #tpu.memory_space<vmem>>
    %dma_wait3A_301 = arith.constant 0 : i32
    %dma_wait3A_302 = tpu.memref_slice %arg5[%dma_wait3A_295, %dma_wait3A_301] : memref<8x128xi32, #tpu.memory_space<vmem>> -> memref<1x128xi32, #tpu.memory_space<vmem>>
    %dma_wait3A_303 = tpu.memref_squeeze %dma_wait3A_302 : memref<1x128xi32, #tpu.memory_space<vmem>> -> memref<128xi32, #tpu.memory_space<vmem>>
    %dma_wait3A_304 = arith.constant 0 : i32
    %dma_wait3A_305 = arith.constant 0 : i32
    %dma_wait3A_306 = tpu.memref_slice %arg2[%dma_wait3A_304, %dma_wait3A_305] : memref<100000x64xf32, #tpu.memory_space<hbm>> -> memref<100000x64xf32, #tpu.memory_space<hbm>>
    tpu.wait_indirect_dma semaphore(%arg10 : memref<!tpu.dma_semaphore, #tpu.memory_space<semaphore_mem>>) src(%dma_wait3A_306 : memref<100000x64xf32, #tpu.memory_space<hbm>>) dst(%dma_wait3A_300 : memref<128x64xf32, #tpu.memory_space<vmem>>)
    %dma_start3A_307 = arith.constant 4 : i32
    %dma_start3A_308 = arith.constant 2 : i32
    %dma_start3A_309 = arith.constant 0 : i32
    %dma_start3A_310 = arith.constant 0 : i32
    %dma_start3A_311 = tpu.memref_slice %arg6[%dma_start3A_307, %dma_start3A_309, %dma_start3A_310] : memref<8x128x64xf32, #tpu.memory_space<vmem>> -> memref<1x128x64xf32, #tpu.memory_space<vmem>>
    %dma_start3A_312 = tpu.memref_squeeze %dma_start3A_311 : memref<1x128x64xf32, #tpu.memory_space<vmem>> -> memref<128x64xf32, #tpu.memory_space<vmem>>
    %dma_start3A_313 = arith.constant 0 : i32
    %dma_start3A_314 = tpu.memref_slice %arg4[%dma_start3A_308, %mul3A_2, %dma_start3A_313] : memref<100x4096x128xf32, #tpu.memory_space<hbm>> -> memref<1x128x64xf32, #tpu.memory_space<hbm>>
    %dma_start3A_315 = tpu.memref_squeeze %dma_start3A_314 : memref<1x128x64xf32, #tpu.memory_space<hbm>> -> memref<128x64xf32, #tpu.memory_space<hbm>>
    %dma_start3A_316 = arith.constant 0 : i32
    %dma_start3A_317 = tpu.memref_slice %arg4[%dma_start3A_308, %mul3A_2, %dma_start3A_316] : memref<100x4096x128xf32, #tpu.memory_space<hbm>> -> memref<1x128x64xf32, #tpu.memory_space<hbm>>
    %dma_start3A_318 = tpu.memref_squeeze %dma_start3A_317 : memref<1x128x64xf32, #tpu.memory_space<hbm>> -> memref<128x64xf32, #tpu.memory_space<hbm>>
    %dma_start3A_319 = arith.constant 0 : i32
    %dma_start3A_320 = arith.constant 0 : i32
    %dma_start3A_321 = tpu.memref_slice %arg6[%dma_start3A_307, %dma_start3A_319, %dma_start3A_320] : memref<8x128x64xf32, #tpu.memory_space<vmem>> -> memref<1x128x64xf32, #tpu.memory_space<vmem>>
    %dma_start3A_322 = tpu.memref_squeeze %dma_start3A_321 : memref<1x128x64xf32, #tpu.memory_space<vmem>> -> memref<128x64xf32, #tpu.memory_space<vmem>>
    tpu.enqueue_dma source(%dma_start3A_322 : memref<128x64xf32, #tpu.memory_space<vmem>>) target(%dma_start3A_318 : memref<128x64xf32, #tpu.memory_space<hbm>>) target_semaphore(%arg12 : memref<!tpu.dma_semaphore, #tpu.memory_space<semaphore_mem>>)
    %dma_start3A_323 = arith.constant 5 : i32
    %dma_start3A_324 = arith.constant 2 : i32
    %dma_start3A_325 = arith.constant 0 : i32
    %dma_start3A_326 = arith.constant 0 : i32
    %dma_start3A_327 = tpu.memref_slice %arg6[%dma_start3A_323, %dma_start3A_325, %dma_start3A_326] : memref<8x128x64xf32, #tpu.memory_space<vmem>> -> memref<1x128x64xf32, #tpu.memory_space<vmem>>
    %dma_start3A_328 = tpu.memref_squeeze %dma_start3A_327 : memref<1x128x64xf32, #tpu.memory_space<vmem>> -> memref<128x64xf32, #tpu.memory_space<vmem>>
    %dma_start3A_329 = arith.constant 64 : i32
    %dma_start3A_330 = tpu.memref_slice %arg4[%dma_start3A_324, %mul3A_2, %dma_start3A_329] : memref<100x4096x128xf32, #tpu.memory_space<hbm>> -> memref<1x128x64xf32, #tpu.memory_space<hbm>>
    %dma_start3A_331 = tpu.memref_squeeze %dma_start3A_330 : memref<1x128x64xf32, #tpu.memory_space<hbm>> -> memref<128x64xf32, #tpu.memory_space<hbm>>
    %dma_start3A_332 = arith.constant 64 : i32
    %dma_start3A_333 = tpu.memref_slice %arg4[%dma_start3A_324, %mul3A_2, %dma_start3A_332] : memref<100x4096x128xf32, #tpu.memory_space<hbm>> -> memref<1x128x64xf32, #tpu.memory_space<hbm>>
    %dma_start3A_334 = tpu.memref_squeeze %dma_start3A_333 : memref<1x128x64xf32, #tpu.memory_space<hbm>> -> memref<128x64xf32, #tpu.memory_space<hbm>>
    %dma_start3A_335 = arith.constant 0 : i32
    %dma_start3A_336 = arith.constant 0 : i32
    %dma_start3A_337 = tpu.memref_slice %arg6[%dma_start3A_323, %dma_start3A_335, %dma_start3A_336] : memref<8x128x64xf32, #tpu.memory_space<vmem>> -> memref<1x128x64xf32, #tpu.memory_space<vmem>>
    %dma_start3A_338 = tpu.memref_squeeze %dma_start3A_337 : memref<1x128x64xf32, #tpu.memory_space<vmem>> -> memref<128x64xf32, #tpu.memory_space<vmem>>
    tpu.enqueue_dma source(%dma_start3A_338 : memref<128x64xf32, #tpu.memory_space<vmem>>) target(%dma_start3A_334 : memref<128x64xf32, #tpu.memory_space<hbm>>) target_semaphore(%arg12 : memref<!tpu.dma_semaphore, #tpu.memory_space<semaphore_mem>>)
    %dma_start3A_339 = arith.constant 6 : i32
    %dma_start3A_340 = arith.constant 3 : i32
    %dma_start3A_341 = arith.constant 0 : i32
    %dma_start3A_342 = arith.constant 0 : i32
    %dma_start3A_343 = tpu.memref_slice %arg6[%dma_start3A_339, %dma_start3A_341, %dma_start3A_342] : memref<8x128x64xf32, #tpu.memory_space<vmem>> -> memref<1x128x64xf32, #tpu.memory_space<vmem>>
    %dma_start3A_344 = tpu.memref_squeeze %dma_start3A_343 : memref<1x128x64xf32, #tpu.memory_space<vmem>> -> memref<128x64xf32, #tpu.memory_space<vmem>>
    %dma_start3A_345 = arith.constant 0 : i32
    %dma_start3A_346 = tpu.memref_slice %arg4[%dma_start3A_340, %mul3A_2, %dma_start3A_345] : memref<100x4096x128xf32, #tpu.memory_space<hbm>> -> memref<1x128x64xf32, #tpu.memory_space<hbm>>
    %dma_start3A_347 = tpu.memref_squeeze %dma_start3A_346 : memref<1x128x64xf32, #tpu.memory_space<hbm>> -> memref<128x64xf32, #tpu.memory_space<hbm>>
    %dma_start3A_348 = arith.constant 0 : i32
    %dma_start3A_349 = tpu.memref_slice %arg4[%dma_start3A_340, %mul3A_2, %dma_start3A_348] : memref<100x4096x128xf32, #tpu.memory_space<hbm>> -> memref<1x128x64xf32, #tpu.memory_space<hbm>>
    %dma_start3A_350 = tpu.memref_squeeze %dma_start3A_349 : memref<1x128x64xf32, #tpu.memory_space<hbm>> -> memref<128x64xf32, #tpu.memory_space<hbm>>
    %dma_start3A_351 = arith.constant 0 : i32
    %dma_start3A_352 = arith.constant 0 : i32
    %dma_start3A_353 = tpu.memref_slice %arg6[%dma_start3A_339, %dma_start3A_351, %dma_start3A_352] : memref<8x128x64xf32, #tpu.memory_space<vmem>> -> memref<1x128x64xf32, #tpu.memory_space<vmem>>
    %dma_start3A_354 = tpu.memref_squeeze %dma_start3A_353 : memref<1x128x64xf32, #tpu.memory_space<vmem>> -> memref<128x64xf32, #tpu.memory_space<vmem>>
    tpu.enqueue_dma source(%dma_start3A_354 : memref<128x64xf32, #tpu.memory_space<vmem>>) target(%dma_start3A_350 : memref<128x64xf32, #tpu.memory_space<hbm>>) target_semaphore(%arg12 : memref<!tpu.dma_semaphore, #tpu.memory_space<semaphore_mem>>)
    %dma_start3A_355 = arith.constant 7 : i32
    %dma_start3A_356 = arith.constant 3 : i32
    %dma_start3A_357 = arith.constant 0 : i32
    %dma_start3A_358 = arith.constant 0 : i32
    %dma_start3A_359 = tpu.memref_slice %arg6[%dma_start3A_355, %dma_start3A_357, %dma_start3A_358] : memref<8x128x64xf32, #tpu.memory_space<vmem>> -> memref<1x128x64xf32, #tpu.memory_space<vmem>>
    %dma_start3A_360 = tpu.memref_squeeze %dma_start3A_359 : memref<1x128x64xf32, #tpu.memory_space<vmem>> -> memref<128x64xf32, #tpu.memory_space<vmem>>
    %dma_start3A_361 = arith.constant 64 : i32
    %dma_start3A_362 = tpu.memref_slice %arg4[%dma_start3A_356, %mul3A_2, %dma_start3A_361] : memref<100x4096x128xf32, #tpu.memory_space<hbm>> -> memref<1x128x64xf32, #tpu.memory_space<hbm>>
    %dma_start3A_363 = tpu.memref_squeeze %dma_start3A_362 : memref<1x128x64xf32, #tpu.memory_space<hbm>> -> memref<128x64xf32, #tpu.memory_space<hbm>>
    %dma_start3A_364 = arith.constant 64 : i32
    %dma_start3A_365 = tpu.memref_slice %arg4[%dma_start3A_356, %mul3A_2, %dma_start3A_364] : memref<100x4096x128xf32, #tpu.memory_space<hbm>> -> memref<1x128x64xf32, #tpu.memory_space<hbm>>
    %dma_start3A_366 = tpu.memref_squeeze %dma_start3A_365 : memref<1x128x64xf32, #tpu.memory_space<hbm>> -> memref<128x64xf32, #tpu.memory_space<hbm>>
    %dma_start3A_367 = arith.constant 0 : i32
    %dma_start3A_368 = arith.constant 0 : i32
    %dma_start3A_369 = tpu.memref_slice %arg6[%dma_start3A_355, %dma_start3A_367, %dma_start3A_368] : memref<8x128x64xf32, #tpu.memory_space<vmem>> -> memref<1x128x64xf32, #tpu.memory_space<vmem>>
    %dma_start3A_370 = tpu.memref_squeeze %dma_start3A_369 : memref<1x128x64xf32, #tpu.memory_space<vmem>> -> memref<128x64xf32, #tpu.memory_space<vmem>>
    tpu.enqueue_dma source(%dma_start3A_370 : memref<128x64xf32, #tpu.memory_space<vmem>>) target(%dma_start3A_366 : memref<128x64xf32, #tpu.memory_space<hbm>>) target_semaphore(%arg12 : memref<!tpu.dma_semaphore, #tpu.memory_space<semaphore_mem>>)
    %dma_start3A_371 = arith.constant 4 : i32
    %dma_start3A_372 = arith.constant 0 : i32
    %dma_start3A_373 = tpu.memref_slice %arg5[%dma_start3A_371, %dma_start3A_372] : memref<8x128xi32, #tpu.memory_space<vmem>> -> memref<4x128xi32, #tpu.memory_space<vmem>>
    %dma_start3A_374 = arith.constant 12 : i32
    %dma_start3A_375 = tpu.memref_slice %arg3[%dma_start3A_374, %mul3A_2] : memref<200x4096xi32, #tpu.memory_space<hbm>> -> memref<4x128xi32, #tpu.memory_space<hbm>>
    %dma_start3A_376 = arith.constant 4 : i32
    %dma_start3A_377 = arith.constant 0 : i32
    %dma_start3A_378 = tpu.memref_slice %arg5[%dma_start3A_376, %dma_start3A_377] : memref<8x128xi32, #tpu.memory_space<vmem>> -> memref<4x128xi32, #tpu.memory_space<vmem>>
    %dma_start3A_379 = arith.constant 12 : i32
    %dma_start3A_380 = tpu.memref_slice %arg3[%dma_start3A_379, %mul3A_2] : memref<200x4096xi32, #tpu.memory_space<hbm>> -> memref<4x128xi32, #tpu.memory_space<hbm>>
    tpu.enqueue_dma source(%dma_start3A_380 : memref<4x128xi32, #tpu.memory_space<hbm>>) target(%dma_start3A_378 : memref<4x128xi32, #tpu.memory_space<vmem>>) target_semaphore(%arg8 : memref<!tpu.dma_semaphore, #tpu.memory_space<semaphore_mem>>)
    %scan3A = arith.constant 0 : i32
    %scan3A_381 = arith.constant 23 : i32
    %scan3A_382 = arith.addi %scan3A, %scan3A_381 : i32
    %scan3A_383 = arith.constant 1 : i32
    scf.for %scan3A_981 = %scan3A to %scan3A_382 step %scan3A_383  : i32 {
      %mul3A_982 = arith.constant 1 : i32
      %mul3A_983 = arith.muli %scan3A_981, %mul3A_982 : i32
      %add3A_984 = arith.constant 0 : i32
      %add3A_985 = arith.addi %add3A_984, %mul3A_983 : i32
      %mul3A_986 = arith.constant 2 : i32
      %mul3A_987 = arith.muli %add3A_985, %mul3A_986 : i32
      %add3A_988 = arith.constant 2 : i32
      %add3A_989 = arith.addi %add3A_988, %mul3A_987 : i32
      %add3A_990 = arith.constant 0 : i32
      %add3A_991 = arith.addi %add3A_989, %add3A_990 : i32
      %mul3A_992 = arith.constant 4 : i32
      %mul3A_993 = arith.muli %add3A_991, %mul3A_992 : i32
      %dma_wait3A_994 = arith.constant 0 : i32
      %dma_wait3A_995 = arith.constant 0 : i32
      %dma_wait3A_996 = tpu.memref_slice %arg5[%dma_wait3A_994, %dma_wait3A_995] : memref<8x128xi32, #tpu.memory_space<vmem>> -> memref<4x128xi32, #tpu.memory_space<vmem>>
      %dma_wait3A_997 = tpu.memref_slice %arg3[%mul3A_993, %mul3A_2] : memref<200x4096xi32, #tpu.memory_space<hbm>> -> memref<4x128xi32, #tpu.memory_space<hbm>>
      %dma_wait3A_998 = arith.constant 0 : i32
      %dma_wait3A_999 = arith.constant 0 : i32
      %dma_wait3A_1000 = tpu.memref_slice %arg5[%dma_wait3A_998, %dma_wait3A_999] : memref<8x128xi32, #tpu.memory_space<vmem>> -> memref<4x128xi32, #tpu.memory_space<vmem>>
      %dma_wait3A_1001 = tpu.memref_slice %arg3[%mul3A_993, %mul3A_2] : memref<200x4096xi32, #tpu.memory_space<hbm>> -> memref<4x128xi32, #tpu.memory_space<hbm>>
      tpu.wait_dma2 semaphore(%arg7 : memref<!tpu.dma_semaphore, #tpu.memory_space<semaphore_mem>>) src(%dma_wait3A_1001 : memref<4x128xi32, #tpu.memory_space<hbm>>) dst(%dma_wait3A_1000 : memref<4x128xi32, #tpu.memory_space<vmem>>)
      %sub3A = arith.constant 2 : i32
      %sub3A_1002 = arith.subi %add3A_991, %sub3A : i32
      %mul3A_1003 = arith.constant 2 : i32
      %mul3A_1004 = arith.muli %sub3A_1002, %mul3A_1003 : i32
      %add3A_1005 = arith.constant 0 : i32
      %add3A_1006 = arith.addi %mul3A_1004, %add3A_1005 : i32
      %dma_wait3A_1007 = arith.constant 0 : i32
      %dma_wait3A_1008 = arith.constant 0 : i32
      %dma_wait3A_1009 = arith.constant 0 : i32
      %dma_wait3A_1010 = tpu.memref_slice %arg6[%dma_wait3A_1007, %dma_wait3A_1008, %dma_wait3A_1009] : memref<8x128x64xf32, #tpu.memory_space<vmem>> -> memref<1x128x64xf32, #tpu.memory_space<vmem>>
      %dma_wait3A_1011 = tpu.memref_squeeze %dma_wait3A_1010 : memref<1x128x64xf32, #tpu.memory_space<vmem>> -> memref<128x64xf32, #tpu.memory_space<vmem>>
      %dma_wait3A_1012 = arith.constant 0 : i32
      %dma_wait3A_1013 = tpu.memref_slice %arg4[%add3A_1006, %mul3A_2, %dma_wait3A_1012] : memref<100x4096x128xf32, #tpu.memory_space<hbm>> -> memref<1x128x64xf32, #tpu.memory_space<hbm>>
      %dma_wait3A_1014 = tpu.memref_squeeze %dma_wait3A_1013 : memref<1x128x64xf32, #tpu.memory_space<hbm>> -> memref<128x64xf32, #tpu.memory_space<hbm>>
      %dma_wait3A_1015 = arith.constant 0 : i32
      %dma_wait3A_1016 = tpu.memref_slice %arg4[%add3A_1006, %mul3A_2, %dma_wait3A_1015] : memref<100x4096x128xf32, #tpu.memory_space<hbm>> -> memref<1x128x64xf32, #tpu.memory_space<hbm>>
      %dma_wait3A_1017 = tpu.memref_squeeze %dma_wait3A_1016 : memref<1x128x64xf32, #tpu.memory_space<hbm>> -> memref<128x64xf32, #tpu.memory_space<hbm>>
      %dma_wait3A_1018 = arith.constant 0 : i32
      %dma_wait3A_1019 = arith.constant 0 : i32
      %dma_wait3A_1020 = tpu.memref_slice %arg6[%dma_wait3A_1007, %dma_wait3A_1018, %dma_wait3A_1019] : memref<8x128x64xf32, #tpu.memory_space<vmem>> -> memref<1x128x64xf32, #tpu.memory_space<vmem>>
      %dma_wait3A_1021 = tpu.memref_squeeze %dma_wait3A_1020 : memref<1x128x64xf32, #tpu.memory_space<vmem>> -> memref<128x64xf32, #tpu.memory_space<vmem>>
      tpu.wait_dma2 semaphore(%arg11 : memref<!tpu.dma_semaphore, #tpu.memory_space<semaphore_mem>>) src(%dma_wait3A_1021 : memref<128x64xf32, #tpu.memory_space<vmem>>) dst(%dma_wait3A_1017 : memref<128x64xf32, #tpu.memory_space<hbm>>)
      %mul3A_1022 = arith.constant 2 : i32
      %mul3A_1023 = arith.muli %sub3A_1002, %mul3A_1022 : i32
      %add3A_1024 = arith.constant 0 : i32
      %add3A_1025 = arith.addi %mul3A_1023, %add3A_1024 : i32
      %dma_wait3A_1026 = arith.constant 1 : i32
      %dma_wait3A_1027 = arith.constant 0 : i32
      %dma_wait3A_1028 = arith.constant 0 : i32
      %dma_wait3A_1029 = tpu.memref_slice %arg6[%dma_wait3A_1026, %dma_wait3A_1027, %dma_wait3A_1028] : memref<8x128x64xf32, #tpu.memory_space<vmem>> -> memref<1x128x64xf32, #tpu.memory_space<vmem>>
      %dma_wait3A_1030 = tpu.memref_squeeze %dma_wait3A_1029 : memref<1x128x64xf32, #tpu.memory_space<vmem>> -> memref<128x64xf32, #tpu.memory_space<vmem>>
      %dma_wait3A_1031 = arith.constant 64 : i32
      %dma_wait3A_1032 = tpu.memref_slice %arg4[%add3A_1025, %mul3A_2, %dma_wait3A_1031] : memref<100x4096x128xf32, #tpu.memory_space<hbm>> -> memref<1x128x64xf32, #tpu.memory_space<hbm>>
      %dma_wait3A_1033 = tpu.memref_squeeze %dma_wait3A_1032 : memref<1x128x64xf32, #tpu.memory_space<hbm>> -> memref<128x64xf32, #tpu.memory_space<hbm>>
      %dma_wait3A_1034 = arith.constant 64 : i32
      %dma_wait3A_1035 = tpu.memref_slice %arg4[%add3A_1025, %mul3A_2, %dma_wait3A_1034] : memref<100x4096x128xf32, #tpu.memory_space<hbm>> -> memref<1x128x64xf32, #tpu.memory_space<hbm>>
      %dma_wait3A_1036 = tpu.memref_squeeze %dma_wait3A_1035 : memref<1x128x64xf32, #tpu.memory_space<hbm>> -> memref<128x64xf32, #tpu.memory_space<hbm>>
      %dma_wait3A_1037 = arith.constant 0 : i32
      %dma_wait3A_1038 = arith.constant 0 : i32
      %dma_wait3A_1039 = tpu.memref_slice %arg6[%dma_wait3A_1026, %dma_wait3A_1037, %dma_wait3A_1038] : memref<8x128x64xf32, #tpu.memory_space<vmem>> -> memref<1x128x64xf32, #tpu.memory_space<vmem>>
      %dma_wait3A_1040 = tpu.memref_squeeze %dma_wait3A_1039 : memref<1x128x64xf32, #tpu.memory_space<vmem>> -> memref<128x64xf32, #tpu.memory_space<vmem>>
      tpu.wait_dma2 semaphore(%arg11 : memref<!tpu.dma_semaphore, #tpu.memory_space<semaphore_mem>>) src(%dma_wait3A_1040 : memref<128x64xf32, #tpu.memory_space<vmem>>) dst(%dma_wait3A_1036 : memref<128x64xf32, #tpu.memory_space<hbm>>)
      %mul3A_1041 = arith.constant 2 : i32
      %mul3A_1042 = arith.muli %sub3A_1002, %mul3A_1041 : i32
      %add3A_1043 = arith.constant 1 : i32
      %add3A_1044 = arith.addi %mul3A_1042, %add3A_1043 : i32
      %dma_wait3A_1045 = arith.constant 2 : i32
      %dma_wait3A_1046 = arith.constant 0 : i32
      %dma_wait3A_1047 = arith.constant 0 : i32
      %dma_wait3A_1048 = tpu.memref_slice %arg6[%dma_wait3A_1045, %dma_wait3A_1046, %dma_wait3A_1047] : memref<8x128x64xf32, #tpu.memory_space<vmem>> -> memref<1x128x64xf32, #tpu.memory_space<vmem>>
      %dma_wait3A_1049 = tpu.memref_squeeze %dma_wait3A_1048 : memref<1x128x64xf32, #tpu.memory_space<vmem>> -> memref<128x64xf32, #tpu.memory_space<vmem>>
      %dma_wait3A_1050 = arith.constant 0 : i32
      %dma_wait3A_1051 = tpu.memref_slice %arg4[%add3A_1044, %mul3A_2, %dma_wait3A_1050] : memref<100x4096x128xf32, #tpu.memory_space<hbm>> -> memref<1x128x64xf32, #tpu.memory_space<hbm>>
      %dma_wait3A_1052 = tpu.memref_squeeze %dma_wait3A_1051 : memref<1x128x64xf32, #tpu.memory_space<hbm>> -> memref<128x64xf32, #tpu.memory_space<hbm>>
      %dma_wait3A_1053 = arith.constant 0 : i32
      %dma_wait3A_1054 = tpu.memref_slice %arg4[%add3A_1044, %mul3A_2, %dma_wait3A_1053] : memref<100x4096x128xf32, #tpu.memory_space<hbm>> -> memref<1x128x64xf32, #tpu.memory_space<hbm>>
      %dma_wait3A_1055 = tpu.memref_squeeze %dma_wait3A_1054 : memref<1x128x64xf32, #tpu.memory_space<hbm>> -> memref<128x64xf32, #tpu.memory_space<hbm>>
      %dma_wait3A_1056 = arith.constant 0 : i32
      %dma_wait3A_1057 = arith.constant 0 : i32
      %dma_wait3A_1058 = tpu.memref_slice %arg6[%dma_wait3A_1045, %dma_wait3A_1056, %dma_wait3A_1057] : memref<8x128x64xf32, #tpu.memory_space<vmem>> -> memref<1x128x64xf32, #tpu.memory_space<vmem>>
      %dma_wait3A_1059 = tpu.memref_squeeze %dma_wait3A_1058 : memref<1x128x64xf32, #tpu.memory_space<vmem>> -> memref<128x64xf32, #tpu.memory_space<vmem>>
      tpu.wait_dma2 semaphore(%arg11 : memref<!tpu.dma_semaphore, #tpu.memory_space<semaphore_mem>>) src(%dma_wait3A_1059 : memref<128x64xf32, #tpu.memory_space<vmem>>) dst(%dma_wait3A_1055 : memref<128x64xf32, #tpu.memory_space<hbm>>)
      %mul3A_1060 = arith.constant 2 : i32
      %mul3A_1061 = arith.muli %sub3A_1002, %mul3A_1060 : i32
      %add3A_1062 = arith.constant 1 : i32
      %add3A_1063 = arith.addi %mul3A_1061, %add3A_1062 : i32
      %dma_wait3A_1064 = arith.constant 3 : i32
      %dma_wait3A_1065 = arith.constant 0 : i32
      %dma_wait3A_1066 = arith.constant 0 : i32
      %dma_wait3A_1067 = tpu.memref_slice %arg6[%dma_wait3A_1064, %dma_wait3A_1065, %dma_wait3A_1066] : memref<8x128x64xf32, #tpu.memory_space<vmem>> -> memref<1x128x64xf32, #tpu.memory_space<vmem>>
      %dma_wait3A_1068 = tpu.memref_squeeze %dma_wait3A_1067 : memref<1x128x64xf32, #tpu.memory_space<vmem>> -> memref<128x64xf32, #tpu.memory_space<vmem>>
      %dma_wait3A_1069 = arith.constant 64 : i32
      %dma_wait3A_1070 = tpu.memref_slice %arg4[%add3A_1063, %mul3A_2, %dma_wait3A_1069] : memref<100x4096x128xf32, #tpu.memory_space<hbm>> -> memref<1x128x64xf32, #tpu.memory_space<hbm>>
      %dma_wait3A_1071 = tpu.memref_squeeze %dma_wait3A_1070 : memref<1x128x64xf32, #tpu.memory_space<hbm>> -> memref<128x64xf32, #tpu.memory_space<hbm>>
      %dma_wait3A_1072 = arith.constant 64 : i32
      %dma_wait3A_1073 = tpu.memref_slice %arg4[%add3A_1063, %mul3A_2, %dma_wait3A_1072] : memref<100x4096x128xf32, #tpu.memory_space<hbm>> -> memref<1x128x64xf32, #tpu.memory_space<hbm>>
      %dma_wait3A_1074 = tpu.memref_squeeze %dma_wait3A_1073 : memref<1x128x64xf32, #tpu.memory_space<hbm>> -> memref<128x64xf32, #tpu.memory_space<hbm>>
      %dma_wait3A_1075 = arith.constant 0 : i32
      %dma_wait3A_1076 = arith.constant 0 : i32
      %dma_wait3A_1077 = tpu.memref_slice %arg6[%dma_wait3A_1064, %dma_wait3A_1075, %dma_wait3A_1076] : memref<8x128x64xf32, #tpu.memory_space<vmem>> -> memref<1x128x64xf32, #tpu.memory_space<vmem>>
      %dma_wait3A_1078 = tpu.memref_squeeze %dma_wait3A_1077 : memref<1x128x64xf32, #tpu.memory_space<vmem>> -> memref<128x64xf32, #tpu.memory_space<vmem>>
      tpu.wait_dma2 semaphore(%arg11 : memref<!tpu.dma_semaphore, #tpu.memory_space<semaphore_mem>>) src(%dma_wait3A_1078 : memref<128x64xf32, #tpu.memory_space<vmem>>) dst(%dma_wait3A_1074 : memref<128x64xf32, #tpu.memory_space<hbm>>)
      %dma_start3A_1079 = arith.constant 0 : i32
      %dma_start3A_1080 = arith.constant 0 : i32
      %dma_start3A_1081 = arith.constant 0 : i32
      %dma_start3A_1082 = arith.constant 0 : i32
      %dma_start3A_1083 = tpu.memref_slice %arg6[%dma_start3A_1080, %dma_start3A_1081, %dma_start3A_1082] : memref<8x128x64xf32, #tpu.memory_space<vmem>> -> memref<1x128x64xf32, #tpu.memory_space<vmem>>
      %dma_start3A_1084 = tpu.memref_squeeze %dma_start3A_1083 : memref<1x128x64xf32, #tpu.memory_space<vmem>> -> memref<128x64xf32, #tpu.memory_space<vmem>>
      %dma_start3A_1085 = arith.constant 0 : i32
      %dma_start3A_1086 = tpu.memref_slice %arg5[%dma_start3A_1079, %dma_start3A_1085] : memref<8x128xi32, #tpu.memory_space<vmem>> -> memref<1x128xi32, #tpu.memory_space<vmem>>
      %dma_start3A_1087 = tpu.memref_squeeze %dma_start3A_1086 : memref<1x128xi32, #tpu.memory_space<vmem>> -> memref<128xi32, #tpu.memory_space<vmem>>
      %dma_start3A_1088 = arith.constant 0 : i32
      %dma_start3A_1089 = arith.constant 0 : i32
      %dma_start3A_1090 = tpu.memref_slice %arg2[%dma_start3A_1088, %dma_start3A_1089] : memref<100000x64xf32, #tpu.memory_space<hbm>> -> memref<100000x64xf32, #tpu.memory_space<hbm>>
      tpu.enqueue_indirect_dma source(%dma_start3A_1090 : memref<100000x64xf32, #tpu.memory_space<hbm>>) target(%dma_start3A_1084 : memref<128x64xf32, #tpu.memory_space<vmem>>) offsets(%dma_start3A_1087 : memref<128xi32, #tpu.memory_space<vmem>>) semaphore(%arg9 : memref<!tpu.dma_semaphore, #tpu.memory_space<semaphore_mem>>)
      %dma_start3A_1091 = arith.constant 1 : i32
      %dma_start3A_1092 = arith.constant 1 : i32
      %dma_start3A_1093 = arith.constant 0 : i32
      %dma_start3A_1094 = arith.constant 0 : i32
      %dma_start3A_1095 = tpu.memref_slice %arg6[%dma_start3A_1092, %dma_start3A_1093, %dma_start3A_1094] : memref<8x128x64xf32, #tpu.memory_space<vmem>> -> memref<1x128x64xf32, #tpu.memory_space<vmem>>
      %dma_start3A_1096 = tpu.memref_squeeze %dma_start3A_1095 : memref<1x128x64xf32, #tpu.memory_space<vmem>> -> memref<128x64xf32, #tpu.memory_space<vmem>>
      %dma_start3A_1097 = arith.constant 0 : i32
      %dma_start3A_1098 = tpu.memref_slice %arg5[%dma_start3A_1091, %dma_start3A_1097] : memref<8x128xi32, #tpu.memory_space<vmem>> -> memref<1x128xi32, #tpu.memory_space<vmem>>
      %dma_start3A_1099 = tpu.memref_squeeze %dma_start3A_1098 : memref<1x128xi32, #tpu.memory_space<vmem>> -> memref<128xi32, #tpu.memory_space<vmem>>
      %dma_start3A_1100 = arith.constant 0 : i32
      %dma_start3A_1101 = arith.constant 0 : i32
      %dma_start3A_1102 = tpu.memref_slice %arg2[%dma_start3A_1100, %dma_start3A_1101] : memref<100000x64xf32, #tpu.memory_space<hbm>> -> memref<100000x64xf32, #tpu.memory_space<hbm>>
      tpu.enqueue_indirect_dma source(%dma_start3A_1102 : memref<100000x64xf32, #tpu.memory_space<hbm>>) target(%dma_start3A_1096 : memref<128x64xf32, #tpu.memory_space<vmem>>) offsets(%dma_start3A_1099 : memref<128xi32, #tpu.memory_space<vmem>>) semaphore(%arg9 : memref<!tpu.dma_semaphore, #tpu.memory_space<semaphore_mem>>)
      %dma_start3A_1103 = arith.constant 2 : i32
      %dma_start3A_1104 = arith.constant 2 : i32
      %dma_start3A_1105 = arith.constant 0 : i32
      %dma_start3A_1106 = arith.constant 0 : i32
      %dma_start3A_1107 = tpu.memref_slice %arg6[%dma_start3A_1104, %dma_start3A_1105, %dma_start3A_1106] : memref<8x128x64xf32, #tpu.memory_space<vmem>> -> memref<1x128x64xf32, #tpu.memory_space<vmem>>
      %dma_start3A_1108 = tpu.memref_squeeze %dma_start3A_1107 : memref<1x128x64xf32, #tpu.memory_space<vmem>> -> memref<128x64xf32, #tpu.memory_space<vmem>>
      %dma_start3A_1109 = arith.constant 0 : i32
      %dma_start3A_1110 = tpu.memref_slice %arg5[%dma_start3A_1103, %dma_start3A_1109] : memref<8x128xi32, #tpu.memory_space<vmem>> -> memref<1x128xi32, #tpu.memory_space<vmem>>
      %dma_start3A_1111 = tpu.memref_squeeze %dma_start3A_1110 : memref<1x128xi32, #tpu.memory_space<vmem>> -> memref<128xi32, #tpu.memory_space<vmem>>
      %dma_start3A_1112 = arith.constant 0 : i32
      %dma_start3A_1113 = arith.constant 0 : i32
      %dma_start3A_1114 = tpu.memref_slice %arg2[%dma_start3A_1112, %dma_start3A_1113] : memref<100000x64xf32, #tpu.memory_space<hbm>> -> memref<100000x64xf32, #tpu.memory_space<hbm>>
      tpu.enqueue_indirect_dma source(%dma_start3A_1114 : memref<100000x64xf32, #tpu.memory_space<hbm>>) target(%dma_start3A_1108 : memref<128x64xf32, #tpu.memory_space<vmem>>) offsets(%dma_start3A_1111 : memref<128xi32, #tpu.memory_space<vmem>>) semaphore(%arg9 : memref<!tpu.dma_semaphore, #tpu.memory_space<semaphore_mem>>)
      %dma_start3A_1115 = arith.constant 3 : i32
      %dma_start3A_1116 = arith.constant 3 : i32
      %dma_start3A_1117 = arith.constant 0 : i32
      %dma_start3A_1118 = arith.constant 0 : i32
      %dma_start3A_1119 = tpu.memref_slice %arg6[%dma_start3A_1116, %dma_start3A_1117, %dma_start3A_1118] : memref<8x128x64xf32, #tpu.memory_space<vmem>> -> memref<1x128x64xf32, #tpu.memory_space<vmem>>
      %dma_start3A_1120 = tpu.memref_squeeze %dma_start3A_1119 : memref<1x128x64xf32, #tpu.memory_space<vmem>> -> memref<128x64xf32, #tpu.memory_space<vmem>>
      %dma_start3A_1121 = arith.constant 0 : i32
      %dma_start3A_1122 = tpu.memref_slice %arg5[%dma_start3A_1115, %dma_start3A_1121] : memref<8x128xi32, #tpu.memory_space<vmem>> -> memref<1x128xi32, #tpu.memory_space<vmem>>
      %dma_start3A_1123 = tpu.memref_squeeze %dma_start3A_1122 : memref<1x128xi32, #tpu.memory_space<vmem>> -> memref<128xi32, #tpu.memory_space<vmem>>
      %dma_start3A_1124 = arith.constant 0 : i32
      %dma_start3A_1125 = arith.constant 0 : i32
      %dma_start3A_1126 = tpu.memref_slice %arg2[%dma_start3A_1124, %dma_start3A_1125] : memref<100000x64xf32, #tpu.memory_space<hbm>> -> memref<100000x64xf32, #tpu.memory_space<hbm>>
      tpu.enqueue_indirect_dma source(%dma_start3A_1126 : memref<100000x64xf32, #tpu.memory_space<hbm>>) target(%dma_start3A_1120 : memref<128x64xf32, #tpu.memory_space<vmem>>) offsets(%dma_start3A_1123 : memref<128xi32, #tpu.memory_space<vmem>>) semaphore(%arg9 : memref<!tpu.dma_semaphore, #tpu.memory_space<semaphore_mem>>)
      %dma_wait3A_1127 = arith.constant 0 : i32
      %dma_wait3A_1128 = arith.constant 0 : i32
      %dma_wait3A_1129 = arith.constant 0 : i32
      %dma_wait3A_1130 = arith.constant 0 : i32
      %dma_wait3A_1131 = tpu.memref_slice %arg6[%dma_wait3A_1128, %dma_wait3A_1129, %dma_wait3A_1130] : memref<8x128x64xf32, #tpu.memory_space<vmem>> -> memref<1x128x64xf32, #tpu.memory_space<vmem>>
      %dma_wait3A_1132 = tpu.memref_squeeze %dma_wait3A_1131 : memref<1x128x64xf32, #tpu.memory_space<vmem>> -> memref<128x64xf32, #tpu.memory_space<vmem>>
      %dma_wait3A_1133 = arith.constant 0 : i32
      %dma_wait3A_1134 = tpu.memref_slice %arg5[%dma_wait3A_1127, %dma_wait3A_1133] : memref<8x128xi32, #tpu.memory_space<vmem>> -> memref<1x128xi32, #tpu.memory_space<vmem>>
      %dma_wait3A_1135 = tpu.memref_squeeze %dma_wait3A_1134 : memref<1x128xi32, #tpu.memory_space<vmem>> -> memref<128xi32, #tpu.memory_space<vmem>>
      %dma_wait3A_1136 = arith.constant 0 : i32
      %dma_wait3A_1137 = arith.constant 0 : i32
      %dma_wait3A_1138 = tpu.memref_slice %arg2[%dma_wait3A_1136, %dma_wait3A_1137] : memref<100000x64xf32, #tpu.memory_space<hbm>> -> memref<100000x64xf32, #tpu.memory_space<hbm>>
      tpu.wait_indirect_dma semaphore(%arg9 : memref<!tpu.dma_semaphore, #tpu.memory_space<semaphore_mem>>) src(%dma_wait3A_1138 : memref<100000x64xf32, #tpu.memory_space<hbm>>) dst(%dma_wait3A_1132 : memref<128x64xf32, #tpu.memory_space<vmem>>)
      %dma_wait3A_1139 = arith.constant 1 : i32
      %dma_wait3A_1140 = arith.constant 1 : i32
      %dma_wait3A_1141 = arith.constant 0 : i32
      %dma_wait3A_1142 = arith.constant 0 : i32
      %dma_wait3A_1143 = tpu.memref_slice %arg6[%dma_wait3A_1140, %dma_wait3A_1141, %dma_wait3A_1142] : memref<8x128x64xf32, #tpu.memory_space<vmem>> -> memref<1x128x64xf32, #tpu.memory_space<vmem>>
      %dma_wait3A_1144 = tpu.memref_squeeze %dma_wait3A_1143 : memref<1x128x64xf32, #tpu.memory_space<vmem>> -> memref<128x64xf32, #tpu.memory_space<vmem>>
      %dma_wait3A_1145 = arith.constant 0 : i32
      %dma_wait3A_1146 = tpu.memref_slice %arg5[%dma_wait3A_1139, %dma_wait3A_1145] : memref<8x128xi32, #tpu.memory_space<vmem>> -> memref<1x128xi32, #tpu.memory_space<vmem>>
      %dma_wait3A_1147 = tpu.memref_squeeze %dma_wait3A_1146 : memref<1x128xi32, #tpu.memory_space<vmem>> -> memref<128xi32, #tpu.memory_space<vmem>>
      %dma_wait3A_1148 = arith.constant 0 : i32
      %dma_wait3A_1149 = arith.constant 0 : i32
      %dma_wait3A_1150 = tpu.memref_slice %arg2[%dma_wait3A_1148, %dma_wait3A_1149] : memref<100000x64xf32, #tpu.memory_space<hbm>> -> memref<100000x64xf32, #tpu.memory_space<hbm>>
      tpu.wait_indirect_dma semaphore(%arg9 : memref<!tpu.dma_semaphore, #tpu.memory_space<semaphore_mem>>) src(%dma_wait3A_1150 : memref<100000x64xf32, #tpu.memory_space<hbm>>) dst(%dma_wait3A_1144 : memref<128x64xf32, #tpu.memory_space<vmem>>)
      %dma_wait3A_1151 = arith.constant 2 : i32
      %dma_wait3A_1152 = arith.constant 2 : i32
      %dma_wait3A_1153 = arith.constant 0 : i32
      %dma_wait3A_1154 = arith.constant 0 : i32
      %dma_wait3A_1155 = tpu.memref_slice %arg6[%dma_wait3A_1152, %dma_wait3A_1153, %dma_wait3A_1154] : memref<8x128x64xf32, #tpu.memory_space<vmem>> -> memref<1x128x64xf32, #tpu.memory_space<vmem>>
      %dma_wait3A_1156 = tpu.memref_squeeze %dma_wait3A_1155 : memref<1x128x64xf32, #tpu.memory_space<vmem>> -> memref<128x64xf32, #tpu.memory_space<vmem>>
      %dma_wait3A_1157 = arith.constant 0 : i32
      %dma_wait3A_1158 = tpu.memref_slice %arg5[%dma_wait3A_1151, %dma_wait3A_1157] : memref<8x128xi32, #tpu.memory_space<vmem>> -> memref<1x128xi32, #tpu.memory_space<vmem>>
      %dma_wait3A_1159 = tpu.memref_squeeze %dma_wait3A_1158 : memref<1x128xi32, #tpu.memory_space<vmem>> -> memref<128xi32, #tpu.memory_space<vmem>>
      %dma_wait3A_1160 = arith.constant 0 : i32
      %dma_wait3A_1161 = arith.constant 0 : i32
      %dma_wait3A_1162 = tpu.memref_slice %arg2[%dma_wait3A_1160, %dma_wait3A_1161] : memref<100000x64xf32, #tpu.memory_space<hbm>> -> memref<100000x64xf32, #tpu.memory_space<hbm>>
      tpu.wait_indirect_dma semaphore(%arg9 : memref<!tpu.dma_semaphore, #tpu.memory_space<semaphore_mem>>) src(%dma_wait3A_1162 : memref<100000x64xf32, #tpu.memory_space<hbm>>) dst(%dma_wait3A_1156 : memref<128x64xf32, #tpu.memory_space<vmem>>)
      %dma_wait3A_1163 = arith.constant 3 : i32
      %dma_wait3A_1164 = arith.constant 3 : i32
      %dma_wait3A_1165 = arith.constant 0 : i32
      %dma_wait3A_1166 = arith.constant 0 : i32
      %dma_wait3A_1167 = tpu.memref_slice %arg6[%dma_wait3A_1164, %dma_wait3A_1165, %dma_wait3A_1166] : memref<8x128x64xf32, #tpu.memory_space<vmem>> -> memref<1x128x64xf32, #tpu.memory_space<vmem>>
      %dma_wait3A_1168 = tpu.memref_squeeze %dma_wait3A_1167 : memref<1x128x64xf32, #tpu.memory_space<vmem>> -> memref<128x64xf32, #tpu.memory_space<vmem>>
      %dma_wait3A_1169 = arith.constant 0 : i32
      %dma_wait3A_1170 = tpu.memref_slice %arg5[%dma_wait3A_1163, %dma_wait3A_1169] : memref<8x128xi32, #tpu.memory_space<vmem>> -> memref<1x128xi32, #tpu.memory_space<vmem>>
      %dma_wait3A_1171 = tpu.memref_squeeze %dma_wait3A_1170 : memref<1x128xi32, #tpu.memory_space<vmem>> -> memref<128xi32, #tpu.memory_space<vmem>>
      %dma_wait3A_1172 = arith.constant 0 : i32
      %dma_wait3A_1173 = arith.constant 0 : i32
      %dma_wait3A_1174 = tpu.memref_slice %arg2[%dma_wait3A_1172, %dma_wait3A_1173] : memref<100000x64xf32, #tpu.memory_space<hbm>> -> memref<100000x64xf32, #tpu.memory_space<hbm>>
      tpu.wait_indirect_dma semaphore(%arg9 : memref<!tpu.dma_semaphore, #tpu.memory_space<semaphore_mem>>) src(%dma_wait3A_1174 : memref<100000x64xf32, #tpu.memory_space<hbm>>) dst(%dma_wait3A_1168 : memref<128x64xf32, #tpu.memory_space<vmem>>)
      %mul3A_1175 = arith.constant 2 : i32
      %mul3A_1176 = arith.muli %add3A_991, %mul3A_1175 : i32
      %add3A_1177 = arith.constant 0 : i32
      %add3A_1178 = arith.addi %mul3A_1176, %add3A_1177 : i32
      %dma_start3A_1179 = arith.constant 0 : i32
      %dma_start3A_1180 = arith.constant 0 : i32
      %dma_start3A_1181 = arith.constant 0 : i32
      %dma_start3A_1182 = tpu.memref_slice %arg6[%dma_start3A_1179, %dma_start3A_1180, %dma_start3A_1181] : memref<8x128x64xf32, #tpu.memory_space<vmem>> -> memref<1x128x64xf32, #tpu.memory_space<vmem>>
      %dma_start3A_1183 = tpu.memref_squeeze %dma_start3A_1182 : memref<1x128x64xf32, #tpu.memory_space<vmem>> -> memref<128x64xf32, #tpu.memory_space<vmem>>
      %dma_start3A_1184 = arith.constant 0 : i32
      %dma_start3A_1185 = tpu.memref_slice %arg4[%add3A_1178, %mul3A_2, %dma_start3A_1184] : memref<100x4096x128xf32, #tpu.memory_space<hbm>> -> memref<1x128x64xf32, #tpu.memory_space<hbm>>
      %dma_start3A_1186 = tpu.memref_squeeze %dma_start3A_1185 : memref<1x128x64xf32, #tpu.memory_space<hbm>> -> memref<128x64xf32, #tpu.memory_space<hbm>>
      %dma_start3A_1187 = arith.constant 0 : i32
      %dma_start3A_1188 = tpu.memref_slice %arg4[%add3A_1178, %mul3A_2, %dma_start3A_1187] : memref<100x4096x128xf32, #tpu.memory_space<hbm>> -> memref<1x128x64xf32, #tpu.memory_space<hbm>>
      %dma_start3A_1189 = tpu.memref_squeeze %dma_start3A_1188 : memref<1x128x64xf32, #tpu.memory_space<hbm>> -> memref<128x64xf32, #tpu.memory_space<hbm>>
      %dma_start3A_1190 = arith.constant 0 : i32
      %dma_start3A_1191 = arith.constant 0 : i32
      %dma_start3A_1192 = tpu.memref_slice %arg6[%dma_start3A_1179, %dma_start3A_1190, %dma_start3A_1191] : memref<8x128x64xf32, #tpu.memory_space<vmem>> -> memref<1x128x64xf32, #tpu.memory_space<vmem>>
      %dma_start3A_1193 = tpu.memref_squeeze %dma_start3A_1192 : memref<1x128x64xf32, #tpu.memory_space<vmem>> -> memref<128x64xf32, #tpu.memory_space<vmem>>
      tpu.enqueue_dma source(%dma_start3A_1193 : memref<128x64xf32, #tpu.memory_space<vmem>>) target(%dma_start3A_1189 : memref<128x64xf32, #tpu.memory_space<hbm>>) target_semaphore(%arg11 : memref<!tpu.dma_semaphore, #tpu.memory_space<semaphore_mem>>)
      %mul3A_1194 = arith.constant 2 : i32
      %mul3A_1195 = arith.muli %add3A_991, %mul3A_1194 : i32
      %add3A_1196 = arith.constant 0 : i32
      %add3A_1197 = arith.addi %mul3A_1195, %add3A_1196 : i32
      %dma_start3A_1198 = arith.constant 1 : i32
      %dma_start3A_1199 = arith.constant 0 : i32
      %dma_start3A_1200 = arith.constant 0 : i32
      %dma_start3A_1201 = tpu.memref_slice %arg6[%dma_start3A_1198, %dma_start3A_1199, %dma_start3A_1200] : memref<8x128x64xf32, #tpu.memory_space<vmem>> -> memref<1x128x64xf32, #tpu.memory_space<vmem>>
      %dma_start3A_1202 = tpu.memref_squeeze %dma_start3A_1201 : memref<1x128x64xf32, #tpu.memory_space<vmem>> -> memref<128x64xf32, #tpu.memory_space<vmem>>
      %dma_start3A_1203 = arith.constant 64 : i32
      %dma_start3A_1204 = tpu.memref_slice %arg4[%add3A_1197, %mul3A_2, %dma_start3A_1203] : memref<100x4096x128xf32, #tpu.memory_space<hbm>> -> memref<1x128x64xf32, #tpu.memory_space<hbm>>
      %dma_start3A_1205 = tpu.memref_squeeze %dma_start3A_1204 : memref<1x128x64xf32, #tpu.memory_space<hbm>> -> memref<128x64xf32, #tpu.memory_space<hbm>>
      %dma_start3A_1206 = arith.constant 64 : i32
      %dma_start3A_1207 = tpu.memref_slice %arg4[%add3A_1197, %mul3A_2, %dma_start3A_1206] : memref<100x4096x128xf32, #tpu.memory_space<hbm>> -> memref<1x128x64xf32, #tpu.memory_space<hbm>>
      %dma_start3A_1208 = tpu.memref_squeeze %dma_start3A_1207 : memref<1x128x64xf32, #tpu.memory_space<hbm>> -> memref<128x64xf32, #tpu.memory_space<hbm>>
      %dma_start3A_1209 = arith.constant 0 : i32
      %dma_start3A_1210 = arith.constant 0 : i32
      %dma_start3A_1211 = tpu.memref_slice %arg6[%dma_start3A_1198, %dma_start3A_1209, %dma_start3A_1210] : memref<8x128x64xf32, #tpu.memory_space<vmem>> -> memref<1x128x64xf32, #tpu.memory_space<vmem>>
      %dma_start3A_1212 = tpu.memref_squeeze %dma_start3A_1211 : memref<1x128x64xf32, #tpu.memory_space<vmem>> -> memref<128x64xf32, #tpu.memory_space<vmem>>
      tpu.enqueue_dma source(%dma_start3A_1212 : memref<128x64xf32, #tpu.memory_space<vmem>>) target(%dma_start3A_1208 : memref<128x64xf32, #tpu.memory_space<hbm>>) target_semaphore(%arg11 : memref<!tpu.dma_semaphore, #tpu.memory_space<semaphore_mem>>)
      %mul3A_1213 = arith.constant 2 : i32
      %mul3A_1214 = arith.muli %add3A_991, %mul3A_1213 : i32
      %add3A_1215 = arith.constant 1 : i32
      %add3A_1216 = arith.addi %mul3A_1214, %add3A_1215 : i32
      %dma_start3A_1217 = arith.constant 2 : i32
      %dma_start3A_1218 = arith.constant 0 : i32
      %dma_start3A_1219 = arith.constant 0 : i32
      %dma_start3A_1220 = tpu.memref_slice %arg6[%dma_start3A_1217, %dma_start3A_1218, %dma_start3A_1219] : memref<8x128x64xf32, #tpu.memory_space<vmem>> -> memref<1x128x64xf32, #tpu.memory_space<vmem>>
      %dma_start3A_1221 = tpu.memref_squeeze %dma_start3A_1220 : memref<1x128x64xf32, #tpu.memory_space<vmem>> -> memref<128x64xf32, #tpu.memory_space<vmem>>
      %dma_start3A_1222 = arith.constant 0 : i32
      %dma_start3A_1223 = tpu.memref_slice %arg4[%add3A_1216, %mul3A_2, %dma_start3A_1222] : memref<100x4096x128xf32, #tpu.memory_space<hbm>> -> memref<1x128x64xf32, #tpu.memory_space<hbm>>
      %dma_start3A_1224 = tpu.memref_squeeze %dma_start3A_1223 : memref<1x128x64xf32, #tpu.memory_space<hbm>> -> memref<128x64xf32, #tpu.memory_space<hbm>>
      %dma_start3A_1225 = arith.constant 0 : i32
      %dma_start3A_1226 = tpu.memref_slice %arg4[%add3A_1216, %mul3A_2, %dma_start3A_1225] : memref<100x4096x128xf32, #tpu.memory_space<hbm>> -> memref<1x128x64xf32, #tpu.memory_space<hbm>>
      %dma_start3A_1227 = tpu.memref_squeeze %dma_start3A_1226 : memref<1x128x64xf32, #tpu.memory_space<hbm>> -> memref<128x64xf32, #tpu.memory_space<hbm>>
      %dma_start3A_1228 = arith.constant 0 : i32
      %dma_start3A_1229 = arith.constant 0 : i32
      %dma_start3A_1230 = tpu.memref_slice %arg6[%dma_start3A_1217, %dma_start3A_1228, %dma_start3A_1229] : memref<8x128x64xf32, #tpu.memory_space<vmem>> -> memref<1x128x64xf32, #tpu.memory_space<vmem>>
      %dma_start3A_1231 = tpu.memref_squeeze %dma_start3A_1230 : memref<1x128x64xf32, #tpu.memory_space<vmem>> -> memref<128x64xf32, #tpu.memory_space<vmem>>
      tpu.enqueue_dma source(%dma_start3A_1231 : memref<128x64xf32, #tpu.memory_space<vmem>>) target(%dma_start3A_1227 : memref<128x64xf32, #tpu.memory_space<hbm>>) target_semaphore(%arg11 : memref<!tpu.dma_semaphore, #tpu.memory_space<semaphore_mem>>)
      %mul3A_1232 = arith.constant 2 : i32
      %mul3A_1233 = arith.muli %add3A_991, %mul3A_1232 : i32
      %add3A_1234 = arith.constant 1 : i32
      %add3A_1235 = arith.addi %mul3A_1233, %add3A_1234 : i32
      %dma_start3A_1236 = arith.constant 3 : i32
      %dma_start3A_1237 = arith.constant 0 : i32
      %dma_start3A_1238 = arith.constant 0 : i32
      %dma_start3A_1239 = tpu.memref_slice %arg6[%dma_start3A_1236, %dma_start3A_1237, %dma_start3A_1238] : memref<8x128x64xf32, #tpu.memory_space<vmem>> -> memref<1x128x64xf32, #tpu.memory_space<vmem>>
      %dma_start3A_1240 = tpu.memref_squeeze %dma_start3A_1239 : memref<1x128x64xf32, #tpu.memory_space<vmem>> -> memref<128x64xf32, #tpu.memory_space<vmem>>
      %dma_start3A_1241 = arith.constant 64 : i32
      %dma_start3A_1242 = tpu.memref_slice %arg4[%add3A_1235, %mul3A_2, %dma_start3A_1241] : memref<100x4096x128xf32, #tpu.memory_space<hbm>> -> memref<1x128x64xf32, #tpu.memory_space<hbm>>
      %dma_start3A_1243 = tpu.memref_squeeze %dma_start3A_1242 : memref<1x128x64xf32, #tpu.memory_space<hbm>> -> memref<128x64xf32, #tpu.memory_space<hbm>>
      %dma_start3A_1244 = arith.constant 64 : i32
      %dma_start3A_1245 = tpu.memref_slice %arg4[%add3A_1235, %mul3A_2, %dma_start3A_1244] : memref<100x4096x128xf32, #tpu.memory_space<hbm>> -> memref<1x128x64xf32, #tpu.memory_space<hbm>>
      %dma_start3A_1246 = tpu.memref_squeeze %dma_start3A_1245 : memref<1x128x64xf32, #tpu.memory_space<hbm>> -> memref<128x64xf32, #tpu.memory_space<hbm>>
      %dma_start3A_1247 = arith.constant 0 : i32
      %dma_start3A_1248 = arith.constant 0 : i32
      %dma_start3A_1249 = tpu.memref_slice %arg6[%dma_start3A_1236, %dma_start3A_1247, %dma_start3A_1248] : memref<8x128x64xf32, #tpu.memory_space<vmem>> -> memref<1x128x64xf32, #tpu.memory_space<vmem>>
      %dma_start3A_1250 = tpu.memref_squeeze %dma_start3A_1249 : memref<1x128x64xf32, #tpu.memory_space<vmem>> -> memref<128x64xf32, #tpu.memory_space<vmem>>
      tpu.enqueue_dma source(%dma_start3A_1250 : memref<128x64xf32, #tpu.memory_space<vmem>>) target(%dma_start3A_1246 : memref<128x64xf32, #tpu.memory_space<hbm>>) target_semaphore(%arg11 : memref<!tpu.dma_semaphore, #tpu.memory_space<semaphore_mem>>)
      %add3A_1251 = arith.constant 2 : i32
      %add3A_1252 = arith.addi %add3A_991, %add3A_1251 : i32
      %mul3A_1253 = arith.constant 4 : i32
      %mul3A_1254 = arith.muli %add3A_1252, %mul3A_1253 : i32
      %dma_start3A_1255 = arith.constant 0 : i32
      %dma_start3A_1256 = arith.constant 0 : i32
      %dma_start3A_1257 = tpu.memref_slice %arg5[%dma_start3A_1255, %dma_start3A_1256] : memref<8x128xi32, #tpu.memory_space<vmem>> -> memref<4x128xi32, #tpu.memory_space<vmem>>
      %dma_start3A_1258 = tpu.memref_slice %arg3[%mul3A_1254, %mul3A_2] : memref<200x4096xi32, #tpu.memory_space<hbm>> -> memref<4x128xi32, #tpu.memory_space<hbm>>
      %dma_start3A_1259 = arith.constant 0 : i32
      %dma_start3A_1260 = arith.constant 0 : i32
      %dma_start3A_1261 = tpu.memref_slice %arg5[%dma_start3A_1259, %dma_start3A_1260] : memref<8x128xi32, #tpu.memory_space<vmem>> -> memref<4x128xi32, #tpu.memory_space<vmem>>
      %dma_start3A_1262 = tpu.memref_slice %arg3[%mul3A_1254, %mul3A_2] : memref<200x4096xi32, #tpu.memory_space<hbm>> -> memref<4x128xi32, #tpu.memory_space<hbm>>
      tpu.enqueue_dma source(%dma_start3A_1262 : memref<4x128xi32, #tpu.memory_space<hbm>>) target(%dma_start3A_1261 : memref<4x128xi32, #tpu.memory_space<vmem>>) target_semaphore(%arg7 : memref<!tpu.dma_semaphore, #tpu.memory_space<semaphore_mem>>)
      %mul3A_1263 = arith.constant 2 : i32
      %mul3A_1264 = arith.muli %add3A_985, %mul3A_1263 : i32
      %add3A_1265 = arith.constant 2 : i32
      %add3A_1266 = arith.addi %add3A_1265, %mul3A_1264 : i32
      %add3A_1267 = arith.constant 1 : i32
      %add3A_1268 = arith.addi %add3A_1266, %add3A_1267 : i32
      %mul3A_1269 = arith.constant 4 : i32
      %mul3A_1270 = arith.muli %add3A_1268, %mul3A_1269 : i32
      %dma_wait3A_1271 = arith.constant 4 : i32
      %dma_wait3A_1272 = arith.constant 0 : i32
      %dma_wait3A_1273 = tpu.memref_slice %arg5[%dma_wait3A_1271, %dma_wait3A_1272] : memref<8x128xi32, #tpu.memory_space<vmem>> -> memref<4x128xi32, #tpu.memory_space<vmem>>
      %dma_wait3A_1274 = tpu.memref_slice %arg3[%mul3A_1270, %mul3A_2] : memref<200x4096xi32, #tpu.memory_space<hbm>> -> memref<4x128xi32, #tpu.memory_space<hbm>>
      %dma_wait3A_1275 = arith.constant 4 : i32
      %dma_wait3A_1276 = arith.constant 0 : i32
      %dma_wait3A_1277 = tpu.memref_slice %arg5[%dma_wait3A_1275, %dma_wait3A_1276] : memref<8x128xi32, #tpu.memory_space<vmem>> -> memref<4x128xi32, #tpu.memory_space<vmem>>
      %dma_wait3A_1278 = tpu.memref_slice %arg3[%mul3A_1270, %mul3A_2] : memref<200x4096xi32, #tpu.memory_space<hbm>> -> memref<4x128xi32, #tpu.memory_space<hbm>>
      tpu.wait_dma2 semaphore(%arg8 : memref<!tpu.dma_semaphore, #tpu.memory_space<semaphore_mem>>) src(%dma_wait3A_1278 : memref<4x128xi32, #tpu.memory_space<hbm>>) dst(%dma_wait3A_1277 : memref<4x128xi32, #tpu.memory_space<vmem>>)
      %sub3A_1279 = arith.constant 2 : i32
      %sub3A_1280 = arith.subi %add3A_1268, %sub3A_1279 : i32
      %mul3A_1281 = arith.constant 2 : i32
      %mul3A_1282 = arith.muli %sub3A_1280, %mul3A_1281 : i32
      %add3A_1283 = arith.constant 0 : i32
      %add3A_1284 = arith.addi %mul3A_1282, %add3A_1283 : i32
      %dma_wait3A_1285 = arith.constant 4 : i32
      %dma_wait3A_1286 = arith.constant 0 : i32
      %dma_wait3A_1287 = arith.constant 0 : i32
      %dma_wait3A_1288 = tpu.memref_slice %arg6[%dma_wait3A_1285, %dma_wait3A_1286, %dma_wait3A_1287] : memref<8x128x64xf32, #tpu.memory_space<vmem>> -> memref<1x128x64xf32, #tpu.memory_space<vmem>>
      %dma_wait3A_1289 = tpu.memref_squeeze %dma_wait3A_1288 : memref<1x128x64xf32, #tpu.memory_space<vmem>> -> memref<128x64xf32, #tpu.memory_space<vmem>>
      %dma_wait3A_1290 = arith.constant 0 : i32
      %dma_wait3A_1291 = tpu.memref_slice %arg4[%add3A_1284, %mul3A_2, %dma_wait3A_1290] : memref<100x4096x128xf32, #tpu.memory_space<hbm>> -> memref<1x128x64xf32, #tpu.memory_space<hbm>>
      %dma_wait3A_1292 = tpu.memref_squeeze %dma_wait3A_1291 : memref<1x128x64xf32, #tpu.memory_space<hbm>> -> memref<128x64xf32, #tpu.memory_space<hbm>>
      %dma_wait3A_1293 = arith.constant 0 : i32
      %dma_wait3A_1294 = tpu.memref_slice %arg4[%add3A_1284, %mul3A_2, %dma_wait3A_1293] : memref<100x4096x128xf32, #tpu.memory_space<hbm>> -> memref<1x128x64xf32, #tpu.memory_space<hbm>>
      %dma_wait3A_1295 = tpu.memref_squeeze %dma_wait3A_1294 : memref<1x128x64xf32, #tpu.memory_space<hbm>> -> memref<128x64xf32, #tpu.memory_space<hbm>>
      %dma_wait3A_1296 = arith.constant 0 : i32
      %dma_wait3A_1297 = arith.constant 0 : i32
      %dma_wait3A_1298 = tpu.memref_slice %arg6[%dma_wait3A_1285, %dma_wait3A_1296, %dma_wait3A_1297] : memref<8x128x64xf32, #tpu.memory_space<vmem>> -> memref<1x128x64xf32, #tpu.memory_space<vmem>>
      %dma_wait3A_1299 = tpu.memref_squeeze %dma_wait3A_1298 : memref<1x128x64xf32, #tpu.memory_space<vmem>> -> memref<128x64xf32, #tpu.memory_space<vmem>>
      tpu.wait_dma2 semaphore(%arg12 : memref<!tpu.dma_semaphore, #tpu.memory_space<semaphore_mem>>) src(%dma_wait3A_1299 : memref<128x64xf32, #tpu.memory_space<vmem>>) dst(%dma_wait3A_1295 : memref<128x64xf32, #tpu.memory_space<hbm>>)
      %mul3A_1300 = arith.constant 2 : i32
      %mul3A_1301 = arith.muli %sub3A_1280, %mul3A_1300 : i32
      %add3A_1302 = arith.constant 0 : i32
      %add3A_1303 = arith.addi %mul3A_1301, %add3A_1302 : i32
      %dma_wait3A_1304 = arith.constant 5 : i32
      %dma_wait3A_1305 = arith.constant 0 : i32
      %dma_wait3A_1306 = arith.constant 0 : i32
      %dma_wait3A_1307 = tpu.memref_slice %arg6[%dma_wait3A_1304, %dma_wait3A_1305, %dma_wait3A_1306] : memref<8x128x64xf32, #tpu.memory_space<vmem>> -> memref<1x128x64xf32, #tpu.memory_space<vmem>>
      %dma_wait3A_1308 = tpu.memref_squeeze %dma_wait3A_1307 : memref<1x128x64xf32, #tpu.memory_space<vmem>> -> memref<128x64xf32, #tpu.memory_space<vmem>>
      %dma_wait3A_1309 = arith.constant 64 : i32
      %dma_wait3A_1310 = tpu.memref_slice %arg4[%add3A_1303, %mul3A_2, %dma_wait3A_1309] : memref<100x4096x128xf32, #tpu.memory_space<hbm>> -> memref<1x128x64xf32, #tpu.memory_space<hbm>>
      %dma_wait3A_1311 = tpu.memref_squeeze %dma_wait3A_1310 : memref<1x128x64xf32, #tpu.memory_space<hbm>> -> memref<128x64xf32, #tpu.memory_space<hbm>>
      %dma_wait3A_1312 = arith.constant 64 : i32
      %dma_wait3A_1313 = tpu.memref_slice %arg4[%add3A_1303, %mul3A_2, %dma_wait3A_1312] : memref<100x4096x128xf32, #tpu.memory_space<hbm>> -> memref<1x128x64xf32, #tpu.memory_space<hbm>>
      %dma_wait3A_1314 = tpu.memref_squeeze %dma_wait3A_1313 : memref<1x128x64xf32, #tpu.memory_space<hbm>> -> memref<128x64xf32, #tpu.memory_space<hbm>>
      %dma_wait3A_1315 = arith.constant 0 : i32
      %dma_wait3A_1316 = arith.constant 0 : i32
      %dma_wait3A_1317 = tpu.memref_slice %arg6[%dma_wait3A_1304, %dma_wait3A_1315, %dma_wait3A_1316] : memref<8x128x64xf32, #tpu.memory_space<vmem>> -> memref<1x128x64xf32, #tpu.memory_space<vmem>>
      %dma_wait3A_1318 = tpu.memref_squeeze %dma_wait3A_1317 : memref<1x128x64xf32, #tpu.memory_space<vmem>> -> memref<128x64xf32, #tpu.memory_space<vmem>>
      tpu.wait_dma2 semaphore(%arg12 : memref<!tpu.dma_semaphore, #tpu.memory_space<semaphore_mem>>) src(%dma_wait3A_1318 : memref<128x64xf32, #tpu.memory_space<vmem>>) dst(%dma_wait3A_1314 : memref<128x64xf32, #tpu.memory_space<hbm>>)
      %mul3A_1319 = arith.constant 2 : i32
      %mul3A_1320 = arith.muli %sub3A_1280, %mul3A_1319 : i32
      %add3A_1321 = arith.constant 1 : i32
      %add3A_1322 = arith.addi %mul3A_1320, %add3A_1321 : i32
      %dma_wait3A_1323 = arith.constant 6 : i32
      %dma_wait3A_1324 = arith.constant 0 : i32
      %dma_wait3A_1325 = arith.constant 0 : i32
      %dma_wait3A_1326 = tpu.memref_slice %arg6[%dma_wait3A_1323, %dma_wait3A_1324, %dma_wait3A_1325] : memref<8x128x64xf32, #tpu.memory_space<vmem>> -> memref<1x128x64xf32, #tpu.memory_space<vmem>>
      %dma_wait3A_1327 = tpu.memref_squeeze %dma_wait3A_1326 : memref<1x128x64xf32, #tpu.memory_space<vmem>> -> memref<128x64xf32, #tpu.memory_space<vmem>>
      %dma_wait3A_1328 = arith.constant 0 : i32
      %dma_wait3A_1329 = tpu.memref_slice %arg4[%add3A_1322, %mul3A_2, %dma_wait3A_1328] : memref<100x4096x128xf32, #tpu.memory_space<hbm>> -> memref<1x128x64xf32, #tpu.memory_space<hbm>>
      %dma_wait3A_1330 = tpu.memref_squeeze %dma_wait3A_1329 : memref<1x128x64xf32, #tpu.memory_space<hbm>> -> memref<128x64xf32, #tpu.memory_space<hbm>>
      %dma_wait3A_1331 = arith.constant 0 : i32
      %dma_wait3A_1332 = tpu.memref_slice %arg4[%add3A_1322, %mul3A_2, %dma_wait3A_1331] : memref<100x4096x128xf32, #tpu.memory_space<hbm>> -> memref<1x128x64xf32, #tpu.memory_space<hbm>>
      %dma_wait3A_1333 = tpu.memref_squeeze %dma_wait3A_1332 : memref<1x128x64xf32, #tpu.memory_space<hbm>> -> memref<128x64xf32, #tpu.memory_space<hbm>>
      %dma_wait3A_1334 = arith.constant 0 : i32
      %dma_wait3A_1335 = arith.constant 0 : i32
      %dma_wait3A_1336 = tpu.memref_slice %arg6[%dma_wait3A_1323, %dma_wait3A_1334, %dma_wait3A_1335] : memref<8x128x64xf32, #tpu.memory_space<vmem>> -> memref<1x128x64xf32, #tpu.memory_space<vmem>>
      %dma_wait3A_1337 = tpu.memref_squeeze %dma_wait3A_1336 : memref<1x128x64xf32, #tpu.memory_space<vmem>> -> memref<128x64xf32, #tpu.memory_space<vmem>>
      tpu.wait_dma2 semaphore(%arg12 : memref<!tpu.dma_semaphore, #tpu.memory_space<semaphore_mem>>) src(%dma_wait3A_1337 : memref<128x64xf32, #tpu.memory_space<vmem>>) dst(%dma_wait3A_1333 : memref<128x64xf32, #tpu.memory_space<hbm>>)
      %mul3A_1338 = arith.constant 2 : i32
      %mul3A_1339 = arith.muli %sub3A_1280, %mul3A_1338 : i32
      %add3A_1340 = arith.constant 1 : i32
      %add3A_1341 = arith.addi %mul3A_1339, %add3A_1340 : i32
      %dma_wait3A_1342 = arith.constant 7 : i32
      %dma_wait3A_1343 = arith.constant 0 : i32
      %dma_wait3A_1344 = arith.constant 0 : i32
      %dma_wait3A_1345 = tpu.memref_slice %arg6[%dma_wait3A_1342, %dma_wait3A_1343, %dma_wait3A_1344] : memref<8x128x64xf32, #tpu.memory_space<vmem>> -> memref<1x128x64xf32, #tpu.memory_space<vmem>>
      %dma_wait3A_1346 = tpu.memref_squeeze %dma_wait3A_1345 : memref<1x128x64xf32, #tpu.memory_space<vmem>> -> memref<128x64xf32, #tpu.memory_space<vmem>>
      %dma_wait3A_1347 = arith.constant 64 : i32
      %dma_wait3A_1348 = tpu.memref_slice %arg4[%add3A_1341, %mul3A_2, %dma_wait3A_1347] : memref<100x4096x128xf32, #tpu.memory_space<hbm>> -> memref<1x128x64xf32, #tpu.memory_space<hbm>>
      %dma_wait3A_1349 = tpu.memref_squeeze %dma_wait3A_1348 : memref<1x128x64xf32, #tpu.memory_space<hbm>> -> memref<128x64xf32, #tpu.memory_space<hbm>>
      %dma_wait3A_1350 = arith.constant 64 : i32
      %dma_wait3A_1351 = tpu.memref_slice %arg4[%add3A_1341, %mul3A_2, %dma_wait3A_1350] : memref<100x4096x128xf32, #tpu.memory_space<hbm>> -> memref<1x128x64xf32, #tpu.memory_space<hbm>>
      %dma_wait3A_1352 = tpu.memref_squeeze %dma_wait3A_1351 : memref<1x128x64xf32, #tpu.memory_space<hbm>> -> memref<128x64xf32, #tpu.memory_space<hbm>>
      %dma_wait3A_1353 = arith.constant 0 : i32
      %dma_wait3A_1354 = arith.constant 0 : i32
      %dma_wait3A_1355 = tpu.memref_slice %arg6[%dma_wait3A_1342, %dma_wait3A_1353, %dma_wait3A_1354] : memref<8x128x64xf32, #tpu.memory_space<vmem>> -> memref<1x128x64xf32, #tpu.memory_space<vmem>>
      %dma_wait3A_1356 = tpu.memref_squeeze %dma_wait3A_1355 : memref<1x128x64xf32, #tpu.memory_space<vmem>> -> memref<128x64xf32, #tpu.memory_space<vmem>>
      tpu.wait_dma2 semaphore(%arg12 : memref<!tpu.dma_semaphore, #tpu.memory_space<semaphore_mem>>) src(%dma_wait3A_1356 : memref<128x64xf32, #tpu.memory_space<vmem>>) dst(%dma_wait3A_1352 : memref<128x64xf32, #tpu.memory_space<hbm>>)
      %dma_start3A_1357 = arith.constant 4 : i32
      %dma_start3A_1358 = arith.constant 4 : i32
      %dma_start3A_1359 = arith.constant 0 : i32
      %dma_start3A_1360 = arith.constant 0 : i32
      %dma_start3A_1361 = tpu.memref_slice %arg6[%dma_start3A_1358, %dma_start3A_1359, %dma_start3A_1360] : memref<8x128x64xf32, #tpu.memory_space<vmem>> -> memref<1x128x64xf32, #tpu.memory_space<vmem>>
      %dma_start3A_1362 = tpu.memref_squeeze %dma_start3A_1361 : memref<1x128x64xf32, #tpu.memory_space<vmem>> -> memref<128x64xf32, #tpu.memory_space<vmem>>
      %dma_start3A_1363 = arith.constant 0 : i32
      %dma_start3A_1364 = tpu.memref_slice %arg5[%dma_start3A_1357, %dma_start3A_1363] : memref<8x128xi32, #tpu.memory_space<vmem>> -> memref<1x128xi32, #tpu.memory_space<vmem>>
      %dma_start3A_1365 = tpu.memref_squeeze %dma_start3A_1364 : memref<1x128xi32, #tpu.memory_space<vmem>> -> memref<128xi32, #tpu.memory_space<vmem>>
      %dma_start3A_1366 = arith.constant 0 : i32
      %dma_start3A_1367 = arith.constant 0 : i32
      %dma_start3A_1368 = tpu.memref_slice %arg2[%dma_start3A_1366, %dma_start3A_1367] : memref<100000x64xf32, #tpu.memory_space<hbm>> -> memref<100000x64xf32, #tpu.memory_space<hbm>>
      tpu.enqueue_indirect_dma source(%dma_start3A_1368 : memref<100000x64xf32, #tpu.memory_space<hbm>>) target(%dma_start3A_1362 : memref<128x64xf32, #tpu.memory_space<vmem>>) offsets(%dma_start3A_1365 : memref<128xi32, #tpu.memory_space<vmem>>) semaphore(%arg10 : memref<!tpu.dma_semaphore, #tpu.memory_space<semaphore_mem>>)
      %dma_start3A_1369 = arith.constant 5 : i32
      %dma_start3A_1370 = arith.constant 5 : i32
      %dma_start3A_1371 = arith.constant 0 : i32
      %dma_start3A_1372 = arith.constant 0 : i32
      %dma_start3A_1373 = tpu.memref_slice %arg6[%dma_start3A_1370, %dma_start3A_1371, %dma_start3A_1372] : memref<8x128x64xf32, #tpu.memory_space<vmem>> -> memref<1x128x64xf32, #tpu.memory_space<vmem>>
      %dma_start3A_1374 = tpu.memref_squeeze %dma_start3A_1373 : memref<1x128x64xf32, #tpu.memory_space<vmem>> -> memref<128x64xf32, #tpu.memory_space<vmem>>
      %dma_start3A_1375 = arith.constant 0 : i32
      %dma_start3A_1376 = tpu.memref_slice %arg5[%dma_start3A_1369, %dma_start3A_1375] : memref<8x128xi32, #tpu.memory_space<vmem>> -> memref<1x128xi32, #tpu.memory_space<vmem>>
      %dma_start3A_1377 = tpu.memref_squeeze %dma_start3A_1376 : memref<1x128xi32, #tpu.memory_space<vmem>> -> memref<128xi32, #tpu.memory_space<vmem>>
      %dma_start3A_1378 = arith.constant 0 : i32
      %dma_start3A_1379 = arith.constant 0 : i32
      %dma_start3A_1380 = tpu.memref_slice %arg2[%dma_start3A_1378, %dma_start3A_1379] : memref<100000x64xf32, #tpu.memory_space<hbm>> -> memref<100000x64xf32, #tpu.memory_space<hbm>>
      tpu.enqueue_indirect_dma source(%dma_start3A_1380 : memref<100000x64xf32, #tpu.memory_space<hbm>>) target(%dma_start3A_1374 : memref<128x64xf32, #tpu.memory_space<vmem>>) offsets(%dma_start3A_1377 : memref<128xi32, #tpu.memory_space<vmem>>) semaphore(%arg10 : memref<!tpu.dma_semaphore, #tpu.memory_space<semaphore_mem>>)
      %dma_start3A_1381 = arith.constant 6 : i32
      %dma_start3A_1382 = arith.constant 6 : i32
      %dma_start3A_1383 = arith.constant 0 : i32
      %dma_start3A_1384 = arith.constant 0 : i32
      %dma_start3A_1385 = tpu.memref_slice %arg6[%dma_start3A_1382, %dma_start3A_1383, %dma_start3A_1384] : memref<8x128x64xf32, #tpu.memory_space<vmem>> -> memref<1x128x64xf32, #tpu.memory_space<vmem>>
      %dma_start3A_1386 = tpu.memref_squeeze %dma_start3A_1385 : memref<1x128x64xf32, #tpu.memory_space<vmem>> -> memref<128x64xf32, #tpu.memory_space<vmem>>
      %dma_start3A_1387 = arith.constant 0 : i32
      %dma_start3A_1388 = tpu.memref_slice %arg5[%dma_start3A_1381, %dma_start3A_1387] : memref<8x128xi32, #tpu.memory_space<vmem>> -> memref<1x128xi32, #tpu.memory_space<vmem>>
      %dma_start3A_1389 = tpu.memref_squeeze %dma_start3A_1388 : memref<1x128xi32, #tpu.memory_space<vmem>> -> memref<128xi32, #tpu.memory_space<vmem>>
      %dma_start3A_1390 = arith.constant 0 : i32
      %dma_start3A_1391 = arith.constant 0 : i32
      %dma_start3A_1392 = tpu.memref_slice %arg2[%dma_start3A_1390, %dma_start3A_1391] : memref<100000x64xf32, #tpu.memory_space<hbm>> -> memref<100000x64xf32, #tpu.memory_space<hbm>>
      tpu.enqueue_indirect_dma source(%dma_start3A_1392 : memref<100000x64xf32, #tpu.memory_space<hbm>>) target(%dma_start3A_1386 : memref<128x64xf32, #tpu.memory_space<vmem>>) offsets(%dma_start3A_1389 : memref<128xi32, #tpu.memory_space<vmem>>) semaphore(%arg10 : memref<!tpu.dma_semaphore, #tpu.memory_space<semaphore_mem>>)
      %dma_start3A_1393 = arith.constant 7 : i32
      %dma_start3A_1394 = arith.constant 7 : i32
      %dma_start3A_1395 = arith.constant 0 : i32
      %dma_start3A_1396 = arith.constant 0 : i32
      %dma_start3A_1397 = tpu.memref_slice %arg6[%dma_start3A_1394, %dma_start3A_1395, %dma_start3A_1396] : memref<8x128x64xf32, #tpu.memory_space<vmem>> -> memref<1x128x64xf32, #tpu.memory_space<vmem>>
      %dma_start3A_1398 = tpu.memref_squeeze %dma_start3A_1397 : memref<1x128x64xf32, #tpu.memory_space<vmem>> -> memref<128x64xf32, #tpu.memory_space<vmem>>
      %dma_start3A_1399 = arith.constant 0 : i32
      %dma_start3A_1400 = tpu.memref_slice %arg5[%dma_start3A_1393, %dma_start3A_1399] : memref<8x128xi32, #tpu.memory_space<vmem>> -> memref<1x128xi32, #tpu.memory_space<vmem>>
      %dma_start3A_1401 = tpu.memref_squeeze %dma_start3A_1400 : memref<1x128xi32, #tpu.memory_space<vmem>> -> memref<128xi32, #tpu.memory_space<vmem>>
      %dma_start3A_1402 = arith.constant 0 : i32
      %dma_start3A_1403 = arith.constant 0 : i32
      %dma_start3A_1404 = tpu.memref_slice %arg2[%dma_start3A_1402, %dma_start3A_1403] : memref<100000x64xf32, #tpu.memory_space<hbm>> -> memref<100000x64xf32, #tpu.memory_space<hbm>>
      tpu.enqueue_indirect_dma source(%dma_start3A_1404 : memref<100000x64xf32, #tpu.memory_space<hbm>>) target(%dma_start3A_1398 : memref<128x64xf32, #tpu.memory_space<vmem>>) offsets(%dma_start3A_1401 : memref<128xi32, #tpu.memory_space<vmem>>) semaphore(%arg10 : memref<!tpu.dma_semaphore, #tpu.memory_space<semaphore_mem>>)
      %dma_wait3A_1405 = arith.constant 4 : i32
      %dma_wait3A_1406 = arith.constant 4 : i32
      %dma_wait3A_1407 = arith.constant 0 : i32
      %dma_wait3A_1408 = arith.constant 0 : i32
      %dma_wait3A_1409 = tpu.memref_slice %arg6[%dma_wait3A_1406, %dma_wait3A_1407, %dma_wait3A_1408] : memref<8x128x64xf32, #tpu.memory_space<vmem>> -> memref<1x128x64xf32, #tpu.memory_space<vmem>>
      %dma_wait3A_1410 = tpu.memref_squeeze %dma_wait3A_1409 : memref<1x128x64xf32, #tpu.memory_space<vmem>> -> memref<128x64xf32, #tpu.memory_space<vmem>>
      %dma_wait3A_1411 = arith.constant 0 : i32
      %dma_wait3A_1412 = tpu.memref_slice %arg5[%dma_wait3A_1405, %dma_wait3A_1411] : memref<8x128xi32, #tpu.memory_space<vmem>> -> memref<1x128xi32, #tpu.memory_space<vmem>>
      %dma_wait3A_1413 = tpu.memref_squeeze %dma_wait3A_1412 : memref<1x128xi32, #tpu.memory_space<vmem>> -> memref<128xi32, #tpu.memory_space<vmem>>
      %dma_wait3A_1414 = arith.constant 0 : i32
      %dma_wait3A_1415 = arith.constant 0 : i32
      %dma_wait3A_1416 = tpu.memref_slice %arg2[%dma_wait3A_1414, %dma_wait3A_1415] : memref<100000x64xf32, #tpu.memory_space<hbm>> -> memref<100000x64xf32, #tpu.memory_space<hbm>>
      tpu.wait_indirect_dma semaphore(%arg10 : memref<!tpu.dma_semaphore, #tpu.memory_space<semaphore_mem>>) src(%dma_wait3A_1416 : memref<100000x64xf32, #tpu.memory_space<hbm>>) dst(%dma_wait3A_1410 : memref<128x64xf32, #tpu.memory_space<vmem>>)
      %dma_wait3A_1417 = arith.constant 5 : i32
      %dma_wait3A_1418 = arith.constant 5 : i32
      %dma_wait3A_1419 = arith.constant 0 : i32
      %dma_wait3A_1420 = arith.constant 0 : i32
      %dma_wait3A_1421 = tpu.memref_slice %arg6[%dma_wait3A_1418, %dma_wait3A_1419, %dma_wait3A_1420] : memref<8x128x64xf32, #tpu.memory_space<vmem>> -> memref<1x128x64xf32, #tpu.memory_space<vmem>>
      %dma_wait3A_1422 = tpu.memref_squeeze %dma_wait3A_1421 : memref<1x128x64xf32, #tpu.memory_space<vmem>> -> memref<128x64xf32, #tpu.memory_space<vmem>>
      %dma_wait3A_1423 = arith.constant 0 : i32
      %dma_wait3A_1424 = tpu.memref_slice %arg5[%dma_wait3A_1417, %dma_wait3A_1423] : memref<8x128xi32, #tpu.memory_space<vmem>> -> memref<1x128xi32, #tpu.memory_space<vmem>>
      %dma_wait3A_1425 = tpu.memref_squeeze %dma_wait3A_1424 : memref<1x128xi32, #tpu.memory_space<vmem>> -> memref<128xi32, #tpu.memory_space<vmem>>
      %dma_wait3A_1426 = arith.constant 0 : i32
      %dma_wait3A_1427 = arith.constant 0 : i32
      %dma_wait3A_1428 = tpu.memref_slice %arg2[%dma_wait3A_1426, %dma_wait3A_1427] : memref<100000x64xf32, #tpu.memory_space<hbm>> -> memref<100000x64xf32, #tpu.memory_space<hbm>>
      tpu.wait_indirect_dma semaphore(%arg10 : memref<!tpu.dma_semaphore, #tpu.memory_space<semaphore_mem>>) src(%dma_wait3A_1428 : memref<100000x64xf32, #tpu.memory_space<hbm>>) dst(%dma_wait3A_1422 : memref<128x64xf32, #tpu.memory_space<vmem>>)
      %dma_wait3A_1429 = arith.constant 6 : i32
      %dma_wait3A_1430 = arith.constant 6 : i32
      %dma_wait3A_1431 = arith.constant 0 : i32
      %dma_wait3A_1432 = arith.constant 0 : i32
      %dma_wait3A_1433 = tpu.memref_slice %arg6[%dma_wait3A_1430, %dma_wait3A_1431, %dma_wait3A_1432] : memref<8x128x64xf32, #tpu.memory_space<vmem>> -> memref<1x128x64xf32, #tpu.memory_space<vmem>>
      %dma_wait3A_1434 = tpu.memref_squeeze %dma_wait3A_1433 : memref<1x128x64xf32, #tpu.memory_space<vmem>> -> memref<128x64xf32, #tpu.memory_space<vmem>>
      %dma_wait3A_1435 = arith.constant 0 : i32
      %dma_wait3A_1436 = tpu.memref_slice %arg5[%dma_wait3A_1429, %dma_wait3A_1435] : memref<8x128xi32, #tpu.memory_space<vmem>> -> memref<1x128xi32, #tpu.memory_space<vmem>>
      %dma_wait3A_1437 = tpu.memref_squeeze %dma_wait3A_1436 : memref<1x128xi32, #tpu.memory_space<vmem>> -> memref<128xi32, #tpu.memory_space<vmem>>
      %dma_wait3A_1438 = arith.constant 0 : i32
      %dma_wait3A_1439 = arith.constant 0 : i32
      %dma_wait3A_1440 = tpu.memref_slice %arg2[%dma_wait3A_1438, %dma_wait3A_1439] : memref<100000x64xf32, #tpu.memory_space<hbm>> -> memref<100000x64xf32, #tpu.memory_space<hbm>>
      tpu.wait_indirect_dma semaphore(%arg10 : memref<!tpu.dma_semaphore, #tpu.memory_space<semaphore_mem>>) src(%dma_wait3A_1440 : memref<100000x64xf32, #tpu.memory_space<hbm>>) dst(%dma_wait3A_1434 : memref<128x64xf32, #tpu.memory_space<vmem>>)
      %dma_wait3A_1441 = arith.constant 7 : i32
      %dma_wait3A_1442 = arith.constant 7 : i32
      %dma_wait3A_1443 = arith.constant 0 : i32
      %dma_wait3A_1444 = arith.constant 0 : i32
      %dma_wait3A_1445 = tpu.memref_slice %arg6[%dma_wait3A_1442, %dma_wait3A_1443, %dma_wait3A_1444] : memref<8x128x64xf32, #tpu.memory_space<vmem>> -> memref<1x128x64xf32, #tpu.memory_space<vmem>>
      %dma_wait3A_1446 = tpu.memref_squeeze %dma_wait3A_1445 : memref<1x128x64xf32, #tpu.memory_space<vmem>> -> memref<128x64xf32, #tpu.memory_space<vmem>>
      %dma_wait3A_1447 = arith.constant 0 : i32
      %dma_wait3A_1448 = tpu.memref_slice %arg5[%dma_wait3A_1441, %dma_wait3A_1447] : memref<8x128xi32, #tpu.memory_space<vmem>> -> memref<1x128xi32, #tpu.memory_space<vmem>>
      %dma_wait3A_1449 = tpu.memref_squeeze %dma_wait3A_1448 : memref<1x128xi32, #tpu.memory_space<vmem>> -> memref<128xi32, #tpu.memory_space<vmem>>
      %dma_wait3A_1450 = arith.constant 0 : i32
      %dma_wait3A_1451 = arith.constant 0 : i32
      %dma_wait3A_1452 = tpu.memref_slice %arg2[%dma_wait3A_1450, %dma_wait3A_1451] : memref<100000x64xf32, #tpu.memory_space<hbm>> -> memref<100000x64xf32, #tpu.memory_space<hbm>>
      tpu.wait_indirect_dma semaphore(%arg10 : memref<!tpu.dma_semaphore, #tpu.memory_space<semaphore_mem>>) src(%dma_wait3A_1452 : memref<100000x64xf32, #tpu.memory_space<hbm>>) dst(%dma_wait3A_1446 : memref<128x64xf32, #tpu.memory_space<vmem>>)
      %mul3A_1453 = arith.constant 2 : i32
      %mul3A_1454 = arith.muli %add3A_1268, %mul3A_1453 : i32
      %add3A_1455 = arith.constant 0 : i32
      %add3A_1456 = arith.addi %mul3A_1454, %add3A_1455 : i32
      %dma_start3A_1457 = arith.constant 4 : i32
      %dma_start3A_1458 = arith.constant 0 : i32
      %dma_start3A_1459 = arith.constant 0 : i32
      %dma_start3A_1460 = tpu.memref_slice %arg6[%dma_start3A_1457, %dma_start3A_1458, %dma_start3A_1459] : memref<8x128x64xf32, #tpu.memory_space<vmem>> -> memref<1x128x64xf32, #tpu.memory_space<vmem>>
      %dma_start3A_1461 = tpu.memref_squeeze %dma_start3A_1460 : memref<1x128x64xf32, #tpu.memory_space<vmem>> -> memref<128x64xf32, #tpu.memory_space<vmem>>
      %dma_start3A_1462 = arith.constant 0 : i32
      %dma_start3A_1463 = tpu.memref_slice %arg4[%add3A_1456, %mul3A_2, %dma_start3A_1462] : memref<100x4096x128xf32, #tpu.memory_space<hbm>> -> memref<1x128x64xf32, #tpu.memory_space<hbm>>
      %dma_start3A_1464 = tpu.memref_squeeze %dma_start3A_1463 : memref<1x128x64xf32, #tpu.memory_space<hbm>> -> memref<128x64xf32, #tpu.memory_space<hbm>>
      %dma_start3A_1465 = arith.constant 0 : i32
      %dma_start3A_1466 = tpu.memref_slice %arg4[%add3A_1456, %mul3A_2, %dma_start3A_1465] : memref<100x4096x128xf32, #tpu.memory_space<hbm>> -> memref<1x128x64xf32, #tpu.memory_space<hbm>>
      %dma_start3A_1467 = tpu.memref_squeeze %dma_start3A_1466 : memref<1x128x64xf32, #tpu.memory_space<hbm>> -> memref<128x64xf32, #tpu.memory_space<hbm>>
      %dma_start3A_1468 = arith.constant 0 : i32
      %dma_start3A_1469 = arith.constant 0 : i32
      %dma_start3A_1470 = tpu.memref_slice %arg6[%dma_start3A_1457, %dma_start3A_1468, %dma_start3A_1469] : memref<8x128x64xf32, #tpu.memory_space<vmem>> -> memref<1x128x64xf32, #tpu.memory_space<vmem>>
      %dma_start3A_1471 = tpu.memref_squeeze %dma_start3A_1470 : memref<1x128x64xf32, #tpu.memory_space<vmem>> -> memref<128x64xf32, #tpu.memory_space<vmem>>
      tpu.enqueue_dma source(%dma_start3A_1471 : memref<128x64xf32, #tpu.memory_space<vmem>>) target(%dma_start3A_1467 : memref<128x64xf32, #tpu.memory_space<hbm>>) target_semaphore(%arg12 : memref<!tpu.dma_semaphore, #tpu.memory_space<semaphore_mem>>)
      %mul3A_1472 = arith.constant 2 : i32
      %mul3A_1473 = arith.muli %add3A_1268, %mul3A_1472 : i32
      %add3A_1474 = arith.constant 0 : i32
      %add3A_1475 = arith.addi %mul3A_1473, %add3A_1474 : i32
      %dma_start3A_1476 = arith.constant 5 : i32
      %dma_start3A_1477 = arith.constant 0 : i32
      %dma_start3A_1478 = arith.constant 0 : i32
      %dma_start3A_1479 = tpu.memref_slice %arg6[%dma_start3A_1476, %dma_start3A_1477, %dma_start3A_1478] : memref<8x128x64xf32, #tpu.memory_space<vmem>> -> memref<1x128x64xf32, #tpu.memory_space<vmem>>
      %dma_start3A_1480 = tpu.memref_squeeze %dma_start3A_1479 : memref<1x128x64xf32, #tpu.memory_space<vmem>> -> memref<128x64xf32, #tpu.memory_space<vmem>>
      %dma_start3A_1481 = arith.constant 64 : i32
      %dma_start3A_1482 = tpu.memref_slice %arg4[%add3A_1475, %mul3A_2, %dma_start3A_1481] : memref<100x4096x128xf32, #tpu.memory_space<hbm>> -> memref<1x128x64xf32, #tpu.memory_space<hbm>>
      %dma_start3A_1483 = tpu.memref_squeeze %dma_start3A_1482 : memref<1x128x64xf32, #tpu.memory_space<hbm>> -> memref<128x64xf32, #tpu.memory_space<hbm>>
      %dma_start3A_1484 = arith.constant 64 : i32
      %dma_start3A_1485 = tpu.memref_slice %arg4[%add3A_1475, %mul3A_2, %dma_start3A_1484] : memref<100x4096x128xf32, #tpu.memory_space<hbm>> -> memref<1x128x64xf32, #tpu.memory_space<hbm>>
      %dma_start3A_1486 = tpu.memref_squeeze %dma_start3A_1485 : memref<1x128x64xf32, #tpu.memory_space<hbm>> -> memref<128x64xf32, #tpu.memory_space<hbm>>
      %dma_start3A_1487 = arith.constant 0 : i32
      %dma_start3A_1488 = arith.constant 0 : i32
      %dma_start3A_1489 = tpu.memref_slice %arg6[%dma_start3A_1476, %dma_start3A_1487, %dma_start3A_1488] : memref<8x128x64xf32, #tpu.memory_space<vmem>> -> memref<1x128x64xf32, #tpu.memory_space<vmem>>
      %dma_start3A_1490 = tpu.memref_squeeze %dma_start3A_1489 : memref<1x128x64xf32, #tpu.memory_space<vmem>> -> memref<128x64xf32, #tpu.memory_space<vmem>>
      tpu.enqueue_dma source(%dma_start3A_1490 : memref<128x64xf32, #tpu.memory_space<vmem>>) target(%dma_start3A_1486 : memref<128x64xf32, #tpu.memory_space<hbm>>) target_semaphore(%arg12 : memref<!tpu.dma_semaphore, #tpu.memory_space<semaphore_mem>>)
      %mul3A_1491 = arith.constant 2 : i32
      %mul3A_1492 = arith.muli %add3A_1268, %mul3A_1491 : i32
      %add3A_1493 = arith.constant 1 : i32
      %add3A_1494 = arith.addi %mul3A_1492, %add3A_1493 : i32
      %dma_start3A_1495 = arith.constant 6 : i32
      %dma_start3A_1496 = arith.constant 0 : i32
      %dma_start3A_1497 = arith.constant 0 : i32
      %dma_start3A_1498 = tpu.memref_slice %arg6[%dma_start3A_1495, %dma_start3A_1496, %dma_start3A_1497] : memref<8x128x64xf32, #tpu.memory_space<vmem>> -> memref<1x128x64xf32, #tpu.memory_space<vmem>>
      %dma_start3A_1499 = tpu.memref_squeeze %dma_start3A_1498 : memref<1x128x64xf32, #tpu.memory_space<vmem>> -> memref<128x64xf32, #tpu.memory_space<vmem>>
      %dma_start3A_1500 = arith.constant 0 : i32
      %dma_start3A_1501 = tpu.memref_slice %arg4[%add3A_1494, %mul3A_2, %dma_start3A_1500] : memref<100x4096x128xf32, #tpu.memory_space<hbm>> -> memref<1x128x64xf32, #tpu.memory_space<hbm>>
      %dma_start3A_1502 = tpu.memref_squeeze %dma_start3A_1501 : memref<1x128x64xf32, #tpu.memory_space<hbm>> -> memref<128x64xf32, #tpu.memory_space<hbm>>
      %dma_start3A_1503 = arith.constant 0 : i32
      %dma_start3A_1504 = tpu.memref_slice %arg4[%add3A_1494, %mul3A_2, %dma_start3A_1503] : memref<100x4096x128xf32, #tpu.memory_space<hbm>> -> memref<1x128x64xf32, #tpu.memory_space<hbm>>
      %dma_start3A_1505 = tpu.memref_squeeze %dma_start3A_1504 : memref<1x128x64xf32, #tpu.memory_space<hbm>> -> memref<128x64xf32, #tpu.memory_space<hbm>>
      %dma_start3A_1506 = arith.constant 0 : i32
      %dma_start3A_1507 = arith.constant 0 : i32
      %dma_start3A_1508 = tpu.memref_slice %arg6[%dma_start3A_1495, %dma_start3A_1506, %dma_start3A_1507] : memref<8x128x64xf32, #tpu.memory_space<vmem>> -> memref<1x128x64xf32, #tpu.memory_space<vmem>>
      %dma_start3A_1509 = tpu.memref_squeeze %dma_start3A_1508 : memref<1x128x64xf32, #tpu.memory_space<vmem>> -> memref<128x64xf32, #tpu.memory_space<vmem>>
      tpu.enqueue_dma source(%dma_start3A_1509 : memref<128x64xf32, #tpu.memory_space<vmem>>) target(%dma_start3A_1505 : memref<128x64xf32, #tpu.memory_space<hbm>>) target_semaphore(%arg12 : memref<!tpu.dma_semaphore, #tpu.memory_space<semaphore_mem>>)
      %mul3A_1510 = arith.constant 2 : i32
      %mul3A_1511 = arith.muli %add3A_1268, %mul3A_1510 : i32
      %add3A_1512 = arith.constant 1 : i32
      %add3A_1513 = arith.addi %mul3A_1511, %add3A_1512 : i32
      %dma_start3A_1514 = arith.constant 7 : i32
      %dma_start3A_1515 = arith.constant 0 : i32
      %dma_start3A_1516 = arith.constant 0 : i32
      %dma_start3A_1517 = tpu.memref_slice %arg6[%dma_start3A_1514, %dma_start3A_1515, %dma_start3A_1516] : memref<8x128x64xf32, #tpu.memory_space<vmem>> -> memref<1x128x64xf32, #tpu.memory_space<vmem>>
      %dma_start3A_1518 = tpu.memref_squeeze %dma_start3A_1517 : memref<1x128x64xf32, #tpu.memory_space<vmem>> -> memref<128x64xf32, #tpu.memory_space<vmem>>
      %dma_start3A_1519 = arith.constant 64 : i32
      %dma_start3A_1520 = tpu.memref_slice %arg4[%add3A_1513, %mul3A_2, %dma_start3A_1519] : memref<100x4096x128xf32, #tpu.memory_space<hbm>> -> memref<1x128x64xf32, #tpu.memory_space<hbm>>
      %dma_start3A_1521 = tpu.memref_squeeze %dma_start3A_1520 : memref<1x128x64xf32, #tpu.memory_space<hbm>> -> memref<128x64xf32, #tpu.memory_space<hbm>>
      %dma_start3A_1522 = arith.constant 64 : i32
      %dma_start3A_1523 = tpu.memref_slice %arg4[%add3A_1513, %mul3A_2, %dma_start3A_1522] : memref<100x4096x128xf32, #tpu.memory_space<hbm>> -> memref<1x128x64xf32, #tpu.memory_space<hbm>>
      %dma_start3A_1524 = tpu.memref_squeeze %dma_start3A_1523 : memref<1x128x64xf32, #tpu.memory_space<hbm>> -> memref<128x64xf32, #tpu.memory_space<hbm>>
      %dma_start3A_1525 = arith.constant 0 : i32
      %dma_start3A_1526 = arith.constant 0 : i32
      %dma_start3A_1527 = tpu.memref_slice %arg6[%dma_start3A_1514, %dma_start3A_1525, %dma_start3A_1526] : memref<8x128x64xf32, #tpu.memory_space<vmem>> -> memref<1x128x64xf32, #tpu.memory_space<vmem>>
      %dma_start3A_1528 = tpu.memref_squeeze %dma_start3A_1527 : memref<1x128x64xf32, #tpu.memory_space<vmem>> -> memref<128x64xf32, #tpu.memory_space<vmem>>
      tpu.enqueue_dma source(%dma_start3A_1528 : memref<128x64xf32, #tpu.memory_space<vmem>>) target(%dma_start3A_1524 : memref<128x64xf32, #tpu.memory_space<hbm>>) target_semaphore(%arg12 : memref<!tpu.dma_semaphore, #tpu.memory_space<semaphore_mem>>)
      %add3A_1529 = arith.constant 2 : i32
      %add3A_1530 = arith.addi %add3A_1268, %add3A_1529 : i32
      %mul3A_1531 = arith.constant 4 : i32
      %mul3A_1532 = arith.muli %add3A_1530, %mul3A_1531 : i32
      %dma_start3A_1533 = arith.constant 4 : i32
      %dma_start3A_1534 = arith.constant 0 : i32
      %dma_start3A_1535 = tpu.memref_slice %arg5[%dma_start3A_1533, %dma_start3A_1534] : memref<8x128xi32, #tpu.memory_space<vmem>> -> memref<4x128xi32, #tpu.memory_space<vmem>>
      %dma_start3A_1536 = tpu.memref_slice %arg3[%mul3A_1532, %mul3A_2] : memref<200x4096xi32, #tpu.memory_space<hbm>> -> memref<4x128xi32, #tpu.memory_space<hbm>>
      %dma_start3A_1537 = arith.constant 4 : i32
      %dma_start3A_1538 = arith.constant 0 : i32
      %dma_start3A_1539 = tpu.memref_slice %arg5[%dma_start3A_1537, %dma_start3A_1538] : memref<8x128xi32, #tpu.memory_space<vmem>> -> memref<4x128xi32, #tpu.memory_space<vmem>>
      %dma_start3A_1540 = tpu.memref_slice %arg3[%mul3A_1532, %mul3A_2] : memref<200x4096xi32, #tpu.memory_space<hbm>> -> memref<4x128xi32, #tpu.memory_space<hbm>>
      tpu.enqueue_dma source(%dma_start3A_1540 : memref<4x128xi32, #tpu.memory_space<hbm>>) target(%dma_start3A_1539 : memref<4x128xi32, #tpu.memory_space<vmem>>) target_semaphore(%arg8 : memref<!tpu.dma_semaphore, #tpu.memory_space<semaphore_mem>>)
    }
    %scan3A_384 = arith.constant 23 : i32
    %dma_wait3A_385 = arith.constant 0 : i32
    %dma_wait3A_386 = arith.constant 0 : i32
    %dma_wait3A_387 = tpu.memref_slice %arg5[%dma_wait3A_385, %dma_wait3A_386] : memref<8x128xi32, #tpu.memory_space<vmem>> -> memref<4x128xi32, #tpu.memory_space<vmem>>
    %dma_wait3A_388 = arith.constant 192 : i32
    %dma_wait3A_389 = tpu.memref_slice %arg3[%dma_wait3A_388, %mul3A_2] : memref<200x4096xi32, #tpu.memory_space<hbm>> -> memref<4x128xi32, #tpu.memory_space<hbm>>
    %dma_wait3A_390 = arith.constant 0 : i32
    %dma_wait3A_391 = arith.constant 0 : i32
    %dma_wait3A_392 = tpu.memref_slice %arg5[%dma_wait3A_390, %dma_wait3A_391] : memref<8x128xi32, #tpu.memory_space<vmem>> -> memref<4x128xi32, #tpu.memory_space<vmem>>
    %dma_wait3A_393 = arith.constant 192 : i32
    %dma_wait3A_394 = tpu.memref_slice %arg3[%dma_wait3A_393, %mul3A_2] : memref<200x4096xi32, #tpu.memory_space<hbm>> -> memref<4x128xi32, #tpu.memory_space<hbm>>
    tpu.wait_dma2 semaphore(%arg7 : memref<!tpu.dma_semaphore, #tpu.memory_space<semaphore_mem>>) src(%dma_wait3A_394 : memref<4x128xi32, #tpu.memory_space<hbm>>) dst(%dma_wait3A_392 : memref<4x128xi32, #tpu.memory_space<vmem>>)
    %dma_wait3A_395 = arith.constant 0 : i32
    %dma_wait3A_396 = arith.constant 92 : i32
    %dma_wait3A_397 = arith.constant 0 : i32
    %dma_wait3A_398 = arith.constant 0 : i32
    %dma_wait3A_399 = tpu.memref_slice %arg6[%dma_wait3A_395, %dma_wait3A_397, %dma_wait3A_398] : memref<8x128x64xf32, #tpu.memory_space<vmem>> -> memref<1x128x64xf32, #tpu.memory_space<vmem>>
    %dma_wait3A_400 = tpu.memref_squeeze %dma_wait3A_399 : memref<1x128x64xf32, #tpu.memory_space<vmem>> -> memref<128x64xf32, #tpu.memory_space<vmem>>
    %dma_wait3A_401 = arith.constant 0 : i32
    %dma_wait3A_402 = tpu.memref_slice %arg4[%dma_wait3A_396, %mul3A_2, %dma_wait3A_401] : memref<100x4096x128xf32, #tpu.memory_space<hbm>> -> memref<1x128x64xf32, #tpu.memory_space<hbm>>
    %dma_wait3A_403 = tpu.memref_squeeze %dma_wait3A_402 : memref<1x128x64xf32, #tpu.memory_space<hbm>> -> memref<128x64xf32, #tpu.memory_space<hbm>>
    %dma_wait3A_404 = arith.constant 0 : i32
    %dma_wait3A_405 = tpu.memref_slice %arg4[%dma_wait3A_396, %mul3A_2, %dma_wait3A_404] : memref<100x4096x128xf32, #tpu.memory_space<hbm>> -> memref<1x128x64xf32, #tpu.memory_space<hbm>>
    %dma_wait3A_406 = tpu.memref_squeeze %dma_wait3A_405 : memref<1x128x64xf32, #tpu.memory_space<hbm>> -> memref<128x64xf32, #tpu.memory_space<hbm>>
    %dma_wait3A_407 = arith.constant 0 : i32
    %dma_wait3A_408 = arith.constant 0 : i32
    %dma_wait3A_409 = tpu.memref_slice %arg6[%dma_wait3A_395, %dma_wait3A_407, %dma_wait3A_408] : memref<8x128x64xf32, #tpu.memory_space<vmem>> -> memref<1x128x64xf32, #tpu.memory_space<vmem>>
    %dma_wait3A_410 = tpu.memref_squeeze %dma_wait3A_409 : memref<1x128x64xf32, #tpu.memory_space<vmem>> -> memref<128x64xf32, #tpu.memory_space<vmem>>
    tpu.wait_dma2 semaphore(%arg11 : memref<!tpu.dma_semaphore, #tpu.memory_space<semaphore_mem>>) src(%dma_wait3A_410 : memref<128x64xf32, #tpu.memory_space<vmem>>) dst(%dma_wait3A_406 : memref<128x64xf32, #tpu.memory_space<hbm>>)
    %dma_wait3A_411 = arith.constant 1 : i32
    %dma_wait3A_412 = arith.constant 92 : i32
    %dma_wait3A_413 = arith.constant 0 : i32
    %dma_wait3A_414 = arith.constant 0 : i32
    %dma_wait3A_415 = tpu.memref_slice %arg6[%dma_wait3A_411, %dma_wait3A_413, %dma_wait3A_414] : memref<8x128x64xf32, #tpu.memory_space<vmem>> -> memref<1x128x64xf32, #tpu.memory_space<vmem>>
    %dma_wait3A_416 = tpu.memref_squeeze %dma_wait3A_415 : memref<1x128x64xf32, #tpu.memory_space<vmem>> -> memref<128x64xf32, #tpu.memory_space<vmem>>
    %dma_wait3A_417 = arith.constant 64 : i32
    %dma_wait3A_418 = tpu.memref_slice %arg4[%dma_wait3A_412, %mul3A_2, %dma_wait3A_417] : memref<100x4096x128xf32, #tpu.memory_space<hbm>> -> memref<1x128x64xf32, #tpu.memory_space<hbm>>
    %dma_wait3A_419 = tpu.memref_squeeze %dma_wait3A_418 : memref<1x128x64xf32, #tpu.memory_space<hbm>> -> memref<128x64xf32, #tpu.memory_space<hbm>>
    %dma_wait3A_420 = arith.constant 64 : i32
    %dma_wait3A_421 = tpu.memref_slice %arg4[%dma_wait3A_412, %mul3A_2, %dma_wait3A_420] : memref<100x4096x128xf32, #tpu.memory_space<hbm>> -> memref<1x128x64xf32, #tpu.memory_space<hbm>>
    %dma_wait3A_422 = tpu.memref_squeeze %dma_wait3A_421 : memref<1x128x64xf32, #tpu.memory_space<hbm>> -> memref<128x64xf32, #tpu.memory_space<hbm>>
    %dma_wait3A_423 = arith.constant 0 : i32
    %dma_wait3A_424 = arith.constant 0 : i32
    %dma_wait3A_425 = tpu.memref_slice %arg6[%dma_wait3A_411, %dma_wait3A_423, %dma_wait3A_424] : memref<8x128x64xf32, #tpu.memory_space<vmem>> -> memref<1x128x64xf32, #tpu.memory_space<vmem>>
    %dma_wait3A_426 = tpu.memref_squeeze %dma_wait3A_425 : memref<1x128x64xf32, #tpu.memory_space<vmem>> -> memref<128x64xf32, #tpu.memory_space<vmem>>
    tpu.wait_dma2 semaphore(%arg11 : memref<!tpu.dma_semaphore, #tpu.memory_space<semaphore_mem>>) src(%dma_wait3A_426 : memref<128x64xf32, #tpu.memory_space<vmem>>) dst(%dma_wait3A_422 : memref<128x64xf32, #tpu.memory_space<hbm>>)
    %dma_wait3A_427 = arith.constant 2 : i32
    %dma_wait3A_428 = arith.constant 93 : i32
    %dma_wait3A_429 = arith.constant 0 : i32
    %dma_wait3A_430 = arith.constant 0 : i32
    %dma_wait3A_431 = tpu.memref_slice %arg6[%dma_wait3A_427, %dma_wait3A_429, %dma_wait3A_430] : memref<8x128x64xf32, #tpu.memory_space<vmem>> -> memref<1x128x64xf32, #tpu.memory_space<vmem>>
    %dma_wait3A_432 = tpu.memref_squeeze %dma_wait3A_431 : memref<1x128x64xf32, #tpu.memory_space<vmem>> -> memref<128x64xf32, #tpu.memory_space<vmem>>
    %dma_wait3A_433 = arith.constant 0 : i32
    %dma_wait3A_434 = tpu.memref_slice %arg4[%dma_wait3A_428, %mul3A_2, %dma_wait3A_433] : memref<100x4096x128xf32, #tpu.memory_space<hbm>> -> memref<1x128x64xf32, #tpu.memory_space<hbm>>
    %dma_wait3A_435 = tpu.memref_squeeze %dma_wait3A_434 : memref<1x128x64xf32, #tpu.memory_space<hbm>> -> memref<128x64xf32, #tpu.memory_space<hbm>>
    %dma_wait3A_436 = arith.constant 0 : i32
    %dma_wait3A_437 = tpu.memref_slice %arg4[%dma_wait3A_428, %mul3A_2, %dma_wait3A_436] : memref<100x4096x128xf32, #tpu.memory_space<hbm>> -> memref<1x128x64xf32, #tpu.memory_space<hbm>>
    %dma_wait3A_438 = tpu.memref_squeeze %dma_wait3A_437 : memref<1x128x64xf32, #tpu.memory_space<hbm>> -> memref<128x64xf32, #tpu.memory_space<hbm>>
    %dma_wait3A_439 = arith.constant 0 : i32
    %dma_wait3A_440 = arith.constant 0 : i32
    %dma_wait3A_441 = tpu.memref_slice %arg6[%dma_wait3A_427, %dma_wait3A_439, %dma_wait3A_440] : memref<8x128x64xf32, #tpu.memory_space<vmem>> -> memref<1x128x64xf32, #tpu.memory_space<vmem>>
    %dma_wait3A_442 = tpu.memref_squeeze %dma_wait3A_441 : memref<1x128x64xf32, #tpu.memory_space<vmem>> -> memref<128x64xf32, #tpu.memory_space<vmem>>
    tpu.wait_dma2 semaphore(%arg11 : memref<!tpu.dma_semaphore, #tpu.memory_space<semaphore_mem>>) src(%dma_wait3A_442 : memref<128x64xf32, #tpu.memory_space<vmem>>) dst(%dma_wait3A_438 : memref<128x64xf32, #tpu.memory_space<hbm>>)
    %dma_wait3A_443 = arith.constant 3 : i32
    %dma_wait3A_444 = arith.constant 93 : i32
    %dma_wait3A_445 = arith.constant 0 : i32
    %dma_wait3A_446 = arith.constant 0 : i32
    %dma_wait3A_447 = tpu.memref_slice %arg6[%dma_wait3A_443, %dma_wait3A_445, %dma_wait3A_446] : memref<8x128x64xf32, #tpu.memory_space<vmem>> -> memref<1x128x64xf32, #tpu.memory_space<vmem>>
    %dma_wait3A_448 = tpu.memref_squeeze %dma_wait3A_447 : memref<1x128x64xf32, #tpu.memory_space<vmem>> -> memref<128x64xf32, #tpu.memory_space<vmem>>
    %dma_wait3A_449 = arith.constant 64 : i32
    %dma_wait3A_450 = tpu.memref_slice %arg4[%dma_wait3A_444, %mul3A_2, %dma_wait3A_449] : memref<100x4096x128xf32, #tpu.memory_space<hbm>> -> memref<1x128x64xf32, #tpu.memory_space<hbm>>
    %dma_wait3A_451 = tpu.memref_squeeze %dma_wait3A_450 : memref<1x128x64xf32, #tpu.memory_space<hbm>> -> memref<128x64xf32, #tpu.memory_space<hbm>>
    %dma_wait3A_452 = arith.constant 64 : i32
    %dma_wait3A_453 = tpu.memref_slice %arg4[%dma_wait3A_444, %mul3A_2, %dma_wait3A_452] : memref<100x4096x128xf32, #tpu.memory_space<hbm>> -> memref<1x128x64xf32, #tpu.memory_space<hbm>>
    %dma_wait3A_454 = tpu.memref_squeeze %dma_wait3A_453 : memref<1x128x64xf32, #tpu.memory_space<hbm>> -> memref<128x64xf32, #tpu.memory_space<hbm>>
    %dma_wait3A_455 = arith.constant 0 : i32
    %dma_wait3A_456 = arith.constant 0 : i32
    %dma_wait3A_457 = tpu.memref_slice %arg6[%dma_wait3A_443, %dma_wait3A_455, %dma_wait3A_456] : memref<8x128x64xf32, #tpu.memory_space<vmem>> -> memref<1x128x64xf32, #tpu.memory_space<vmem>>
    %dma_wait3A_458 = tpu.memref_squeeze %dma_wait3A_457 : memref<1x128x64xf32, #tpu.memory_space<vmem>> -> memref<128x64xf32, #tpu.memory_space<vmem>>
    tpu.wait_dma2 semaphore(%arg11 : memref<!tpu.dma_semaphore, #tpu.memory_space<semaphore_mem>>) src(%dma_wait3A_458 : memref<128x64xf32, #tpu.memory_space<vmem>>) dst(%dma_wait3A_454 : memref<128x64xf32, #tpu.memory_space<hbm>>)
    %dma_start3A_459 = arith.constant 0 : i32
    %dma_start3A_460 = arith.constant 0 : i32
    %dma_start3A_461 = arith.constant 0 : i32
    %dma_start3A_462 = arith.constant 0 : i32
    %dma_start3A_463 = tpu.memref_slice %arg6[%dma_start3A_460, %dma_start3A_461, %dma_start3A_462] : memref<8x128x64xf32, #tpu.memory_space<vmem>> -> memref<1x128x64xf32, #tpu.memory_space<vmem>>
    %dma_start3A_464 = tpu.memref_squeeze %dma_start3A_463 : memref<1x128x64xf32, #tpu.memory_space<vmem>> -> memref<128x64xf32, #tpu.memory_space<vmem>>
    %dma_start3A_465 = arith.constant 0 : i32
    %dma_start3A_466 = tpu.memref_slice %arg5[%dma_start3A_459, %dma_start3A_465] : memref<8x128xi32, #tpu.memory_space<vmem>> -> memref<1x128xi32, #tpu.memory_space<vmem>>
    %dma_start3A_467 = tpu.memref_squeeze %dma_start3A_466 : memref<1x128xi32, #tpu.memory_space<vmem>> -> memref<128xi32, #tpu.memory_space<vmem>>
    %dma_start3A_468 = arith.constant 0 : i32
    %dma_start3A_469 = arith.constant 0 : i32
    %dma_start3A_470 = tpu.memref_slice %arg2[%dma_start3A_468, %dma_start3A_469] : memref<100000x64xf32, #tpu.memory_space<hbm>> -> memref<100000x64xf32, #tpu.memory_space<hbm>>
    tpu.enqueue_indirect_dma source(%dma_start3A_470 : memref<100000x64xf32, #tpu.memory_space<hbm>>) target(%dma_start3A_464 : memref<128x64xf32, #tpu.memory_space<vmem>>) offsets(%dma_start3A_467 : memref<128xi32, #tpu.memory_space<vmem>>) semaphore(%arg9 : memref<!tpu.dma_semaphore, #tpu.memory_space<semaphore_mem>>)
    %dma_start3A_471 = arith.constant 1 : i32
    %dma_start3A_472 = arith.constant 1 : i32
    %dma_start3A_473 = arith.constant 0 : i32
    %dma_start3A_474 = arith.constant 0 : i32
    %dma_start3A_475 = tpu.memref_slice %arg6[%dma_start3A_472, %dma_start3A_473, %dma_start3A_474] : memref<8x128x64xf32, #tpu.memory_space<vmem>> -> memref<1x128x64xf32, #tpu.memory_space<vmem>>
    %dma_start3A_476 = tpu.memref_squeeze %dma_start3A_475 : memref<1x128x64xf32, #tpu.memory_space<vmem>> -> memref<128x64xf32, #tpu.memory_space<vmem>>
    %dma_start3A_477 = arith.constant 0 : i32
    %dma_start3A_478 = tpu.memref_slice %arg5[%dma_start3A_471, %dma_start3A_477] : memref<8x128xi32, #tpu.memory_space<vmem>> -> memref<1x128xi32, #tpu.memory_space<vmem>>
    %dma_start3A_479 = tpu.memref_squeeze %dma_start3A_478 : memref<1x128xi32, #tpu.memory_space<vmem>> -> memref<128xi32, #tpu.memory_space<vmem>>
    %dma_start3A_480 = arith.constant 0 : i32
    %dma_start3A_481 = arith.constant 0 : i32
    %dma_start3A_482 = tpu.memref_slice %arg2[%dma_start3A_480, %dma_start3A_481] : memref<100000x64xf32, #tpu.memory_space<hbm>> -> memref<100000x64xf32, #tpu.memory_space<hbm>>
    tpu.enqueue_indirect_dma source(%dma_start3A_482 : memref<100000x64xf32, #tpu.memory_space<hbm>>) target(%dma_start3A_476 : memref<128x64xf32, #tpu.memory_space<vmem>>) offsets(%dma_start3A_479 : memref<128xi32, #tpu.memory_space<vmem>>) semaphore(%arg9 : memref<!tpu.dma_semaphore, #tpu.memory_space<semaphore_mem>>)
    %dma_start3A_483 = arith.constant 2 : i32
    %dma_start3A_484 = arith.constant 2 : i32
    %dma_start3A_485 = arith.constant 0 : i32
    %dma_start3A_486 = arith.constant 0 : i32
    %dma_start3A_487 = tpu.memref_slice %arg6[%dma_start3A_484, %dma_start3A_485, %dma_start3A_486] : memref<8x128x64xf32, #tpu.memory_space<vmem>> -> memref<1x128x64xf32, #tpu.memory_space<vmem>>
    %dma_start3A_488 = tpu.memref_squeeze %dma_start3A_487 : memref<1x128x64xf32, #tpu.memory_space<vmem>> -> memref<128x64xf32, #tpu.memory_space<vmem>>
    %dma_start3A_489 = arith.constant 0 : i32
    %dma_start3A_490 = tpu.memref_slice %arg5[%dma_start3A_483, %dma_start3A_489] : memref<8x128xi32, #tpu.memory_space<vmem>> -> memref<1x128xi32, #tpu.memory_space<vmem>>
    %dma_start3A_491 = tpu.memref_squeeze %dma_start3A_490 : memref<1x128xi32, #tpu.memory_space<vmem>> -> memref<128xi32, #tpu.memory_space<vmem>>
    %dma_start3A_492 = arith.constant 0 : i32
    %dma_start3A_493 = arith.constant 0 : i32
    %dma_start3A_494 = tpu.memref_slice %arg2[%dma_start3A_492, %dma_start3A_493] : memref<100000x64xf32, #tpu.memory_space<hbm>> -> memref<100000x64xf32, #tpu.memory_space<hbm>>
    tpu.enqueue_indirect_dma source(%dma_start3A_494 : memref<100000x64xf32, #tpu.memory_space<hbm>>) target(%dma_start3A_488 : memref<128x64xf32, #tpu.memory_space<vmem>>) offsets(%dma_start3A_491 : memref<128xi32, #tpu.memory_space<vmem>>) semaphore(%arg9 : memref<!tpu.dma_semaphore, #tpu.memory_space<semaphore_mem>>)
    %dma_start3A_495 = arith.constant 3 : i32
    %dma_start3A_496 = arith.constant 3 : i32
    %dma_start3A_497 = arith.constant 0 : i32
    %dma_start3A_498 = arith.constant 0 : i32
    %dma_start3A_499 = tpu.memref_slice %arg6[%dma_start3A_496, %dma_start3A_497, %dma_start3A_498] : memref<8x128x64xf32, #tpu.memory_space<vmem>> -> memref<1x128x64xf32, #tpu.memory_space<vmem>>
    %dma_start3A_500 = tpu.memref_squeeze %dma_start3A_499 : memref<1x128x64xf32, #tpu.memory_space<vmem>> -> memref<128x64xf32, #tpu.memory_space<vmem>>
    %dma_start3A_501 = arith.constant 0 : i32
    %dma_start3A_502 = tpu.memref_slice %arg5[%dma_start3A_495, %dma_start3A_501] : memref<8x128xi32, #tpu.memory_space<vmem>> -> memref<1x128xi32, #tpu.memory_space<vmem>>
    %dma_start3A_503 = tpu.memref_squeeze %dma_start3A_502 : memref<1x128xi32, #tpu.memory_space<vmem>> -> memref<128xi32, #tpu.memory_space<vmem>>
    %dma_start3A_504 = arith.constant 0 : i32
    %dma_start3A_505 = arith.constant 0 : i32
    %dma_start3A_506 = tpu.memref_slice %arg2[%dma_start3A_504, %dma_start3A_505] : memref<100000x64xf32, #tpu.memory_space<hbm>> -> memref<100000x64xf32, #tpu.memory_space<hbm>>
    tpu.enqueue_indirect_dma source(%dma_start3A_506 : memref<100000x64xf32, #tpu.memory_space<hbm>>) target(%dma_start3A_500 : memref<128x64xf32, #tpu.memory_space<vmem>>) offsets(%dma_start3A_503 : memref<128xi32, #tpu.memory_space<vmem>>) semaphore(%arg9 : memref<!tpu.dma_semaphore, #tpu.memory_space<semaphore_mem>>)
    %dma_wait3A_507 = arith.constant 0 : i32
    %dma_wait3A_508 = arith.constant 0 : i32
    %dma_wait3A_509 = arith.constant 0 : i32
    %dma_wait3A_510 = arith.constant 0 : i32
    %dma_wait3A_511 = tpu.memref_slice %arg6[%dma_wait3A_508, %dma_wait3A_509, %dma_wait3A_510] : memref<8x128x64xf32, #tpu.memory_space<vmem>> -> memref<1x128x64xf32, #tpu.memory_space<vmem>>
    %dma_wait3A_512 = tpu.memref_squeeze %dma_wait3A_511 : memref<1x128x64xf32, #tpu.memory_space<vmem>> -> memref<128x64xf32, #tpu.memory_space<vmem>>
    %dma_wait3A_513 = arith.constant 0 : i32
    %dma_wait3A_514 = tpu.memref_slice %arg5[%dma_wait3A_507, %dma_wait3A_513] : memref<8x128xi32, #tpu.memory_space<vmem>> -> memref<1x128xi32, #tpu.memory_space<vmem>>
    %dma_wait3A_515 = tpu.memref_squeeze %dma_wait3A_514 : memref<1x128xi32, #tpu.memory_space<vmem>> -> memref<128xi32, #tpu.memory_space<vmem>>
    %dma_wait3A_516 = arith.constant 0 : i32
    %dma_wait3A_517 = arith.constant 0 : i32
    %dma_wait3A_518 = tpu.memref_slice %arg2[%dma_wait3A_516, %dma_wait3A_517] : memref<100000x64xf32, #tpu.memory_space<hbm>> -> memref<100000x64xf32, #tpu.memory_space<hbm>>
    tpu.wait_indirect_dma semaphore(%arg9 : memref<!tpu.dma_semaphore, #tpu.memory_space<semaphore_mem>>) src(%dma_wait3A_518 : memref<100000x64xf32, #tpu.memory_space<hbm>>) dst(%dma_wait3A_512 : memref<128x64xf32, #tpu.memory_space<vmem>>)
    %dma_wait3A_519 = arith.constant 1 : i32
    %dma_wait3A_520 = arith.constant 1 : i32
    %dma_wait3A_521 = arith.constant 0 : i32
    %dma_wait3A_522 = arith.constant 0 : i32
    %dma_wait3A_523 = tpu.memref_slice %arg6[%dma_wait3A_520, %dma_wait3A_521, %dma_wait3A_522] : memref<8x128x64xf32, #tpu.memory_space<vmem>> -> memref<1x128x64xf32, #tpu.memory_space<vmem>>
    %dma_wait3A_524 = tpu.memref_squeeze %dma_wait3A_523 : memref<1x128x64xf32, #tpu.memory_space<vmem>> -> memref<128x64xf32, #tpu.memory_space<vmem>>
    %dma_wait3A_525 = arith.constant 0 : i32
    %dma_wait3A_526 = tpu.memref_slice %arg5[%dma_wait3A_519, %dma_wait3A_525] : memref<8x128xi32, #tpu.memory_space<vmem>> -> memref<1x128xi32, #tpu.memory_space<vmem>>
    %dma_wait3A_527 = tpu.memref_squeeze %dma_wait3A_526 : memref<1x128xi32, #tpu.memory_space<vmem>> -> memref<128xi32, #tpu.memory_space<vmem>>
    %dma_wait3A_528 = arith.constant 0 : i32
    %dma_wait3A_529 = arith.constant 0 : i32
    %dma_wait3A_530 = tpu.memref_slice %arg2[%dma_wait3A_528, %dma_wait3A_529] : memref<100000x64xf32, #tpu.memory_space<hbm>> -> memref<100000x64xf32, #tpu.memory_space<hbm>>
    tpu.wait_indirect_dma semaphore(%arg9 : memref<!tpu.dma_semaphore, #tpu.memory_space<semaphore_mem>>) src(%dma_wait3A_530 : memref<100000x64xf32, #tpu.memory_space<hbm>>) dst(%dma_wait3A_524 : memref<128x64xf32, #tpu.memory_space<vmem>>)
    %dma_wait3A_531 = arith.constant 2 : i32
    %dma_wait3A_532 = arith.constant 2 : i32
    %dma_wait3A_533 = arith.constant 0 : i32
    %dma_wait3A_534 = arith.constant 0 : i32
    %dma_wait3A_535 = tpu.memref_slice %arg6[%dma_wait3A_532, %dma_wait3A_533, %dma_wait3A_534] : memref<8x128x64xf32, #tpu.memory_space<vmem>> -> memref<1x128x64xf32, #tpu.memory_space<vmem>>
    %dma_wait3A_536 = tpu.memref_squeeze %dma_wait3A_535 : memref<1x128x64xf32, #tpu.memory_space<vmem>> -> memref<128x64xf32, #tpu.memory_space<vmem>>
    %dma_wait3A_537 = arith.constant 0 : i32
    %dma_wait3A_538 = tpu.memref_slice %arg5[%dma_wait3A_531, %dma_wait3A_537] : memref<8x128xi32, #tpu.memory_space<vmem>> -> memref<1x128xi32, #tpu.memory_space<vmem>>
    %dma_wait3A_539 = tpu.memref_squeeze %dma_wait3A_538 : memref<1x128xi32, #tpu.memory_space<vmem>> -> memref<128xi32, #tpu.memory_space<vmem>>
    %dma_wait3A_540 = arith.constant 0 : i32
    %dma_wait3A_541 = arith.constant 0 : i32
    %dma_wait3A_542 = tpu.memref_slice %arg2[%dma_wait3A_540, %dma_wait3A_541] : memref<100000x64xf32, #tpu.memory_space<hbm>> -> memref<100000x64xf32, #tpu.memory_space<hbm>>
    tpu.wait_indirect_dma semaphore(%arg9 : memref<!tpu.dma_semaphore, #tpu.memory_space<semaphore_mem>>) src(%dma_wait3A_542 : memref<100000x64xf32, #tpu.memory_space<hbm>>) dst(%dma_wait3A_536 : memref<128x64xf32, #tpu.memory_space<vmem>>)
    %dma_wait3A_543 = arith.constant 3 : i32
    %dma_wait3A_544 = arith.constant 3 : i32
    %dma_wait3A_545 = arith.constant 0 : i32
    %dma_wait3A_546 = arith.constant 0 : i32
    %dma_wait3A_547 = tpu.memref_slice %arg6[%dma_wait3A_544, %dma_wait3A_545, %dma_wait3A_546] : memref<8x128x64xf32, #tpu.memory_space<vmem>> -> memref<1x128x64xf32, #tpu.memory_space<vmem>>
    %dma_wait3A_548 = tpu.memref_squeeze %dma_wait3A_547 : memref<1x128x64xf32, #tpu.memory_space<vmem>> -> memref<128x64xf32, #tpu.memory_space<vmem>>
    %dma_wait3A_549 = arith.constant 0 : i32
    %dma_wait3A_550 = tpu.memref_slice %arg5[%dma_wait3A_543, %dma_wait3A_549] : memref<8x128xi32, #tpu.memory_space<vmem>> -> memref<1x128xi32, #tpu.memory_space<vmem>>
    %dma_wait3A_551 = tpu.memref_squeeze %dma_wait3A_550 : memref<1x128xi32, #tpu.memory_space<vmem>> -> memref<128xi32, #tpu.memory_space<vmem>>
    %dma_wait3A_552 = arith.constant 0 : i32
    %dma_wait3A_553 = arith.constant 0 : i32
    %dma_wait3A_554 = tpu.memref_slice %arg2[%dma_wait3A_552, %dma_wait3A_553] : memref<100000x64xf32, #tpu.memory_space<hbm>> -> memref<100000x64xf32, #tpu.memory_space<hbm>>
    tpu.wait_indirect_dma semaphore(%arg9 : memref<!tpu.dma_semaphore, #tpu.memory_space<semaphore_mem>>) src(%dma_wait3A_554 : memref<100000x64xf32, #tpu.memory_space<hbm>>) dst(%dma_wait3A_548 : memref<128x64xf32, #tpu.memory_space<vmem>>)
    %dma_start3A_555 = arith.constant 0 : i32
    %dma_start3A_556 = arith.constant 96 : i32
    %dma_start3A_557 = arith.constant 0 : i32
    %dma_start3A_558 = arith.constant 0 : i32
    %dma_start3A_559 = tpu.memref_slice %arg6[%dma_start3A_555, %dma_start3A_557, %dma_start3A_558] : memref<8x128x64xf32, #tpu.memory_space<vmem>> -> memref<1x128x64xf32, #tpu.memory_space<vmem>>
    %dma_start3A_560 = tpu.memref_squeeze %dma_start3A_559 : memref<1x128x64xf32, #tpu.memory_space<vmem>> -> memref<128x64xf32, #tpu.memory_space<vmem>>
    %dma_start3A_561 = arith.constant 0 : i32
    %dma_start3A_562 = tpu.memref_slice %arg4[%dma_start3A_556, %mul3A_2, %dma_start3A_561] : memref<100x4096x128xf32, #tpu.memory_space<hbm>> -> memref<1x128x64xf32, #tpu.memory_space<hbm>>
    %dma_start3A_563 = tpu.memref_squeeze %dma_start3A_562 : memref<1x128x64xf32, #tpu.memory_space<hbm>> -> memref<128x64xf32, #tpu.memory_space<hbm>>
    %dma_start3A_564 = arith.constant 0 : i32
    %dma_start3A_565 = tpu.memref_slice %arg4[%dma_start3A_556, %mul3A_2, %dma_start3A_564] : memref<100x4096x128xf32, #tpu.memory_space<hbm>> -> memref<1x128x64xf32, #tpu.memory_space<hbm>>
    %dma_start3A_566 = tpu.memref_squeeze %dma_start3A_565 : memref<1x128x64xf32, #tpu.memory_space<hbm>> -> memref<128x64xf32, #tpu.memory_space<hbm>>
    %dma_start3A_567 = arith.constant 0 : i32
    %dma_start3A_568 = arith.constant 0 : i32
    %dma_start3A_569 = tpu.memref_slice %arg6[%dma_start3A_555, %dma_start3A_567, %dma_start3A_568] : memref<8x128x64xf32, #tpu.memory_space<vmem>> -> memref<1x128x64xf32, #tpu.memory_space<vmem>>
    %dma_start3A_570 = tpu.memref_squeeze %dma_start3A_569 : memref<1x128x64xf32, #tpu.memory_space<vmem>> -> memref<128x64xf32, #tpu.memory_space<vmem>>
    tpu.enqueue_dma source(%dma_start3A_570 : memref<128x64xf32, #tpu.memory_space<vmem>>) target(%dma_start3A_566 : memref<128x64xf32, #tpu.memory_space<hbm>>) target_semaphore(%arg11 : memref<!tpu.dma_semaphore, #tpu.memory_space<semaphore_mem>>)
    %dma_start3A_571 = arith.constant 1 : i32
    %dma_start3A_572 = arith.constant 96 : i32
    %dma_start3A_573 = arith.constant 0 : i32
    %dma_start3A_574 = arith.constant 0 : i32
    %dma_start3A_575 = tpu.memref_slice %arg6[%dma_start3A_571, %dma_start3A_573, %dma_start3A_574] : memref<8x128x64xf32, #tpu.memory_space<vmem>> -> memref<1x128x64xf32, #tpu.memory_space<vmem>>
    %dma_start3A_576 = tpu.memref_squeeze %dma_start3A_575 : memref<1x128x64xf32, #tpu.memory_space<vmem>> -> memref<128x64xf32, #tpu.memory_space<vmem>>
    %dma_start3A_577 = arith.constant 64 : i32
    %dma_start3A_578 = tpu.memref_slice %arg4[%dma_start3A_572, %mul3A_2, %dma_start3A_577] : memref<100x4096x128xf32, #tpu.memory_space<hbm>> -> memref<1x128x64xf32, #tpu.memory_space<hbm>>
    %dma_start3A_579 = tpu.memref_squeeze %dma_start3A_578 : memref<1x128x64xf32, #tpu.memory_space<hbm>> -> memref<128x64xf32, #tpu.memory_space<hbm>>
    %dma_start3A_580 = arith.constant 64 : i32
    %dma_start3A_581 = tpu.memref_slice %arg4[%dma_start3A_572, %mul3A_2, %dma_start3A_580] : memref<100x4096x128xf32, #tpu.memory_space<hbm>> -> memref<1x128x64xf32, #tpu.memory_space<hbm>>
    %dma_start3A_582 = tpu.memref_squeeze %dma_start3A_581 : memref<1x128x64xf32, #tpu.memory_space<hbm>> -> memref<128x64xf32, #tpu.memory_space<hbm>>
    %dma_start3A_583 = arith.constant 0 : i32
    %dma_start3A_584 = arith.constant 0 : i32
    %dma_start3A_585 = tpu.memref_slice %arg6[%dma_start3A_571, %dma_start3A_583, %dma_start3A_584] : memref<8x128x64xf32, #tpu.memory_space<vmem>> -> memref<1x128x64xf32, #tpu.memory_space<vmem>>
    %dma_start3A_586 = tpu.memref_squeeze %dma_start3A_585 : memref<1x128x64xf32, #tpu.memory_space<vmem>> -> memref<128x64xf32, #tpu.memory_space<vmem>>
    tpu.enqueue_dma source(%dma_start3A_586 : memref<128x64xf32, #tpu.memory_space<vmem>>) target(%dma_start3A_582 : memref<128x64xf32, #tpu.memory_space<hbm>>) target_semaphore(%arg11 : memref<!tpu.dma_semaphore, #tpu.memory_space<semaphore_mem>>)
    %dma_start3A_587 = arith.constant 2 : i32
    %dma_start3A_588 = arith.constant 97 : i32
    %dma_start3A_589 = arith.constant 0 : i32
    %dma_start3A_590 = arith.constant 0 : i32
    %dma_start3A_591 = tpu.memref_slice %arg6[%dma_start3A_587, %dma_start3A_589, %dma_start3A_590] : memref<8x128x64xf32, #tpu.memory_space<vmem>> -> memref<1x128x64xf32, #tpu.memory_space<vmem>>
    %dma_start3A_592 = tpu.memref_squeeze %dma_start3A_591 : memref<1x128x64xf32, #tpu.memory_space<vmem>> -> memref<128x64xf32, #tpu.memory_space<vmem>>
    %dma_start3A_593 = arith.constant 0 : i32
    %dma_start3A_594 = tpu.memref_slice %arg4[%dma_start3A_588, %mul3A_2, %dma_start3A_593] : memref<100x4096x128xf32, #tpu.memory_space<hbm>> -> memref<1x128x64xf32, #tpu.memory_space<hbm>>
    %dma_start3A_595 = tpu.memref_squeeze %dma_start3A_594 : memref<1x128x64xf32, #tpu.memory_space<hbm>> -> memref<128x64xf32, #tpu.memory_space<hbm>>
    %dma_start3A_596 = arith.constant 0 : i32
    %dma_start3A_597 = tpu.memref_slice %arg4[%dma_start3A_588, %mul3A_2, %dma_start3A_596] : memref<100x4096x128xf32, #tpu.memory_space<hbm>> -> memref<1x128x64xf32, #tpu.memory_space<hbm>>
    %dma_start3A_598 = tpu.memref_squeeze %dma_start3A_597 : memref<1x128x64xf32, #tpu.memory_space<hbm>> -> memref<128x64xf32, #tpu.memory_space<hbm>>
    %dma_start3A_599 = arith.constant 0 : i32
    %dma_start3A_600 = arith.constant 0 : i32
    %dma_start3A_601 = tpu.memref_slice %arg6[%dma_start3A_587, %dma_start3A_599, %dma_start3A_600] : memref<8x128x64xf32, #tpu.memory_space<vmem>> -> memref<1x128x64xf32, #tpu.memory_space<vmem>>
    %dma_start3A_602 = tpu.memref_squeeze %dma_start3A_601 : memref<1x128x64xf32, #tpu.memory_space<vmem>> -> memref<128x64xf32, #tpu.memory_space<vmem>>
    tpu.enqueue_dma source(%dma_start3A_602 : memref<128x64xf32, #tpu.memory_space<vmem>>) target(%dma_start3A_598 : memref<128x64xf32, #tpu.memory_space<hbm>>) target_semaphore(%arg11 : memref<!tpu.dma_semaphore, #tpu.memory_space<semaphore_mem>>)
    %dma_start3A_603 = arith.constant 3 : i32
    %dma_start3A_604 = arith.constant 97 : i32
    %dma_start3A_605 = arith.constant 0 : i32
    %dma_start3A_606 = arith.constant 0 : i32
    %dma_start3A_607 = tpu.memref_slice %arg6[%dma_start3A_603, %dma_start3A_605, %dma_start3A_606] : memref<8x128x64xf32, #tpu.memory_space<vmem>> -> memref<1x128x64xf32, #tpu.memory_space<vmem>>
    %dma_start3A_608 = tpu.memref_squeeze %dma_start3A_607 : memref<1x128x64xf32, #tpu.memory_space<vmem>> -> memref<128x64xf32, #tpu.memory_space<vmem>>
    %dma_start3A_609 = arith.constant 64 : i32
    %dma_start3A_610 = tpu.memref_slice %arg4[%dma_start3A_604, %mul3A_2, %dma_start3A_609] : memref<100x4096x128xf32, #tpu.memory_space<hbm>> -> memref<1x128x64xf32, #tpu.memory_space<hbm>>
    %dma_start3A_611 = tpu.memref_squeeze %dma_start3A_610 : memref<1x128x64xf32, #tpu.memory_space<hbm>> -> memref<128x64xf32, #tpu.memory_space<hbm>>
    %dma_start3A_612 = arith.constant 64 : i32
    %dma_start3A_613 = tpu.memref_slice %arg4[%dma_start3A_604, %mul3A_2, %dma_start3A_612] : memref<100x4096x128xf32, #tpu.memory_space<hbm>> -> memref<1x128x64xf32, #tpu.memory_space<hbm>>
    %dma_start3A_614 = tpu.memref_squeeze %dma_start3A_613 : memref<1x128x64xf32, #tpu.memory_space<hbm>> -> memref<128x64xf32, #tpu.memory_space<hbm>>
    %dma_start3A_615 = arith.constant 0 : i32
    %dma_start3A_616 = arith.constant 0 : i32
    %dma_start3A_617 = tpu.memref_slice %arg6[%dma_start3A_603, %dma_start3A_615, %dma_start3A_616] : memref<8x128x64xf32, #tpu.memory_space<vmem>> -> memref<1x128x64xf32, #tpu.memory_space<vmem>>
    %dma_start3A_618 = tpu.memref_squeeze %dma_start3A_617 : memref<1x128x64xf32, #tpu.memory_space<vmem>> -> memref<128x64xf32, #tpu.memory_space<vmem>>
    tpu.enqueue_dma source(%dma_start3A_618 : memref<128x64xf32, #tpu.memory_space<vmem>>) target(%dma_start3A_614 : memref<128x64xf32, #tpu.memory_space<hbm>>) target_semaphore(%arg11 : memref<!tpu.dma_semaphore, #tpu.memory_space<semaphore_mem>>)
    %dma_wait3A_619 = arith.constant 4 : i32
    %dma_wait3A_620 = arith.constant 0 : i32
    %dma_wait3A_621 = tpu.memref_slice %arg5[%dma_wait3A_619, %dma_wait3A_620] : memref<8x128xi32, #tpu.memory_space<vmem>> -> memref<4x128xi32, #tpu.memory_space<vmem>>
    %dma_wait3A_622 = arith.constant 196 : i32
    %dma_wait3A_623 = tpu.memref_slice %arg3[%dma_wait3A_622, %mul3A_2] : memref<200x4096xi32, #tpu.memory_space<hbm>> -> memref<4x128xi32, #tpu.memory_space<hbm>>
    %dma_wait3A_624 = arith.constant 4 : i32
    %dma_wait3A_625 = arith.constant 0 : i32
    %dma_wait3A_626 = tpu.memref_slice %arg5[%dma_wait3A_624, %dma_wait3A_625] : memref<8x128xi32, #tpu.memory_space<vmem>> -> memref<4x128xi32, #tpu.memory_space<vmem>>
    %dma_wait3A_627 = arith.constant 196 : i32
    %dma_wait3A_628 = tpu.memref_slice %arg3[%dma_wait3A_627, %mul3A_2] : memref<200x4096xi32, #tpu.memory_space<hbm>> -> memref<4x128xi32, #tpu.memory_space<hbm>>
    tpu.wait_dma2 semaphore(%arg8 : memref<!tpu.dma_semaphore, #tpu.memory_space<semaphore_mem>>) src(%dma_wait3A_628 : memref<4x128xi32, #tpu.memory_space<hbm>>) dst(%dma_wait3A_626 : memref<4x128xi32, #tpu.memory_space<vmem>>)
    %dma_wait3A_629 = arith.constant 4 : i32
    %dma_wait3A_630 = arith.constant 94 : i32
    %dma_wait3A_631 = arith.constant 0 : i32
    %dma_wait3A_632 = arith.constant 0 : i32
    %dma_wait3A_633 = tpu.memref_slice %arg6[%dma_wait3A_629, %dma_wait3A_631, %dma_wait3A_632] : memref<8x128x64xf32, #tpu.memory_space<vmem>> -> memref<1x128x64xf32, #tpu.memory_space<vmem>>
    %dma_wait3A_634 = tpu.memref_squeeze %dma_wait3A_633 : memref<1x128x64xf32, #tpu.memory_space<vmem>> -> memref<128x64xf32, #tpu.memory_space<vmem>>
    %dma_wait3A_635 = arith.constant 0 : i32
    %dma_wait3A_636 = tpu.memref_slice %arg4[%dma_wait3A_630, %mul3A_2, %dma_wait3A_635] : memref<100x4096x128xf32, #tpu.memory_space<hbm>> -> memref<1x128x64xf32, #tpu.memory_space<hbm>>
    %dma_wait3A_637 = tpu.memref_squeeze %dma_wait3A_636 : memref<1x128x64xf32, #tpu.memory_space<hbm>> -> memref<128x64xf32, #tpu.memory_space<hbm>>
    %dma_wait3A_638 = arith.constant 0 : i32
    %dma_wait3A_639 = tpu.memref_slice %arg4[%dma_wait3A_630, %mul3A_2, %dma_wait3A_638] : memref<100x4096x128xf32, #tpu.memory_space<hbm>> -> memref<1x128x64xf32, #tpu.memory_space<hbm>>
    %dma_wait3A_640 = tpu.memref_squeeze %dma_wait3A_639 : memref<1x128x64xf32, #tpu.memory_space<hbm>> -> memref<128x64xf32, #tpu.memory_space<hbm>>
    %dma_wait3A_641 = arith.constant 0 : i32
    %dma_wait3A_642 = arith.constant 0 : i32
    %dma_wait3A_643 = tpu.memref_slice %arg6[%dma_wait3A_629, %dma_wait3A_641, %dma_wait3A_642] : memref<8x128x64xf32, #tpu.memory_space<vmem>> -> memref<1x128x64xf32, #tpu.memory_space<vmem>>
    %dma_wait3A_644 = tpu.memref_squeeze %dma_wait3A_643 : memref<1x128x64xf32, #tpu.memory_space<vmem>> -> memref<128x64xf32, #tpu.memory_space<vmem>>
    tpu.wait_dma2 semaphore(%arg12 : memref<!tpu.dma_semaphore, #tpu.memory_space<semaphore_mem>>) src(%dma_wait3A_644 : memref<128x64xf32, #tpu.memory_space<vmem>>) dst(%dma_wait3A_640 : memref<128x64xf32, #tpu.memory_space<hbm>>)
    %dma_wait3A_645 = arith.constant 5 : i32
    %dma_wait3A_646 = arith.constant 94 : i32
    %dma_wait3A_647 = arith.constant 0 : i32
    %dma_wait3A_648 = arith.constant 0 : i32
    %dma_wait3A_649 = tpu.memref_slice %arg6[%dma_wait3A_645, %dma_wait3A_647, %dma_wait3A_648] : memref<8x128x64xf32, #tpu.memory_space<vmem>> -> memref<1x128x64xf32, #tpu.memory_space<vmem>>
    %dma_wait3A_650 = tpu.memref_squeeze %dma_wait3A_649 : memref<1x128x64xf32, #tpu.memory_space<vmem>> -> memref<128x64xf32, #tpu.memory_space<vmem>>
    %dma_wait3A_651 = arith.constant 64 : i32
    %dma_wait3A_652 = tpu.memref_slice %arg4[%dma_wait3A_646, %mul3A_2, %dma_wait3A_651] : memref<100x4096x128xf32, #tpu.memory_space<hbm>> -> memref<1x128x64xf32, #tpu.memory_space<hbm>>
    %dma_wait3A_653 = tpu.memref_squeeze %dma_wait3A_652 : memref<1x128x64xf32, #tpu.memory_space<hbm>> -> memref<128x64xf32, #tpu.memory_space<hbm>>
    %dma_wait3A_654 = arith.constant 64 : i32
    %dma_wait3A_655 = tpu.memref_slice %arg4[%dma_wait3A_646, %mul3A_2, %dma_wait3A_654] : memref<100x4096x128xf32, #tpu.memory_space<hbm>> -> memref<1x128x64xf32, #tpu.memory_space<hbm>>
    %dma_wait3A_656 = tpu.memref_squeeze %dma_wait3A_655 : memref<1x128x64xf32, #tpu.memory_space<hbm>> -> memref<128x64xf32, #tpu.memory_space<hbm>>
    %dma_wait3A_657 = arith.constant 0 : i32
    %dma_wait3A_658 = arith.constant 0 : i32
    %dma_wait3A_659 = tpu.memref_slice %arg6[%dma_wait3A_645, %dma_wait3A_657, %dma_wait3A_658] : memref<8x128x64xf32, #tpu.memory_space<vmem>> -> memref<1x128x64xf32, #tpu.memory_space<vmem>>
    %dma_wait3A_660 = tpu.memref_squeeze %dma_wait3A_659 : memref<1x128x64xf32, #tpu.memory_space<vmem>> -> memref<128x64xf32, #tpu.memory_space<vmem>>
    tpu.wait_dma2 semaphore(%arg12 : memref<!tpu.dma_semaphore, #tpu.memory_space<semaphore_mem>>) src(%dma_wait3A_660 : memref<128x64xf32, #tpu.memory_space<vmem>>) dst(%dma_wait3A_656 : memref<128x64xf32, #tpu.memory_space<hbm>>)
    %dma_wait3A_661 = arith.constant 6 : i32
    %dma_wait3A_662 = arith.constant 95 : i32
    %dma_wait3A_663 = arith.constant 0 : i32
    %dma_wait3A_664 = arith.constant 0 : i32
    %dma_wait3A_665 = tpu.memref_slice %arg6[%dma_wait3A_661, %dma_wait3A_663, %dma_wait3A_664] : memref<8x128x64xf32, #tpu.memory_space<vmem>> -> memref<1x128x64xf32, #tpu.memory_space<vmem>>
    %dma_wait3A_666 = tpu.memref_squeeze %dma_wait3A_665 : memref<1x128x64xf32, #tpu.memory_space<vmem>> -> memref<128x64xf32, #tpu.memory_space<vmem>>
    %dma_wait3A_667 = arith.constant 0 : i32
    %dma_wait3A_668 = tpu.memref_slice %arg4[%dma_wait3A_662, %mul3A_2, %dma_wait3A_667] : memref<100x4096x128xf32, #tpu.memory_space<hbm>> -> memref<1x128x64xf32, #tpu.memory_space<hbm>>
    %dma_wait3A_669 = tpu.memref_squeeze %dma_wait3A_668 : memref<1x128x64xf32, #tpu.memory_space<hbm>> -> memref<128x64xf32, #tpu.memory_space<hbm>>
    %dma_wait3A_670 = arith.constant 0 : i32
    %dma_wait3A_671 = tpu.memref_slice %arg4[%dma_wait3A_662, %mul3A_2, %dma_wait3A_670] : memref<100x4096x128xf32, #tpu.memory_space<hbm>> -> memref<1x128x64xf32, #tpu.memory_space<hbm>>
    %dma_wait3A_672 = tpu.memref_squeeze %dma_wait3A_671 : memref<1x128x64xf32, #tpu.memory_space<hbm>> -> memref<128x64xf32, #tpu.memory_space<hbm>>
    %dma_wait3A_673 = arith.constant 0 : i32
    %dma_wait3A_674 = arith.constant 0 : i32
    %dma_wait3A_675 = tpu.memref_slice %arg6[%dma_wait3A_661, %dma_wait3A_673, %dma_wait3A_674] : memref<8x128x64xf32, #tpu.memory_space<vmem>> -> memref<1x128x64xf32, #tpu.memory_space<vmem>>
    %dma_wait3A_676 = tpu.memref_squeeze %dma_wait3A_675 : memref<1x128x64xf32, #tpu.memory_space<vmem>> -> memref<128x64xf32, #tpu.memory_space<vmem>>
    tpu.wait_dma2 semaphore(%arg12 : memref<!tpu.dma_semaphore, #tpu.memory_space<semaphore_mem>>) src(%dma_wait3A_676 : memref<128x64xf32, #tpu.memory_space<vmem>>) dst(%dma_wait3A_672 : memref<128x64xf32, #tpu.memory_space<hbm>>)
    %dma_wait3A_677 = arith.constant 7 : i32
    %dma_wait3A_678 = arith.constant 95 : i32
    %dma_wait3A_679 = arith.constant 0 : i32
    %dma_wait3A_680 = arith.constant 0 : i32
    %dma_wait3A_681 = tpu.memref_slice %arg6[%dma_wait3A_677, %dma_wait3A_679, %dma_wait3A_680] : memref<8x128x64xf32, #tpu.memory_space<vmem>> -> memref<1x128x64xf32, #tpu.memory_space<vmem>>
    %dma_wait3A_682 = tpu.memref_squeeze %dma_wait3A_681 : memref<1x128x64xf32, #tpu.memory_space<vmem>> -> memref<128x64xf32, #tpu.memory_space<vmem>>
    %dma_wait3A_683 = arith.constant 64 : i32
    %dma_wait3A_684 = tpu.memref_slice %arg4[%dma_wait3A_678, %mul3A_2, %dma_wait3A_683] : memref<100x4096x128xf32, #tpu.memory_space<hbm>> -> memref<1x128x64xf32, #tpu.memory_space<hbm>>
    %dma_wait3A_685 = tpu.memref_squeeze %dma_wait3A_684 : memref<1x128x64xf32, #tpu.memory_space<hbm>> -> memref<128x64xf32, #tpu.memory_space<hbm>>
    %dma_wait3A_686 = arith.constant 64 : i32
    %dma_wait3A_687 = tpu.memref_slice %arg4[%dma_wait3A_678, %mul3A_2, %dma_wait3A_686] : memref<100x4096x128xf32, #tpu.memory_space<hbm>> -> memref<1x128x64xf32, #tpu.memory_space<hbm>>
    %dma_wait3A_688 = tpu.memref_squeeze %dma_wait3A_687 : memref<1x128x64xf32, #tpu.memory_space<hbm>> -> memref<128x64xf32, #tpu.memory_space<hbm>>
    %dma_wait3A_689 = arith.constant 0 : i32
    %dma_wait3A_690 = arith.constant 0 : i32
    %dma_wait3A_691 = tpu.memref_slice %arg6[%dma_wait3A_677, %dma_wait3A_689, %dma_wait3A_690] : memref<8x128x64xf32, #tpu.memory_space<vmem>> -> memref<1x128x64xf32, #tpu.memory_space<vmem>>
    %dma_wait3A_692 = tpu.memref_squeeze %dma_wait3A_691 : memref<1x128x64xf32, #tpu.memory_space<vmem>> -> memref<128x64xf32, #tpu.memory_space<vmem>>
    tpu.wait_dma2 semaphore(%arg12 : memref<!tpu.dma_semaphore, #tpu.memory_space<semaphore_mem>>) src(%dma_wait3A_692 : memref<128x64xf32, #tpu.memory_space<vmem>>) dst(%dma_wait3A_688 : memref<128x64xf32, #tpu.memory_space<hbm>>)
    %dma_start3A_693 = arith.constant 4 : i32
    %dma_start3A_694 = arith.constant 4 : i32
    %dma_start3A_695 = arith.constant 0 : i32
    %dma_start3A_696 = arith.constant 0 : i32
    %dma_start3A_697 = tpu.memref_slice %arg6[%dma_start3A_694, %dma_start3A_695, %dma_start3A_696] : memref<8x128x64xf32, #tpu.memory_space<vmem>> -> memref<1x128x64xf32, #tpu.memory_space<vmem>>
    %dma_start3A_698 = tpu.memref_squeeze %dma_start3A_697 : memref<1x128x64xf32, #tpu.memory_space<vmem>> -> memref<128x64xf32, #tpu.memory_space<vmem>>
    %dma_start3A_699 = arith.constant 0 : i32
    %dma_start3A_700 = tpu.memref_slice %arg5[%dma_start3A_693, %dma_start3A_699] : memref<8x128xi32, #tpu.memory_space<vmem>> -> memref<1x128xi32, #tpu.memory_space<vmem>>
    %dma_start3A_701 = tpu.memref_squeeze %dma_start3A_700 : memref<1x128xi32, #tpu.memory_space<vmem>> -> memref<128xi32, #tpu.memory_space<vmem>>
    %dma_start3A_702 = arith.constant 0 : i32
    %dma_start3A_703 = arith.constant 0 : i32
    %dma_start3A_704 = tpu.memref_slice %arg2[%dma_start3A_702, %dma_start3A_703] : memref<100000x64xf32, #tpu.memory_space<hbm>> -> memref<100000x64xf32, #tpu.memory_space<hbm>>
    tpu.enqueue_indirect_dma source(%dma_start3A_704 : memref<100000x64xf32, #tpu.memory_space<hbm>>) target(%dma_start3A_698 : memref<128x64xf32, #tpu.memory_space<vmem>>) offsets(%dma_start3A_701 : memref<128xi32, #tpu.memory_space<vmem>>) semaphore(%arg10 : memref<!tpu.dma_semaphore, #tpu.memory_space<semaphore_mem>>)
    %dma_start3A_705 = arith.constant 5 : i32
    %dma_start3A_706 = arith.constant 5 : i32
    %dma_start3A_707 = arith.constant 0 : i32
    %dma_start3A_708 = arith.constant 0 : i32
    %dma_start3A_709 = tpu.memref_slice %arg6[%dma_start3A_706, %dma_start3A_707, %dma_start3A_708] : memref<8x128x64xf32, #tpu.memory_space<vmem>> -> memref<1x128x64xf32, #tpu.memory_space<vmem>>
    %dma_start3A_710 = tpu.memref_squeeze %dma_start3A_709 : memref<1x128x64xf32, #tpu.memory_space<vmem>> -> memref<128x64xf32, #tpu.memory_space<vmem>>
    %dma_start3A_711 = arith.constant 0 : i32
    %dma_start3A_712 = tpu.memref_slice %arg5[%dma_start3A_705, %dma_start3A_711] : memref<8x128xi32, #tpu.memory_space<vmem>> -> memref<1x128xi32, #tpu.memory_space<vmem>>
    %dma_start3A_713 = tpu.memref_squeeze %dma_start3A_712 : memref<1x128xi32, #tpu.memory_space<vmem>> -> memref<128xi32, #tpu.memory_space<vmem>>
    %dma_start3A_714 = arith.constant 0 : i32
    %dma_start3A_715 = arith.constant 0 : i32
    %dma_start3A_716 = tpu.memref_slice %arg2[%dma_start3A_714, %dma_start3A_715] : memref<100000x64xf32, #tpu.memory_space<hbm>> -> memref<100000x64xf32, #tpu.memory_space<hbm>>
    tpu.enqueue_indirect_dma source(%dma_start3A_716 : memref<100000x64xf32, #tpu.memory_space<hbm>>) target(%dma_start3A_710 : memref<128x64xf32, #tpu.memory_space<vmem>>) offsets(%dma_start3A_713 : memref<128xi32, #tpu.memory_space<vmem>>) semaphore(%arg10 : memref<!tpu.dma_semaphore, #tpu.memory_space<semaphore_mem>>)
    %dma_start3A_717 = arith.constant 6 : i32
    %dma_start3A_718 = arith.constant 6 : i32
    %dma_start3A_719 = arith.constant 0 : i32
    %dma_start3A_720 = arith.constant 0 : i32
    %dma_start3A_721 = tpu.memref_slice %arg6[%dma_start3A_718, %dma_start3A_719, %dma_start3A_720] : memref<8x128x64xf32, #tpu.memory_space<vmem>> -> memref<1x128x64xf32, #tpu.memory_space<vmem>>
    %dma_start3A_722 = tpu.memref_squeeze %dma_start3A_721 : memref<1x128x64xf32, #tpu.memory_space<vmem>> -> memref<128x64xf32, #tpu.memory_space<vmem>>
    %dma_start3A_723 = arith.constant 0 : i32
    %dma_start3A_724 = tpu.memref_slice %arg5[%dma_start3A_717, %dma_start3A_723] : memref<8x128xi32, #tpu.memory_space<vmem>> -> memref<1x128xi32, #tpu.memory_space<vmem>>
    %dma_start3A_725 = tpu.memref_squeeze %dma_start3A_724 : memref<1x128xi32, #tpu.memory_space<vmem>> -> memref<128xi32, #tpu.memory_space<vmem>>
    %dma_start3A_726 = arith.constant 0 : i32
    %dma_start3A_727 = arith.constant 0 : i32
    %dma_start3A_728 = tpu.memref_slice %arg2[%dma_start3A_726, %dma_start3A_727] : memref<100000x64xf32, #tpu.memory_space<hbm>> -> memref<100000x64xf32, #tpu.memory_space<hbm>>
    tpu.enqueue_indirect_dma source(%dma_start3A_728 : memref<100000x64xf32, #tpu.memory_space<hbm>>) target(%dma_start3A_722 : memref<128x64xf32, #tpu.memory_space<vmem>>) offsets(%dma_start3A_725 : memref<128xi32, #tpu.memory_space<vmem>>) semaphore(%arg10 : memref<!tpu.dma_semaphore, #tpu.memory_space<semaphore_mem>>)
    %dma_start3A_729 = arith.constant 7 : i32
    %dma_start3A_730 = arith.constant 7 : i32
    %dma_start3A_731 = arith.constant 0 : i32
    %dma_start3A_732 = arith.constant 0 : i32
    %dma_start3A_733 = tpu.memref_slice %arg6[%dma_start3A_730, %dma_start3A_731, %dma_start3A_732] : memref<8x128x64xf32, #tpu.memory_space<vmem>> -> memref<1x128x64xf32, #tpu.memory_space<vmem>>
    %dma_start3A_734 = tpu.memref_squeeze %dma_start3A_733 : memref<1x128x64xf32, #tpu.memory_space<vmem>> -> memref<128x64xf32, #tpu.memory_space<vmem>>
    %dma_start3A_735 = arith.constant 0 : i32
    %dma_start3A_736 = tpu.memref_slice %arg5[%dma_start3A_729, %dma_start3A_735] : memref<8x128xi32, #tpu.memory_space<vmem>> -> memref<1x128xi32, #tpu.memory_space<vmem>>
    %dma_start3A_737 = tpu.memref_squeeze %dma_start3A_736 : memref<1x128xi32, #tpu.memory_space<vmem>> -> memref<128xi32, #tpu.memory_space<vmem>>
    %dma_start3A_738 = arith.constant 0 : i32
    %dma_start3A_739 = arith.constant 0 : i32
    %dma_start3A_740 = tpu.memref_slice %arg2[%dma_start3A_738, %dma_start3A_739] : memref<100000x64xf32, #tpu.memory_space<hbm>> -> memref<100000x64xf32, #tpu.memory_space<hbm>>
    tpu.enqueue_indirect_dma source(%dma_start3A_740 : memref<100000x64xf32, #tpu.memory_space<hbm>>) target(%dma_start3A_734 : memref<128x64xf32, #tpu.memory_space<vmem>>) offsets(%dma_start3A_737 : memref<128xi32, #tpu.memory_space<vmem>>) semaphore(%arg10 : memref<!tpu.dma_semaphore, #tpu.memory_space<semaphore_mem>>)
    %dma_wait3A_741 = arith.constant 4 : i32
    %dma_wait3A_742 = arith.constant 4 : i32
    %dma_wait3A_743 = arith.constant 0 : i32
    %dma_wait3A_744 = arith.constant 0 : i32
    %dma_wait3A_745 = tpu.memref_slice %arg6[%dma_wait3A_742, %dma_wait3A_743, %dma_wait3A_744] : memref<8x128x64xf32, #tpu.memory_space<vmem>> -> memref<1x128x64xf32, #tpu.memory_space<vmem>>
    %dma_wait3A_746 = tpu.memref_squeeze %dma_wait3A_745 : memref<1x128x64xf32, #tpu.memory_space<vmem>> -> memref<128x64xf32, #tpu.memory_space<vmem>>
    %dma_wait3A_747 = arith.constant 0 : i32
    %dma_wait3A_748 = tpu.memref_slice %arg5[%dma_wait3A_741, %dma_wait3A_747] : memref<8x128xi32, #tpu.memory_space<vmem>> -> memref<1x128xi32, #tpu.memory_space<vmem>>
    %dma_wait3A_749 = tpu.memref_squeeze %dma_wait3A_748 : memref<1x128xi32, #tpu.memory_space<vmem>> -> memref<128xi32, #tpu.memory_space<vmem>>
    %dma_wait3A_750 = arith.constant 0 : i32
    %dma_wait3A_751 = arith.constant 0 : i32
    %dma_wait3A_752 = tpu.memref_slice %arg2[%dma_wait3A_750, %dma_wait3A_751] : memref<100000x64xf32, #tpu.memory_space<hbm>> -> memref<100000x64xf32, #tpu.memory_space<hbm>>
    tpu.wait_indirect_dma semaphore(%arg10 : memref<!tpu.dma_semaphore, #tpu.memory_space<semaphore_mem>>) src(%dma_wait3A_752 : memref<100000x64xf32, #tpu.memory_space<hbm>>) dst(%dma_wait3A_746 : memref<128x64xf32, #tpu.memory_space<vmem>>)
    %dma_wait3A_753 = arith.constant 5 : i32
    %dma_wait3A_754 = arith.constant 5 : i32
    %dma_wait3A_755 = arith.constant 0 : i32
    %dma_wait3A_756 = arith.constant 0 : i32
    %dma_wait3A_757 = tpu.memref_slice %arg6[%dma_wait3A_754, %dma_wait3A_755, %dma_wait3A_756] : memref<8x128x64xf32, #tpu.memory_space<vmem>> -> memref<1x128x64xf32, #tpu.memory_space<vmem>>
    %dma_wait3A_758 = tpu.memref_squeeze %dma_wait3A_757 : memref<1x128x64xf32, #tpu.memory_space<vmem>> -> memref<128x64xf32, #tpu.memory_space<vmem>>
    %dma_wait3A_759 = arith.constant 0 : i32
    %dma_wait3A_760 = tpu.memref_slice %arg5[%dma_wait3A_753, %dma_wait3A_759] : memref<8x128xi32, #tpu.memory_space<vmem>> -> memref<1x128xi32, #tpu.memory_space<vmem>>
    %dma_wait3A_761 = tpu.memref_squeeze %dma_wait3A_760 : memref<1x128xi32, #tpu.memory_space<vmem>> -> memref<128xi32, #tpu.memory_space<vmem>>
    %dma_wait3A_762 = arith.constant 0 : i32
    %dma_wait3A_763 = arith.constant 0 : i32
    %dma_wait3A_764 = tpu.memref_slice %arg2[%dma_wait3A_762, %dma_wait3A_763] : memref<100000x64xf32, #tpu.memory_space<hbm>> -> memref<100000x64xf32, #tpu.memory_space<hbm>>
    tpu.wait_indirect_dma semaphore(%arg10 : memref<!tpu.dma_semaphore, #tpu.memory_space<semaphore_mem>>) src(%dma_wait3A_764 : memref<100000x64xf32, #tpu.memory_space<hbm>>) dst(%dma_wait3A_758 : memref<128x64xf32, #tpu.memory_space<vmem>>)
    %dma_wait3A_765 = arith.constant 6 : i32
    %dma_wait3A_766 = arith.constant 6 : i32
    %dma_wait3A_767 = arith.constant 0 : i32
    %dma_wait3A_768 = arith.constant 0 : i32
    %dma_wait3A_769 = tpu.memref_slice %arg6[%dma_wait3A_766, %dma_wait3A_767, %dma_wait3A_768] : memref<8x128x64xf32, #tpu.memory_space<vmem>> -> memref<1x128x64xf32, #tpu.memory_space<vmem>>
    %dma_wait3A_770 = tpu.memref_squeeze %dma_wait3A_769 : memref<1x128x64xf32, #tpu.memory_space<vmem>> -> memref<128x64xf32, #tpu.memory_space<vmem>>
    %dma_wait3A_771 = arith.constant 0 : i32
    %dma_wait3A_772 = tpu.memref_slice %arg5[%dma_wait3A_765, %dma_wait3A_771] : memref<8x128xi32, #tpu.memory_space<vmem>> -> memref<1x128xi32, #tpu.memory_space<vmem>>
    %dma_wait3A_773 = tpu.memref_squeeze %dma_wait3A_772 : memref<1x128xi32, #tpu.memory_space<vmem>> -> memref<128xi32, #tpu.memory_space<vmem>>
    %dma_wait3A_774 = arith.constant 0 : i32
    %dma_wait3A_775 = arith.constant 0 : i32
    %dma_wait3A_776 = tpu.memref_slice %arg2[%dma_wait3A_774, %dma_wait3A_775] : memref<100000x64xf32, #tpu.memory_space<hbm>> -> memref<100000x64xf32, #tpu.memory_space<hbm>>
    tpu.wait_indirect_dma semaphore(%arg10 : memref<!tpu.dma_semaphore, #tpu.memory_space<semaphore_mem>>) src(%dma_wait3A_776 : memref<100000x64xf32, #tpu.memory_space<hbm>>) dst(%dma_wait3A_770 : memref<128x64xf32, #tpu.memory_space<vmem>>)
    %dma_wait3A_777 = arith.constant 7 : i32
    %dma_wait3A_778 = arith.constant 7 : i32
    %dma_wait3A_779 = arith.constant 0 : i32
    %dma_wait3A_780 = arith.constant 0 : i32
    %dma_wait3A_781 = tpu.memref_slice %arg6[%dma_wait3A_778, %dma_wait3A_779, %dma_wait3A_780] : memref<8x128x64xf32, #tpu.memory_space<vmem>> -> memref<1x128x64xf32, #tpu.memory_space<vmem>>
    %dma_wait3A_782 = tpu.memref_squeeze %dma_wait3A_781 : memref<1x128x64xf32, #tpu.memory_space<vmem>> -> memref<128x64xf32, #tpu.memory_space<vmem>>
    %dma_wait3A_783 = arith.constant 0 : i32
    %dma_wait3A_784 = tpu.memref_slice %arg5[%dma_wait3A_777, %dma_wait3A_783] : memref<8x128xi32, #tpu.memory_space<vmem>> -> memref<1x128xi32, #tpu.memory_space<vmem>>
    %dma_wait3A_785 = tpu.memref_squeeze %dma_wait3A_784 : memref<1x128xi32, #tpu.memory_space<vmem>> -> memref<128xi32, #tpu.memory_space<vmem>>
    %dma_wait3A_786 = arith.constant 0 : i32
    %dma_wait3A_787 = arith.constant 0 : i32
    %dma_wait3A_788 = tpu.memref_slice %arg2[%dma_wait3A_786, %dma_wait3A_787] : memref<100000x64xf32, #tpu.memory_space<hbm>> -> memref<100000x64xf32, #tpu.memory_space<hbm>>
    tpu.wait_indirect_dma semaphore(%arg10 : memref<!tpu.dma_semaphore, #tpu.memory_space<semaphore_mem>>) src(%dma_wait3A_788 : memref<100000x64xf32, #tpu.memory_space<hbm>>) dst(%dma_wait3A_782 : memref<128x64xf32, #tpu.memory_space<vmem>>)
    %dma_start3A_789 = arith.constant 4 : i32
    %dma_start3A_790 = arith.constant 98 : i32
    %dma_start3A_791 = arith.constant 0 : i32
    %dma_start3A_792 = arith.constant 0 : i32
    %dma_start3A_793 = tpu.memref_slice %arg6[%dma_start3A_789, %dma_start3A_791, %dma_start3A_792] : memref<8x128x64xf32, #tpu.memory_space<vmem>> -> memref<1x128x64xf32, #tpu.memory_space<vmem>>
    %dma_start3A_794 = tpu.memref_squeeze %dma_start3A_793 : memref<1x128x64xf32, #tpu.memory_space<vmem>> -> memref<128x64xf32, #tpu.memory_space<vmem>>
    %dma_start3A_795 = arith.constant 0 : i32
    %dma_start3A_796 = tpu.memref_slice %arg4[%dma_start3A_790, %mul3A_2, %dma_start3A_795] : memref<100x4096x128xf32, #tpu.memory_space<hbm>> -> memref<1x128x64xf32, #tpu.memory_space<hbm>>
    %dma_start3A_797 = tpu.memref_squeeze %dma_start3A_796 : memref<1x128x64xf32, #tpu.memory_space<hbm>> -> memref<128x64xf32, #tpu.memory_space<hbm>>
    %dma_start3A_798 = arith.constant 0 : i32
    %dma_start3A_799 = tpu.memref_slice %arg4[%dma_start3A_790, %mul3A_2, %dma_start3A_798] : memref<100x4096x128xf32, #tpu.memory_space<hbm>> -> memref<1x128x64xf32, #tpu.memory_space<hbm>>
    %dma_start3A_800 = tpu.memref_squeeze %dma_start3A_799 : memref<1x128x64xf32, #tpu.memory_space<hbm>> -> memref<128x64xf32, #tpu.memory_space<hbm>>
    %dma_start3A_801 = arith.constant 0 : i32
    %dma_start3A_802 = arith.constant 0 : i32
    %dma_start3A_803 = tpu.memref_slice %arg6[%dma_start3A_789, %dma_start3A_801, %dma_start3A_802] : memref<8x128x64xf32, #tpu.memory_space<vmem>> -> memref<1x128x64xf32, #tpu.memory_space<vmem>>
    %dma_start3A_804 = tpu.memref_squeeze %dma_start3A_803 : memref<1x128x64xf32, #tpu.memory_space<vmem>> -> memref<128x64xf32, #tpu.memory_space<vmem>>
    tpu.enqueue_dma source(%dma_start3A_804 : memref<128x64xf32, #tpu.memory_space<vmem>>) target(%dma_start3A_800 : memref<128x64xf32, #tpu.memory_space<hbm>>) target_semaphore(%arg12 : memref<!tpu.dma_semaphore, #tpu.memory_space<semaphore_mem>>)
    %dma_start3A_805 = arith.constant 5 : i32
    %dma_start3A_806 = arith.constant 98 : i32
    %dma_start3A_807 = arith.constant 0 : i32
    %dma_start3A_808 = arith.constant 0 : i32
    %dma_start3A_809 = tpu.memref_slice %arg6[%dma_start3A_805, %dma_start3A_807, %dma_start3A_808] : memref<8x128x64xf32, #tpu.memory_space<vmem>> -> memref<1x128x64xf32, #tpu.memory_space<vmem>>
    %dma_start3A_810 = tpu.memref_squeeze %dma_start3A_809 : memref<1x128x64xf32, #tpu.memory_space<vmem>> -> memref<128x64xf32, #tpu.memory_space<vmem>>
    %dma_start3A_811 = arith.constant 64 : i32
    %dma_start3A_812 = tpu.memref_slice %arg4[%dma_start3A_806, %mul3A_2, %dma_start3A_811] : memref<100x4096x128xf32, #tpu.memory_space<hbm>> -> memref<1x128x64xf32, #tpu.memory_space<hbm>>
    %dma_start3A_813 = tpu.memref_squeeze %dma_start3A_812 : memref<1x128x64xf32, #tpu.memory_space<hbm>> -> memref<128x64xf32, #tpu.memory_space<hbm>>
    %dma_start3A_814 = arith.constant 64 : i32
    %dma_start3A_815 = tpu.memref_slice %arg4[%dma_start3A_806, %mul3A_2, %dma_start3A_814] : memref<100x4096x128xf32, #tpu.memory_space<hbm>> -> memref<1x128x64xf32, #tpu.memory_space<hbm>>
    %dma_start3A_816 = tpu.memref_squeeze %dma_start3A_815 : memref<1x128x64xf32, #tpu.memory_space<hbm>> -> memref<128x64xf32, #tpu.memory_space<hbm>>
    %dma_start3A_817 = arith.constant 0 : i32
    %dma_start3A_818 = arith.constant 0 : i32
    %dma_start3A_819 = tpu.memref_slice %arg6[%dma_start3A_805, %dma_start3A_817, %dma_start3A_818] : memref<8x128x64xf32, #tpu.memory_space<vmem>> -> memref<1x128x64xf32, #tpu.memory_space<vmem>>
    %dma_start3A_820 = tpu.memref_squeeze %dma_start3A_819 : memref<1x128x64xf32, #tpu.memory_space<vmem>> -> memref<128x64xf32, #tpu.memory_space<vmem>>
    tpu.enqueue_dma source(%dma_start3A_820 : memref<128x64xf32, #tpu.memory_space<vmem>>) target(%dma_start3A_816 : memref<128x64xf32, #tpu.memory_space<hbm>>) target_semaphore(%arg12 : memref<!tpu.dma_semaphore, #tpu.memory_space<semaphore_mem>>)
    %dma_start3A_821 = arith.constant 6 : i32
    %dma_start3A_822 = arith.constant 99 : i32
    %dma_start3A_823 = arith.constant 0 : i32
    %dma_start3A_824 = arith.constant 0 : i32
    %dma_start3A_825 = tpu.memref_slice %arg6[%dma_start3A_821, %dma_start3A_823, %dma_start3A_824] : memref<8x128x64xf32, #tpu.memory_space<vmem>> -> memref<1x128x64xf32, #tpu.memory_space<vmem>>
    %dma_start3A_826 = tpu.memref_squeeze %dma_start3A_825 : memref<1x128x64xf32, #tpu.memory_space<vmem>> -> memref<128x64xf32, #tpu.memory_space<vmem>>
    %dma_start3A_827 = arith.constant 0 : i32
    %dma_start3A_828 = tpu.memref_slice %arg4[%dma_start3A_822, %mul3A_2, %dma_start3A_827] : memref<100x4096x128xf32, #tpu.memory_space<hbm>> -> memref<1x128x64xf32, #tpu.memory_space<hbm>>
    %dma_start3A_829 = tpu.memref_squeeze %dma_start3A_828 : memref<1x128x64xf32, #tpu.memory_space<hbm>> -> memref<128x64xf32, #tpu.memory_space<hbm>>
    %dma_start3A_830 = arith.constant 0 : i32
    %dma_start3A_831 = tpu.memref_slice %arg4[%dma_start3A_822, %mul3A_2, %dma_start3A_830] : memref<100x4096x128xf32, #tpu.memory_space<hbm>> -> memref<1x128x64xf32, #tpu.memory_space<hbm>>
    %dma_start3A_832 = tpu.memref_squeeze %dma_start3A_831 : memref<1x128x64xf32, #tpu.memory_space<hbm>> -> memref<128x64xf32, #tpu.memory_space<hbm>>
    %dma_start3A_833 = arith.constant 0 : i32
    %dma_start3A_834 = arith.constant 0 : i32
    %dma_start3A_835 = tpu.memref_slice %arg6[%dma_start3A_821, %dma_start3A_833, %dma_start3A_834] : memref<8x128x64xf32, #tpu.memory_space<vmem>> -> memref<1x128x64xf32, #tpu.memory_space<vmem>>
    %dma_start3A_836 = tpu.memref_squeeze %dma_start3A_835 : memref<1x128x64xf32, #tpu.memory_space<vmem>> -> memref<128x64xf32, #tpu.memory_space<vmem>>
    tpu.enqueue_dma source(%dma_start3A_836 : memref<128x64xf32, #tpu.memory_space<vmem>>) target(%dma_start3A_832 : memref<128x64xf32, #tpu.memory_space<hbm>>) target_semaphore(%arg12 : memref<!tpu.dma_semaphore, #tpu.memory_space<semaphore_mem>>)
    %dma_start3A_837 = arith.constant 7 : i32
    %dma_start3A_838 = arith.constant 99 : i32
    %dma_start3A_839 = arith.constant 0 : i32
    %dma_start3A_840 = arith.constant 0 : i32
    %dma_start3A_841 = tpu.memref_slice %arg6[%dma_start3A_837, %dma_start3A_839, %dma_start3A_840] : memref<8x128x64xf32, #tpu.memory_space<vmem>> -> memref<1x128x64xf32, #tpu.memory_space<vmem>>
    %dma_start3A_842 = tpu.memref_squeeze %dma_start3A_841 : memref<1x128x64xf32, #tpu.memory_space<vmem>> -> memref<128x64xf32, #tpu.memory_space<vmem>>
    %dma_start3A_843 = arith.constant 64 : i32
    %dma_start3A_844 = tpu.memref_slice %arg4[%dma_start3A_838, %mul3A_2, %dma_start3A_843] : memref<100x4096x128xf32, #tpu.memory_space<hbm>> -> memref<1x128x64xf32, #tpu.memory_space<hbm>>
    %dma_start3A_845 = tpu.memref_squeeze %dma_start3A_844 : memref<1x128x64xf32, #tpu.memory_space<hbm>> -> memref<128x64xf32, #tpu.memory_space<hbm>>
    %dma_start3A_846 = arith.constant 64 : i32
    %dma_start3A_847 = tpu.memref_slice %arg4[%dma_start3A_838, %mul3A_2, %dma_start3A_846] : memref<100x4096x128xf32, #tpu.memory_space<hbm>> -> memref<1x128x64xf32, #tpu.memory_space<hbm>>
    %dma_start3A_848 = tpu.memref_squeeze %dma_start3A_847 : memref<1x128x64xf32, #tpu.memory_space<hbm>> -> memref<128x64xf32, #tpu.memory_space<hbm>>
    %dma_start3A_849 = arith.constant 0 : i32
    %dma_start3A_850 = arith.constant 0 : i32
    %dma_start3A_851 = tpu.memref_slice %arg6[%dma_start3A_837, %dma_start3A_849, %dma_start3A_850] : memref<8x128x64xf32, #tpu.memory_space<vmem>> -> memref<1x128x64xf32, #tpu.memory_space<vmem>>
    %dma_start3A_852 = tpu.memref_squeeze %dma_start3A_851 : memref<1x128x64xf32, #tpu.memory_space<vmem>> -> memref<128x64xf32, #tpu.memory_space<vmem>>
    tpu.enqueue_dma source(%dma_start3A_852 : memref<128x64xf32, #tpu.memory_space<vmem>>) target(%dma_start3A_848 : memref<128x64xf32, #tpu.memory_space<hbm>>) target_semaphore(%arg12 : memref<!tpu.dma_semaphore, #tpu.memory_space<semaphore_mem>>)
    %dma_wait3A_853 = arith.constant 0 : i32
    %dma_wait3A_854 = arith.constant 96 : i32
    %dma_wait3A_855 = arith.constant 0 : i32
    %dma_wait3A_856 = arith.constant 0 : i32
    %dma_wait3A_857 = tpu.memref_slice %arg6[%dma_wait3A_853, %dma_wait3A_855, %dma_wait3A_856] : memref<8x128x64xf32, #tpu.memory_space<vmem>> -> memref<1x128x64xf32, #tpu.memory_space<vmem>>
    %dma_wait3A_858 = tpu.memref_squeeze %dma_wait3A_857 : memref<1x128x64xf32, #tpu.memory_space<vmem>> -> memref<128x64xf32, #tpu.memory_space<vmem>>
    %dma_wait3A_859 = arith.constant 0 : i32
    %dma_wait3A_860 = tpu.memref_slice %arg4[%dma_wait3A_854, %mul3A_2, %dma_wait3A_859] : memref<100x4096x128xf32, #tpu.memory_space<hbm>> -> memref<1x128x64xf32, #tpu.memory_space<hbm>>
    %dma_wait3A_861 = tpu.memref_squeeze %dma_wait3A_860 : memref<1x128x64xf32, #tpu.memory_space<hbm>> -> memref<128x64xf32, #tpu.memory_space<hbm>>
    %dma_wait3A_862 = arith.constant 0 : i32
    %dma_wait3A_863 = tpu.memref_slice %arg4[%dma_wait3A_854, %mul3A_2, %dma_wait3A_862] : memref<100x4096x128xf32, #tpu.memory_space<hbm>> -> memref<1x128x64xf32, #tpu.memory_space<hbm>>
    %dma_wait3A_864 = tpu.memref_squeeze %dma_wait3A_863 : memref<1x128x64xf32, #tpu.memory_space<hbm>> -> memref<128x64xf32, #tpu.memory_space<hbm>>
    %dma_wait3A_865 = arith.constant 0 : i32
    %dma_wait3A_866 = arith.constant 0 : i32
    %dma_wait3A_867 = tpu.memref_slice %arg6[%dma_wait3A_853, %dma_wait3A_865, %dma_wait3A_866] : memref<8x128x64xf32, #tpu.memory_space<vmem>> -> memref<1x128x64xf32, #tpu.memory_space<vmem>>
    %dma_wait3A_868 = tpu.memref_squeeze %dma_wait3A_867 : memref<1x128x64xf32, #tpu.memory_space<vmem>> -> memref<128x64xf32, #tpu.memory_space<vmem>>
    tpu.wait_dma2 semaphore(%arg11 : memref<!tpu.dma_semaphore, #tpu.memory_space<semaphore_mem>>) src(%dma_wait3A_868 : memref<128x64xf32, #tpu.memory_space<vmem>>) dst(%dma_wait3A_864 : memref<128x64xf32, #tpu.memory_space<hbm>>)
    %dma_wait3A_869 = arith.constant 1 : i32
    %dma_wait3A_870 = arith.constant 96 : i32
    %dma_wait3A_871 = arith.constant 0 : i32
    %dma_wait3A_872 = arith.constant 0 : i32
    %dma_wait3A_873 = tpu.memref_slice %arg6[%dma_wait3A_869, %dma_wait3A_871, %dma_wait3A_872] : memref<8x128x64xf32, #tpu.memory_space<vmem>> -> memref<1x128x64xf32, #tpu.memory_space<vmem>>
    %dma_wait3A_874 = tpu.memref_squeeze %dma_wait3A_873 : memref<1x128x64xf32, #tpu.memory_space<vmem>> -> memref<128x64xf32, #tpu.memory_space<vmem>>
    %dma_wait3A_875 = arith.constant 64 : i32
    %dma_wait3A_876 = tpu.memref_slice %arg4[%dma_wait3A_870, %mul3A_2, %dma_wait3A_875] : memref<100x4096x128xf32, #tpu.memory_space<hbm>> -> memref<1x128x64xf32, #tpu.memory_space<hbm>>
    %dma_wait3A_877 = tpu.memref_squeeze %dma_wait3A_876 : memref<1x128x64xf32, #tpu.memory_space<hbm>> -> memref<128x64xf32, #tpu.memory_space<hbm>>
    %dma_wait3A_878 = arith.constant 64 : i32
    %dma_wait3A_879 = tpu.memref_slice %arg4[%dma_wait3A_870, %mul3A_2, %dma_wait3A_878] : memref<100x4096x128xf32, #tpu.memory_space<hbm>> -> memref<1x128x64xf32, #tpu.memory_space<hbm>>
    %dma_wait3A_880 = tpu.memref_squeeze %dma_wait3A_879 : memref<1x128x64xf32, #tpu.memory_space<hbm>> -> memref<128x64xf32, #tpu.memory_space<hbm>>
    %dma_wait3A_881 = arith.constant 0 : i32
    %dma_wait3A_882 = arith.constant 0 : i32
    %dma_wait3A_883 = tpu.memref_slice %arg6[%dma_wait3A_869, %dma_wait3A_881, %dma_wait3A_882] : memref<8x128x64xf32, #tpu.memory_space<vmem>> -> memref<1x128x64xf32, #tpu.memory_space<vmem>>
    %dma_wait3A_884 = tpu.memref_squeeze %dma_wait3A_883 : memref<1x128x64xf32, #tpu.memory_space<vmem>> -> memref<128x64xf32, #tpu.memory_space<vmem>>
    tpu.wait_dma2 semaphore(%arg11 : memref<!tpu.dma_semaphore, #tpu.memory_space<semaphore_mem>>) src(%dma_wait3A_884 : memref<128x64xf32, #tpu.memory_space<vmem>>) dst(%dma_wait3A_880 : memref<128x64xf32, #tpu.memory_space<hbm>>)
    %dma_wait3A_885 = arith.constant 2 : i32
    %dma_wait3A_886 = arith.constant 97 : i32
    %dma_wait3A_887 = arith.constant 0 : i32
    %dma_wait3A_888 = arith.constant 0 : i32
    %dma_wait3A_889 = tpu.memref_slice %arg6[%dma_wait3A_885, %dma_wait3A_887, %dma_wait3A_888] : memref<8x128x64xf32, #tpu.memory_space<vmem>> -> memref<1x128x64xf32, #tpu.memory_space<vmem>>
    %dma_wait3A_890 = tpu.memref_squeeze %dma_wait3A_889 : memref<1x128x64xf32, #tpu.memory_space<vmem>> -> memref<128x64xf32, #tpu.memory_space<vmem>>
    %dma_wait3A_891 = arith.constant 0 : i32
    %dma_wait3A_892 = tpu.memref_slice %arg4[%dma_wait3A_886, %mul3A_2, %dma_wait3A_891] : memref<100x4096x128xf32, #tpu.memory_space<hbm>> -> memref<1x128x64xf32, #tpu.memory_space<hbm>>
    %dma_wait3A_893 = tpu.memref_squeeze %dma_wait3A_892 : memref<1x128x64xf32, #tpu.memory_space<hbm>> -> memref<128x64xf32, #tpu.memory_space<hbm>>
    %dma_wait3A_894 = arith.constant 0 : i32
    %dma_wait3A_895 = tpu.memref_slice %arg4[%dma_wait3A_886, %mul3A_2, %dma_wait3A_894] : memref<100x4096x128xf32, #tpu.memory_space<hbm>> -> memref<1x128x64xf32, #tpu.memory_space<hbm>>
    %dma_wait3A_896 = tpu.memref_squeeze %dma_wait3A_895 : memref<1x128x64xf32, #tpu.memory_space<hbm>> -> memref<128x64xf32, #tpu.memory_space<hbm>>
    %dma_wait3A_897 = arith.constant 0 : i32
    %dma_wait3A_898 = arith.constant 0 : i32
    %dma_wait3A_899 = tpu.memref_slice %arg6[%dma_wait3A_885, %dma_wait3A_897, %dma_wait3A_898] : memref<8x128x64xf32, #tpu.memory_space<vmem>> -> memref<1x128x64xf32, #tpu.memory_space<vmem>>
    %dma_wait3A_900 = tpu.memref_squeeze %dma_wait3A_899 : memref<1x128x64xf32, #tpu.memory_space<vmem>> -> memref<128x64xf32, #tpu.memory_space<vmem>>
    tpu.wait_dma2 semaphore(%arg11 : memref<!tpu.dma_semaphore, #tpu.memory_space<semaphore_mem>>) src(%dma_wait3A_900 : memref<128x64xf32, #tpu.memory_space<vmem>>) dst(%dma_wait3A_896 : memref<128x64xf32, #tpu.memory_space<hbm>>)
    %dma_wait3A_901 = arith.constant 3 : i32
    %dma_wait3A_902 = arith.constant 97 : i32
    %dma_wait3A_903 = arith.constant 0 : i32
    %dma_wait3A_904 = arith.constant 0 : i32
    %dma_wait3A_905 = tpu.memref_slice %arg6[%dma_wait3A_901, %dma_wait3A_903, %dma_wait3A_904] : memref<8x128x64xf32, #tpu.memory_space<vmem>> -> memref<1x128x64xf32, #tpu.memory_space<vmem>>
    %dma_wait3A_906 = tpu.memref_squeeze %dma_wait3A_905 : memref<1x128x64xf32, #tpu.memory_space<vmem>> -> memref<128x64xf32, #tpu.memory_space<vmem>>
    %dma_wait3A_907 = arith.constant 64 : i32
    %dma_wait3A_908 = tpu.memref_slice %arg4[%dma_wait3A_902, %mul3A_2, %dma_wait3A_907] : memref<100x4096x128xf32, #tpu.memory_space<hbm>> -> memref<1x128x64xf32, #tpu.memory_space<hbm>>
    %dma_wait3A_909 = tpu.memref_squeeze %dma_wait3A_908 : memref<1x128x64xf32, #tpu.memory_space<hbm>> -> memref<128x64xf32, #tpu.memory_space<hbm>>
    %dma_wait3A_910 = arith.constant 64 : i32
    %dma_wait3A_911 = tpu.memref_slice %arg4[%dma_wait3A_902, %mul3A_2, %dma_wait3A_910] : memref<100x4096x128xf32, #tpu.memory_space<hbm>> -> memref<1x128x64xf32, #tpu.memory_space<hbm>>
    %dma_wait3A_912 = tpu.memref_squeeze %dma_wait3A_911 : memref<1x128x64xf32, #tpu.memory_space<hbm>> -> memref<128x64xf32, #tpu.memory_space<hbm>>
    %dma_wait3A_913 = arith.constant 0 : i32
    %dma_wait3A_914 = arith.constant 0 : i32
    %dma_wait3A_915 = tpu.memref_slice %arg6[%dma_wait3A_901, %dma_wait3A_913, %dma_wait3A_914] : memref<8x128x64xf32, #tpu.memory_space<vmem>> -> memref<1x128x64xf32, #tpu.memory_space<vmem>>
    %dma_wait3A_916 = tpu.memref_squeeze %dma_wait3A_915 : memref<1x128x64xf32, #tpu.memory_space<vmem>> -> memref<128x64xf32, #tpu.memory_space<vmem>>
    tpu.wait_dma2 semaphore(%arg11 : memref<!tpu.dma_semaphore, #tpu.memory_space<semaphore_mem>>) src(%dma_wait3A_916 : memref<128x64xf32, #tpu.memory_space<vmem>>) dst(%dma_wait3A_912 : memref<128x64xf32, #tpu.memory_space<hbm>>)
    %dma_wait3A_917 = arith.constant 4 : i32
    %dma_wait3A_918 = arith.constant 98 : i32
    %dma_wait3A_919 = arith.constant 0 : i32
    %dma_wait3A_920 = arith.constant 0 : i32
    %dma_wait3A_921 = tpu.memref_slice %arg6[%dma_wait3A_917, %dma_wait3A_919, %dma_wait3A_920] : memref<8x128x64xf32, #tpu.memory_space<vmem>> -> memref<1x128x64xf32, #tpu.memory_space<vmem>>
    %dma_wait3A_922 = tpu.memref_squeeze %dma_wait3A_921 : memref<1x128x64xf32, #tpu.memory_space<vmem>> -> memref<128x64xf32, #tpu.memory_space<vmem>>
    %dma_wait3A_923 = arith.constant 0 : i32
    %dma_wait3A_924 = tpu.memref_slice %arg4[%dma_wait3A_918, %mul3A_2, %dma_wait3A_923] : memref<100x4096x128xf32, #tpu.memory_space<hbm>> -> memref<1x128x64xf32, #tpu.memory_space<hbm>>
    %dma_wait3A_925 = tpu.memref_squeeze %dma_wait3A_924 : memref<1x128x64xf32, #tpu.memory_space<hbm>> -> memref<128x64xf32, #tpu.memory_space<hbm>>
    %dma_wait3A_926 = arith.constant 0 : i32
    %dma_wait3A_927 = tpu.memref_slice %arg4[%dma_wait3A_918, %mul3A_2, %dma_wait3A_926] : memref<100x4096x128xf32, #tpu.memory_space<hbm>> -> memref<1x128x64xf32, #tpu.memory_space<hbm>>
    %dma_wait3A_928 = tpu.memref_squeeze %dma_wait3A_927 : memref<1x128x64xf32, #tpu.memory_space<hbm>> -> memref<128x64xf32, #tpu.memory_space<hbm>>
    %dma_wait3A_929 = arith.constant 0 : i32
    %dma_wait3A_930 = arith.constant 0 : i32
    %dma_wait3A_931 = tpu.memref_slice %arg6[%dma_wait3A_917, %dma_wait3A_929, %dma_wait3A_930] : memref<8x128x64xf32, #tpu.memory_space<vmem>> -> memref<1x128x64xf32, #tpu.memory_space<vmem>>
    %dma_wait3A_932 = tpu.memref_squeeze %dma_wait3A_931 : memref<1x128x64xf32, #tpu.memory_space<vmem>> -> memref<128x64xf32, #tpu.memory_space<vmem>>
    tpu.wait_dma2 semaphore(%arg12 : memref<!tpu.dma_semaphore, #tpu.memory_space<semaphore_mem>>) src(%dma_wait3A_932 : memref<128x64xf32, #tpu.memory_space<vmem>>) dst(%dma_wait3A_928 : memref<128x64xf32, #tpu.memory_space<hbm>>)
    %dma_wait3A_933 = arith.constant 5 : i32
    %dma_wait3A_934 = arith.constant 98 : i32
    %dma_wait3A_935 = arith.constant 0 : i32
    %dma_wait3A_936 = arith.constant 0 : i32
    %dma_wait3A_937 = tpu.memref_slice %arg6[%dma_wait3A_933, %dma_wait3A_935, %dma_wait3A_936] : memref<8x128x64xf32, #tpu.memory_space<vmem>> -> memref<1x128x64xf32, #tpu.memory_space<vmem>>
    %dma_wait3A_938 = tpu.memref_squeeze %dma_wait3A_937 : memref<1x128x64xf32, #tpu.memory_space<vmem>> -> memref<128x64xf32, #tpu.memory_space<vmem>>
    %dma_wait3A_939 = arith.constant 64 : i32
    %dma_wait3A_940 = tpu.memref_slice %arg4[%dma_wait3A_934, %mul3A_2, %dma_wait3A_939] : memref<100x4096x128xf32, #tpu.memory_space<hbm>> -> memref<1x128x64xf32, #tpu.memory_space<hbm>>
    %dma_wait3A_941 = tpu.memref_squeeze %dma_wait3A_940 : memref<1x128x64xf32, #tpu.memory_space<hbm>> -> memref<128x64xf32, #tpu.memory_space<hbm>>
    %dma_wait3A_942 = arith.constant 64 : i32
    %dma_wait3A_943 = tpu.memref_slice %arg4[%dma_wait3A_934, %mul3A_2, %dma_wait3A_942] : memref<100x4096x128xf32, #tpu.memory_space<hbm>> -> memref<1x128x64xf32, #tpu.memory_space<hbm>>
    %dma_wait3A_944 = tpu.memref_squeeze %dma_wait3A_943 : memref<1x128x64xf32, #tpu.memory_space<hbm>> -> memref<128x64xf32, #tpu.memory_space<hbm>>
    %dma_wait3A_945 = arith.constant 0 : i32
    %dma_wait3A_946 = arith.constant 0 : i32
    %dma_wait3A_947 = tpu.memref_slice %arg6[%dma_wait3A_933, %dma_wait3A_945, %dma_wait3A_946] : memref<8x128x64xf32, #tpu.memory_space<vmem>> -> memref<1x128x64xf32, #tpu.memory_space<vmem>>
    %dma_wait3A_948 = tpu.memref_squeeze %dma_wait3A_947 : memref<1x128x64xf32, #tpu.memory_space<vmem>> -> memref<128x64xf32, #tpu.memory_space<vmem>>
    tpu.wait_dma2 semaphore(%arg12 : memref<!tpu.dma_semaphore, #tpu.memory_space<semaphore_mem>>) src(%dma_wait3A_948 : memref<128x64xf32, #tpu.memory_space<vmem>>) dst(%dma_wait3A_944 : memref<128x64xf32, #tpu.memory_space<hbm>>)
    %dma_wait3A_949 = arith.constant 6 : i32
    %dma_wait3A_950 = arith.constant 99 : i32
    %dma_wait3A_951 = arith.constant 0 : i32
    %dma_wait3A_952 = arith.constant 0 : i32
    %dma_wait3A_953 = tpu.memref_slice %arg6[%dma_wait3A_949, %dma_wait3A_951, %dma_wait3A_952] : memref<8x128x64xf32, #tpu.memory_space<vmem>> -> memref<1x128x64xf32, #tpu.memory_space<vmem>>
    %dma_wait3A_954 = tpu.memref_squeeze %dma_wait3A_953 : memref<1x128x64xf32, #tpu.memory_space<vmem>> -> memref<128x64xf32, #tpu.memory_space<vmem>>
    %dma_wait3A_955 = arith.constant 0 : i32
    %dma_wait3A_956 = tpu.memref_slice %arg4[%dma_wait3A_950, %mul3A_2, %dma_wait3A_955] : memref<100x4096x128xf32, #tpu.memory_space<hbm>> -> memref<1x128x64xf32, #tpu.memory_space<hbm>>
    %dma_wait3A_957 = tpu.memref_squeeze %dma_wait3A_956 : memref<1x128x64xf32, #tpu.memory_space<hbm>> -> memref<128x64xf32, #tpu.memory_space<hbm>>
    %dma_wait3A_958 = arith.constant 0 : i32
    %dma_wait3A_959 = tpu.memref_slice %arg4[%dma_wait3A_950, %mul3A_2, %dma_wait3A_958] : memref<100x4096x128xf32, #tpu.memory_space<hbm>> -> memref<1x128x64xf32, #tpu.memory_space<hbm>>
    %dma_wait3A_960 = tpu.memref_squeeze %dma_wait3A_959 : memref<1x128x64xf32, #tpu.memory_space<hbm>> -> memref<128x64xf32, #tpu.memory_space<hbm>>
    %dma_wait3A_961 = arith.constant 0 : i32
    %dma_wait3A_962 = arith.constant 0 : i32
    %dma_wait3A_963 = tpu.memref_slice %arg6[%dma_wait3A_949, %dma_wait3A_961, %dma_wait3A_962] : memref<8x128x64xf32, #tpu.memory_space<vmem>> -> memref<1x128x64xf32, #tpu.memory_space<vmem>>
    %dma_wait3A_964 = tpu.memref_squeeze %dma_wait3A_963 : memref<1x128x64xf32, #tpu.memory_space<vmem>> -> memref<128x64xf32, #tpu.memory_space<vmem>>
    tpu.wait_dma2 semaphore(%arg12 : memref<!tpu.dma_semaphore, #tpu.memory_space<semaphore_mem>>) src(%dma_wait3A_964 : memref<128x64xf32, #tpu.memory_space<vmem>>) dst(%dma_wait3A_960 : memref<128x64xf32, #tpu.memory_space<hbm>>)
    %dma_wait3A_965 = arith.constant 7 : i32
    %dma_wait3A_966 = arith.constant 99 : i32
    %dma_wait3A_967 = arith.constant 0 : i32
    %dma_wait3A_968 = arith.constant 0 : i32
    %dma_wait3A_969 = tpu.memref_slice %arg6[%dma_wait3A_965, %dma_wait3A_967, %dma_wait3A_968] : memref<8x128x64xf32, #tpu.memory_space<vmem>> -> memref<1x128x64xf32, #tpu.memory_space<vmem>>
    %dma_wait3A_970 = tpu.memref_squeeze %dma_wait3A_969 : memref<1x128x64xf32, #tpu.memory_space<vmem>> -> memref<128x64xf32, #tpu.memory_space<vmem>>
    %dma_wait3A_971 = arith.constant 64 : i32
    %dma_wait3A_972 = tpu.memref_slice %arg4[%dma_wait3A_966, %mul3A_2, %dma_wait3A_971] : memref<100x4096x128xf32, #tpu.memory_space<hbm>> -> memref<1x128x64xf32, #tpu.memory_space<hbm>>
    %dma_wait3A_973 = tpu.memref_squeeze %dma_wait3A_972 : memref<1x128x64xf32, #tpu.memory_space<hbm>> -> memref<128x64xf32, #tpu.memory_space<hbm>>
    %dma_wait3A_974 = arith.constant 64 : i32
    %dma_wait3A_975 = tpu.memref_slice %arg4[%dma_wait3A_966, %mul3A_2, %dma_wait3A_974] : memref<100x4096x128xf32, #tpu.memory_space<hbm>> -> memref<1x128x64xf32, #tpu.memory_space<hbm>>
    %dma_wait3A_976 = tpu.memref_squeeze %dma_wait3A_975 : memref<1x128x64xf32, #tpu.memory_space<hbm>> -> memref<128x64xf32, #tpu.memory_space<hbm>>
    %dma_wait3A_977 = arith.constant 0 : i32
    %dma_wait3A_978 = arith.constant 0 : i32
    %dma_wait3A_979 = tpu.memref_slice %arg6[%dma_wait3A_965, %dma_wait3A_977, %dma_wait3A_978] : memref<8x128x64xf32, #tpu.memory_space<vmem>> -> memref<1x128x64xf32, #tpu.memory_space<vmem>>
    %dma_wait3A_980 = tpu.memref_squeeze %dma_wait3A_979 : memref<1x128x64xf32, #tpu.memory_space<vmem>> -> memref<128x64xf32, #tpu.memory_space<vmem>>
    tpu.wait_dma2 semaphore(%arg12 : memref<!tpu.dma_semaphore, #tpu.memory_space<semaphore_mem>>) src(%dma_wait3A_980 : memref<128x64xf32, #tpu.memory_space<vmem>>) dst(%dma_wait3A_976 : memref<128x64xf32, #tpu.memory_space<hbm>>)
    return
  }
}

module attributes {stable_mosaic.version = 14 : i64} {
  func.func @_tr_body(%arg0: i32, %arg1: memref<4x4096x128xf32, #tpu.memory_space<vmem>>, %arg2: memref<8x64x4096xf32, #tpu.memory_space<vmem>>) attributes {dimension_semantics = [#tpu.dimension_semantics<arbitrary>], iteration_bounds = array<i64: 25>, scalar_prefetch = 0 : i64, scratch_operands = 0 : i64, tpu.core_type = #tpu.core_type<tc>, window_params = [{transform_indices = @transform_0, window_bounds = array<i64: 4, 4096, 128>}, {transform_indices = @transform_1, window_bounds = array<i64: 8, 64, 4096>}]} {
    %get3A = arith.constant 0 : index
    %get3A_0 = arith.constant 0 : index
    %get3A_1 = arith.constant 0 : index
    %get3A_2 = vector.load %arg1[%get3A, %get3A_0, %get3A_1] : memref<4x4096x128xf32, #tpu.memory_space<vmem>>, vector<1x4096x128xf32>
    %get3A_3 = vector.shape_cast %get3A_2 : vector<1x4096x128xf32> to vector<4096x128xf32>
    %transpose3A = tpu.transpose %get3A_3, [1, 0] : vector<4096x128xf32> -> vector<128x4096xf32>
    %mul3A = arith.constant 8.000000e+00 : f32
    %mul3A_4 = vector.broadcast %mul3A : f32 to vector<128x4096xf32>
    %mul3A_5 = arith.mulf %transpose3A, %mul3A_4 : vector<128x4096xf32>
    %slice3A = vector.extract_strided_slice %mul3A_5 {offsets = [0, 0], sizes = [64, 4096], strides = [1, 1]} : vector<128x4096xf32> to vector<64x4096xf32>
    %swap3A = arith.constant 0 : index
    %swap3A_6 = arith.constant 0 : index
    %swap3A_7 = arith.constant 0 : index
    %swap3A_8 = vector.load %arg2[%swap3A, %swap3A_6, %swap3A_7] : memref<8x64x4096xf32, #tpu.memory_space<vmem>>, vector<1x64x4096xf32>
    %swap3A_9 = vector.shape_cast %swap3A_8 : vector<1x64x4096xf32> to vector<64x4096xf32>
    %swap3A_10 = vector.shape_cast %slice3A : vector<64x4096xf32> to vector<1x64x4096xf32>
    tpu.vector_store %arg2[%swap3A, %swap3A_6, %swap3A_7], %swap3A_10 {strides = array<i32>} : memref<8x64x4096xf32, #tpu.memory_space<vmem>>, vector<1x64x4096xf32>,
    %slice3A_11 = vector.extract_strided_slice %mul3A_5 {offsets = [64, 0], sizes = [64, 4096], strides = [1, 1]} : vector<128x4096xf32> to vector<64x4096xf32>
    %swap3A_12 = arith.constant 1 : index
    %swap3A_13 = arith.constant 0 : index
    %swap3A_14 = arith.constant 0 : index
    %swap3A_15 = vector.load %arg2[%swap3A_12, %swap3A_13, %swap3A_14] : memref<8x64x4096xf32, #tpu.memory_space<vmem>>, vector<1x64x4096xf32>
    %swap3A_16 = vector.shape_cast %swap3A_15 : vector<1x64x4096xf32> to vector<64x4096xf32>
    %swap3A_17 = vector.shape_cast %slice3A_11 : vector<64x4096xf32> to vector<1x64x4096xf32>
    tpu.vector_store %arg2[%swap3A_12, %swap3A_13, %swap3A_14], %swap3A_17 {strides = array<i32>} : memref<8x64x4096xf32, #tpu.memory_space<vmem>>, vector<1x64x4096xf32>,
    %get3A_18 = arith.constant 1 : index
    %get3A_19 = arith.constant 0 : index
    %get3A_20 = arith.constant 0 : index
    %get3A_21 = vector.load %arg1[%get3A_18, %get3A_19, %get3A_20] : memref<4x4096x128xf32, #tpu.memory_space<vmem>>, vector<1x4096x128xf32>
    %get3A_22 = vector.shape_cast %get3A_21 : vector<1x4096x128xf32> to vector<4096x128xf32>
    %transpose3A_23 = tpu.transpose %get3A_22, [1, 0] : vector<4096x128xf32> -> vector<128x4096xf32>
    %mul3A_24 = arith.constant 8.000000e+00 : f32
    %mul3A_25 = vector.broadcast %mul3A_24 : f32 to vector<128x4096xf32>
    %mul3A_26 = arith.mulf %transpose3A_23, %mul3A_25 : vector<128x4096xf32>
    %slice3A_27 = vector.extract_strided_slice %mul3A_26 {offsets = [0, 0], sizes = [64, 4096], strides = [1, 1]} : vector<128x4096xf32> to vector<64x4096xf32>
    %swap3A_28 = arith.constant 2 : index
    %swap3A_29 = arith.constant 0 : index
    %swap3A_30 = arith.constant 0 : index
    %swap3A_31 = vector.load %arg2[%swap3A_28, %swap3A_29, %swap3A_30] : memref<8x64x4096xf32, #tpu.memory_space<vmem>>, vector<1x64x4096xf32>
    %swap3A_32 = vector.shape_cast %swap3A_31 : vector<1x64x4096xf32> to vector<64x4096xf32>
    %swap3A_33 = vector.shape_cast %slice3A_27 : vector<64x4096xf32> to vector<1x64x4096xf32>
    tpu.vector_store %arg2[%swap3A_28, %swap3A_29, %swap3A_30], %swap3A_33 {strides = array<i32>} : memref<8x64x4096xf32, #tpu.memory_space<vmem>>, vector<1x64x4096xf32>,
    %slice3A_34 = vector.extract_strided_slice %mul3A_26 {offsets = [64, 0], sizes = [64, 4096], strides = [1, 1]} : vector<128x4096xf32> to vector<64x4096xf32>
    %swap3A_35 = arith.constant 3 : index
    %swap3A_36 = arith.constant 0 : index
    %swap3A_37 = arith.constant 0 : index
    %swap3A_38 = vector.load %arg2[%swap3A_35, %swap3A_36, %swap3A_37] : memref<8x64x4096xf32, #tpu.memory_space<vmem>>, vector<1x64x4096xf32>
    %swap3A_39 = vector.shape_cast %swap3A_38 : vector<1x64x4096xf32> to vector<64x4096xf32>
    %swap3A_40 = vector.shape_cast %slice3A_34 : vector<64x4096xf32> to vector<1x64x4096xf32>
    tpu.vector_store %arg2[%swap3A_35, %swap3A_36, %swap3A_37], %swap3A_40 {strides = array<i32>} : memref<8x64x4096xf32, #tpu.memory_space<vmem>>, vector<1x64x4096xf32>,
    %get3A_41 = arith.constant 2 : index
    %get3A_42 = arith.constant 0 : index
    %get3A_43 = arith.constant 0 : index
    %get3A_44 = vector.load %arg1[%get3A_41, %get3A_42, %get3A_43] : memref<4x4096x128xf32, #tpu.memory_space<vmem>>, vector<1x4096x128xf32>
    %get3A_45 = vector.shape_cast %get3A_44 : vector<1x4096x128xf32> to vector<4096x128xf32>
    %transpose3A_46 = tpu.transpose %get3A_45, [1, 0] : vector<4096x128xf32> -> vector<128x4096xf32>
    %mul3A_47 = arith.constant 8.000000e+00 : f32
    %mul3A_48 = vector.broadcast %mul3A_47 : f32 to vector<128x4096xf32>
    %mul3A_49 = arith.mulf %transpose3A_46, %mul3A_48 : vector<128x4096xf32>
    %slice3A_50 = vector.extract_strided_slice %mul3A_49 {offsets = [0, 0], sizes = [64, 4096], strides = [1, 1]} : vector<128x4096xf32> to vector<64x4096xf32>
    %swap3A_51 = arith.constant 4 : index
    %swap3A_52 = arith.constant 0 : index
    %swap3A_53 = arith.constant 0 : index
    %swap3A_54 = vector.load %arg2[%swap3A_51, %swap3A_52, %swap3A_53] : memref<8x64x4096xf32, #tpu.memory_space<vmem>>, vector<1x64x4096xf32>
    %swap3A_55 = vector.shape_cast %swap3A_54 : vector<1x64x4096xf32> to vector<64x4096xf32>
    %swap3A_56 = vector.shape_cast %slice3A_50 : vector<64x4096xf32> to vector<1x64x4096xf32>
    tpu.vector_store %arg2[%swap3A_51, %swap3A_52, %swap3A_53], %swap3A_56 {strides = array<i32>} : memref<8x64x4096xf32, #tpu.memory_space<vmem>>, vector<1x64x4096xf32>,
    %slice3A_57 = vector.extract_strided_slice %mul3A_49 {offsets = [64, 0], sizes = [64, 4096], strides = [1, 1]} : vector<128x4096xf32> to vector<64x4096xf32>
    %swap3A_58 = arith.constant 5 : index
    %swap3A_59 = arith.constant 0 : index
    %swap3A_60 = arith.constant 0 : index
    %swap3A_61 = vector.load %arg2[%swap3A_58, %swap3A_59, %swap3A_60] : memref<8x64x4096xf32, #tpu.memory_space<vmem>>, vector<1x64x4096xf32>
    %swap3A_62 = vector.shape_cast %swap3A_61 : vector<1x64x4096xf32> to vector<64x4096xf32>
    %swap3A_63 = vector.shape_cast %slice3A_57 : vector<64x4096xf32> to vector<1x64x4096xf32>
    tpu.vector_store %arg2[%swap3A_58, %swap3A_59, %swap3A_60], %swap3A_63 {strides = array<i32>} : memref<8x64x4096xf32, #tpu.memory_space<vmem>>, vector<1x64x4096xf32>,
    %get3A_64 = arith.constant 3 : index
    %get3A_65 = arith.constant 0 : index
    %get3A_66 = arith.constant 0 : index
    %get3A_67 = vector.load %arg1[%get3A_64, %get3A_65, %get3A_66] : memref<4x4096x128xf32, #tpu.memory_space<vmem>>, vector<1x4096x128xf32>
    %get3A_68 = vector.shape_cast %get3A_67 : vector<1x4096x128xf32> to vector<4096x128xf32>
    %transpose3A_69 = tpu.transpose %get3A_68, [1, 0] : vector<4096x128xf32> -> vector<128x4096xf32>
    %mul3A_70 = arith.constant 8.000000e+00 : f32
    %mul3A_71 = vector.broadcast %mul3A_70 : f32 to vector<128x4096xf32>
    %mul3A_72 = arith.mulf %transpose3A_69, %mul3A_71 : vector<128x4096xf32>
    %slice3A_73 = vector.extract_strided_slice %mul3A_72 {offsets = [0, 0], sizes = [64, 4096], strides = [1, 1]} : vector<128x4096xf32> to vector<64x4096xf32>
    %swap3A_74 = arith.constant 6 : index
    %swap3A_75 = arith.constant 0 : index
    %swap3A_76 = arith.constant 0 : index
    %swap3A_77 = vector.load %arg2[%swap3A_74, %swap3A_75, %swap3A_76] : memref<8x64x4096xf32, #tpu.memory_space<vmem>>, vector<1x64x4096xf32>
    %swap3A_78 = vector.shape_cast %swap3A_77 : vector<1x64x4096xf32> to vector<64x4096xf32>
    %swap3A_79 = vector.shape_cast %slice3A_73 : vector<64x4096xf32> to vector<1x64x4096xf32>
    tpu.vector_store %arg2[%swap3A_74, %swap3A_75, %swap3A_76], %swap3A_79 {strides = array<i32>} : memref<8x64x4096xf32, #tpu.memory_space<vmem>>, vector<1x64x4096xf32>,
    %slice3A_80 = vector.extract_strided_slice %mul3A_72 {offsets = [64, 0], sizes = [64, 4096], strides = [1, 1]} : vector<128x4096xf32> to vector<64x4096xf32>
    %swap3A_81 = arith.constant 7 : index
    %swap3A_82 = arith.constant 0 : index
    %swap3A_83 = arith.constant 0 : index
    %swap3A_84 = vector.load %arg2[%swap3A_81, %swap3A_82, %swap3A_83] : memref<8x64x4096xf32, #tpu.memory_space<vmem>>, vector<1x64x4096xf32>
    %swap3A_85 = vector.shape_cast %swap3A_84 : vector<1x64x4096xf32> to vector<64x4096xf32>
    %swap3A_86 = vector.shape_cast %slice3A_80 : vector<64x4096xf32> to vector<1x64x4096xf32>
    tpu.vector_store %arg2[%swap3A_81, %swap3A_82, %swap3A_83], %swap3A_86 {strides = array<i32>} : memref<8x64x4096xf32, #tpu.memory_space<vmem>>, vector<1x64x4096xf32>,
    return
  }
  func.func @transform_0(%arg0: i32) -> (i32, i32, i32) {
    %c0_i32 = arith.constant 0 : i32
    %c0_i32_0 = arith.constant 0 : i32
    %c0_i32_1 = arith.constant 0 : i32
    return %arg0, %c0_i32, %c0_i32_0 : i32, i32, i32
  }
  func.func @transform_1(%arg0: i32) -> (i32, i32, i32) {
    %c0_i32 = arith.constant 0 : i32
    %c0_i32_0 = arith.constant 0 : i32
    %c0_i32_1 = arith.constant 0 : i32
    return %arg0, %c0_i32, %c0_i32_0 : i32, i32, i32
  }
}

</mosaic_0001>

<sc_bundles>
// kernel: kernel.4.cloned.1.call-start
scs
__scs_entry_jumppad:
0x0: {  	(pc) =	sbr.rel $0x88, $3  }
0x1: {  	(tag) =	ssettag $0x0;
	lr =	simm.s32 $0x1  }
0x2: {  	[smem:$0x3F9F] =	sst lr;
	_ =	strace $0xD0000000  }
0x3: {  	_ = 	snop  }
0x4: {  	_ = 	snop  }
0x5: {  	_ = 	snop  }
0x6: {  	_ = 	snop  }
0x7: {  	_ = 	snop  }
__scs_overlays_trampoline_lowered:
0x8: {  	[smem:$0x3FAE] =	sst s0  }
0x9: {  	[smem:$0x3FAF] =	sst s1  }
0xa: {  	[smem:$0x3FB0] =	sst s2  }
0xb: {  	[smem:$0x3FB1] =	sst s3  }
0xc: {  	[smem:$0x3FB2] =	sst s4  }
0xd: {  	[smem:$0x3FB3] =	sst s5  }
0xe: {  	[smem:$0x3FB4] =	sst s6  }
0xf: {  	[smem:$0x3FB5] =	sst s7  }
0x10: {  	[smem:$0x3FB6] =	sst s8  }
0x11: {  	[smem:$0x3FB7] =	sst s9;
	s0 =	simm.s32 @!p0 $0x0  }
0x12: {  	s1 =	sld [smem:$0x3F9D];
	s0 =	simm.s32 @p0 $0x1  }
0x13: {  	[smem:$0x3FB8] =	sst s0;
	s0 =	simm.s32 @!p1 $0x0  }
0x14: {  	s2 =	sld [smem:$0x3F9C];
	s0 =	simm.s32 @p1 $0x1  }
0x15: {  	[smem:$0x3FB9] =	sst s0;
	s0 =	simm.s32 @!p2 $0x0  }
0x16: {  	s3 =	sld [smem:$0x3FDB];
	s0 =	simm.s32 @p2 $0x1  }
0x17: {  	s4 =	simm.s32 $0x1BF5;
	[smem:$0x3FBB] =	sst s0  }
0x18: {  	s0 =	sld [smem:$0x3F9E];
	_ =	swait.ge [sflag:s4], $0x0  }
0x19: {  	s7 =	sld [smem:$0x3F9F]  }
0x1a: {  	s8 =	sadd.s32 $0xFFFFE003, lr  }
0x1b: {  	s9 =	sadd.s32 $0xFFFFFEF7, lr;
	s5 =	simm.s32 $0xFFFFFFFF;
	p2 =	slt.u32 s8, $0xFFFFF086  }
0x1c: {  	p1 =	slt.u32 s9, $0xF7A;
	s5 =	simm.s32 @!p2 $0x0  }
0x1d: {  	s5 =	simm.s32 @p1 $0x1;
	p0 =	seq.s32 s7, s2  }
0x1e: {  	s7 =	smul.u32 @!p0 $0xF7A, s2;
	p2 =	seq.s32 @!p0 s5, $0x0  }
0x1f: {  	s9 =	smul.u32 $0xF7A, s1;
	s8 =	simm.s32 @!p0 $0x1BF5;
	p2 =	por !p2, p0  }
0x20: {  	[sflag:s8] =	ssyncset.s32 @!p0 $0xFFFFF086;
	s6 =	sadd.s32 @!p0 s3, s7;
	s7 =	simm.s32 @!p0 $0x108  }
0x21: {  	s3 =	sadd.s32 s3, s9;
	s6 =	sadd.s32 @!p0 $0x88, s6;
	s7 =	simm.s32 @p2 $0x1082  }
0x22: {  	[simem:s7], [sflag:s8] =	dma.local @!p0 [hbm:s6], $0xF7A  }
0x23: {  	s9 =	sor.u32 $0xD0000000, s2;
	s6 =	simm.s32 $0x108;
	_ =	swait.ge @!p0 [sflag:s8], $0x0  }
0x24: {  	s3 =	sadd.s32 $0x88, s3;
	s6 =	simm.s32 @!p1 $0x1082;
	[sflag:s4] =	ssyncset.s32 $0xFFFFF086  }
0x25: {  	[simem:s6], [sflag:s4] =	dma.local [hbm:s3], $0xF7A  }
0x26: {  	[smem:$0x3F9F] =	sst s1;
	(tag) =	ssettag s2;
	_ =	strace s9  }
0x27: {  	s1 =	sld [smem:$0x3FAF]  }
0x28: {  	s2 =	sld [smem:$0x3FB0]  }
0x29: {  	s4 =	sld [smem:$0x3FB2]  }
0x2a: {  	p0 =	seq.s32 s5, $0x0;
	s5 =	sld [smem:$0x3FB3]  }
0x2b: {  	s6 =	sld [smem:$0x3FB4]  }
0x2c: {  	s7 =	sld [smem:$0x3FB5]  }
0x2d: {  	s3 =	simm.s32 $0x108;
	s8 =	sld [smem:$0x3FB6]  }
0x2e: {  	s3 =	simm.s32 @!p0 $0x1082;
	s9 =	sld [smem:$0x3FB7]  }
0x2f: {  	lr =	sadd.s32 s0, s3;
	s0 =	sld [smem:$0x3FAE]  }
0x30: {  	s3 =	sld [smem:$0x3FB1]  }
0x31: {  	[smem:$0x3FBA] =	sst s10  }
0x32: {  	s10 =	sld [smem:$0x3FB8];
	_ =	sdelay $0x3  }
0x33: {  	p0 =	seq.s32 s10, $0x1;
	s10 =	sld [smem:$0x3FBA];
	_ =	sdelay $0x3  }
0x34: {  	[smem:$0x3FBA] =	sst s10  }
0x35: {  	s10 =	sld [smem:$0x3FB9];
	_ =	sdelay $0x3  }
0x36: {  	p1 =	seq.s32 s10, $0x1;
	s10 =	sld [smem:$0x3FBA];
	_ =	sdelay $0x3  }
0x37: {  	[smem:$0x3FBA] =	sst s10  }
0x38: {  	s10 =	sld [smem:$0x3FBB]  }
0x39: {  	_ = 	snop;
	(pc) =	sbr.ind lr, $3  }
0x3a: {  	_ = 	snop  }
0x3b: {  	_ = 	snop  }
0x3c: {  	p2 =	seq.s32 s10, $0x1;
	s10 =	sld [smem:$0x3FBA]  }
0x3d: {  	_ =	shalt  }
0x3e: {  	_ =	shalt  }
0x3f: {  	_ =	shalt  }
0x40: {  	_ =	shalt  }
0x41: {  	_ =	shalt  }
0x42: {  	_ =	shalt  }
0x43: {  	_ =	shalt  }
0x44: {  	_ =	shalt  }
0x45: {  	_ =	shalt  }
0x46: {  	_ =	shalt  }
0x47: {  	_ =	shalt  }
0x48: {  	_ =	shalt  }
0x49: {  	_ =	shalt  }
0x4a: {  	_ =	shalt  }
0x4b: {  	_ =	shalt  }
0x4c: {  	_ =	shalt  }
0x4d: {  	_ =	shalt  }
0x4e: {  	_ =	shalt  }
0x4f: {  	_ =	shalt  }
0x50: {  	_ =	shalt  }
0x51: {  	_ =	shalt  }
0x52: {  	_ =	shalt  }
0x53: {  	_ =	shalt  }
0x54: {  	_ =	shalt  }
0x55: {  	_ =	shalt  }
0x56: {  	_ =	shalt  }
0x57: {  	_ =	shalt  }
0x58: {  	_ =	shalt  }
0x59: {  	_ =	shalt  }
0x5a: {  	_ =	shalt  }
0x5b: {  	_ =	shalt  }
0x5c: {  	_ =	shalt  }
0x5d: {  	_ =	shalt  }
0x5e: {  	_ =	shalt  }
0x5f: {  	_ =	shalt  }
0x60: {  	_ =	shalt  }
0x61: {  	_ =	shalt  }
0x62: {  	_ =	shalt  }
0x63: {  	_ =	shalt  }
0x64: {  	_ =	shalt  }
0x65: {  	_ =	shalt  }
0x66: {  	_ =	shalt  }
0x67: {  	_ =	shalt  }
0x68: {  	_ =	shalt  }
0x69: {  	_ =	shalt  }
0x6a: {  	_ =	shalt  }
0x6b: {  	_ =	shalt  }
0x6c: {  	_ =	shalt  }
0x6d: {  	_ =	shalt  }
0x6e: {  	_ =	shalt  }
0x6f: {  	_ =	shalt  }
0x70: {  	_ =	shalt  }
0x71: {  	_ =	shalt  }
0x72: {  	_ =	shalt  }
0x73: {  	_ =	shalt  }
0x74: {  	_ =	shalt  }
0x75: {  	_ =	shalt  }
0x76: {  	_ =	shalt  }
0x77: {  	_ =	shalt  }
0x78: {  	_ =	shalt  }
0x79: {  	_ =	shalt  }
0x7a: {  	_ =	shalt  }
0x7b: {  	_ =	shalt  }
0x7c: {  	_ =	shalt  }
0x7d: {  	_ =	shalt  }
0x7e: {  	_ =	shalt  }
0x7f: {  	_ =	shalt  }
0x80: {  	_ =	shalt  }
0x81: {  	_ =	shalt  }
0x82: {  	_ =	shalt  }
0x83: {  	_ =	shalt  }
0x84: {  	_ =	shalt  }
0x85: {  	_ =	shalt  }
0x86: {  	_ =	shalt  }
0x87: {  	_ =	shalt  }
.Lfunc_end0:
.L_simem_size_0:
called_computation_lowered:
.L_overlay_start_0:
0x88: {  	s2 =	sld [smem:$0x3FD9]  }
0x89: {  	s3 =	sld [smem:$0x3FFE];
	_ =	sdelay $0x1  }
0x8a: {  	s1 =	srdreg.scid  }
0x8b: {  	s0 =	sand.u32 $0x1, s1  }
0x8c: {  	s16 =	sshll.u32 s0, $0xA;
	s2 =	sadd.s32 s3, s2  }
0x8d: {  	s2 =	sadd.s32 s2, s16  }
0x8e: {  	[smem:$0x3FC6] =	sst s2  }
0x8f: {  	_ = 	snop  }
0x90: {  	(tm) =	ssettm $0x1  }
0x91: {  	s17 =	sld [smem:$0x3FFB];
	_ =	sdelay $0x3  }
0x92: {  	_ =	strace s17  }
0x93: {  	s2 =	sld [smem:$0x3FFC];
	_ =	sdelay $0x3  }
0x94: {  	_ =	strace s2  }
0x95: {  	s2 =	sld [smem:$0x3FFD];
	_ =	sdelay $0x3  }
0x96: {  	_ =	strace s2  }
0x97: {  	_ =	strace $0x8FFFFFFF  }
0x98: {  	s18 =	sld [smem:$0x3FDB];
	_ =	sdelay $0x1  }
0x99: {  	s19 =	simm.s32 $_scs_section_size  }
0x9a: {  	s4 =	simm.s32 $_size__tile_overlayer_lowered;
	s5 =	simm.s32 $_tile_overlayer_lowered  }
0x9b: {  	s22 =	simm.s32 $0x1BFF;
	s21 =	sshll.u32 s5, $0x1;
	s2 =	sadd.s32 s19, s18  }
0x9c: {  	s6 =	simm.s32 $0x0;
	s20 =	sshll.u32 s4, $0x1;
	s4 =	sadd.s32 s21, s2  }
0x9d: {  	[timem:s6], [sflag:s22] =	dma.local [hbm:s4], s20  }
0x9e: {  	_ =	swait.ge [sflag:s22], s20  }
0x9f: {  	s3 =	ssub.s32 $0x0, s20;
	[sflag:s22] =	ssyncset.done $0x0  }
0xa0: {  	[sflag:s22] =	ssyncadd.s32 s3;
	_ =	sdelay $0x1  }
0xa1: {  	s23 =	simm.s32 $0x1B8B  }
0xa2: {  	_ =	swait.ge [sflag:s23], $0x1  }
0xa3: {  	[sflag:s23] =	ssyncset.done $0x0  }
0xa4: {  	s25 =	simm.s32 $0x1B8E;
	s24 =	sld [smem:$0x3FFE];
	[sflag:s23] =	ssyncadd.s32 $0xFFFFFFFF  }
0xa5: {  	s26 =	simm.s32 $execute0_lowered;
	[smem:$0x3FD2] =	sst s25  }
0xa6: {  	s4 =	sshll.u32 s26, $0x1;
	_ =	strace $0x80000046;
	[dreg:$0x1] =	wrdreg $0xFFFFFFFF  }
0xa7: {  	s28 =	simm.s32 $_size_execute0_lowered;
	s2 =	sadd.s32 s2, s4;
	[dreg:$0x0] =	wrdreg $0x0  }
0xa8: {  	s4 =	sshll.u32 s28, $0x1;
	[dreg:$0x2] =	wrdreg s2  }
0xa9: {  	[dreg:$0x3] =	wrdreg s4  }
0xaa: {  	[dreg:$0x4] =	wrdreg $0xC0  }
0xab: {  	_ =	task [dreg:s6], $0x5FFFF  }
0xac: {  	[dreg:$0x1] =	wrdreg $0xFFFFFFFF  }
0xad: {  	[dreg:$0x0] =	wrdreg $0x60  }
0xae: {  	[dreg:$0x2] =	wrdreg s24  }
0xaf: {  	[dreg:$0x3] =	wrdreg $0x9  }
0xb0: {  	_ =	task.clear_ibuf [dreg:s6], $0x4FFFF;
	_ =	strace $0x90000046  }
0xb1: {  	s29 =	simm.s32 $0x9;
	_ =	strace $0x80000048  }
0xb2: {  	_ =	swait.ge [sflag:s29], $0x1  }
0xb3: {  	[sflag:s29] =	ssyncadd.s32 $0xFFFFFFFF  }
0xb4: {  	_ =	strace $0x90000048  }
0xb5: {  	_ =	sfence  }
0xb6: {  	s30 =	sld [smem:$0x0];
	_ =	sdelay $0x2  }
0xb7: {  	s31 =	sshll.u32 s1, $0xD;
	s1 =	sshrl.u32 s1, $0x2  }
0xb8: {  	s3 =	sand.u32 $0x4000, s31;
	s1 =	sadd.s32 s1, s30  }
0xb9: {  	s0 =	sor.u32 s3, s0;
	s1 =	sshll.u32 s1, $0x11  }
0xba: {  	s0 =	sor.u32 s1, s0  }
0xbb: {  	s0 =	sadd.s32 $0x8F2B, s0  }
0xbc: {  	[sflag:s0] =	ssyncadd.remote.s32 $0x1  }
0xbd: {  	_ =	sfence.sel $0xFFFF  }
0xbe: {  	[dreg:$0x0] =	wrdreg $0xFFFFFFFF;
	(pc) =	sbr.abs _section_cstart, $3  }
0xbf: {  	[dreg:$0x1] =	wrdreg $0xFFFFFFFF  }
0xc0: {  	_ =	task.clear_ibuf [dreg:s6], $0x2FFFF;
	_ =	strace $0x9FFFFFFF  }
0xc1: {  	(tm) =	ssettm $0x7FFFFFFF  }
tec
execute0_lowered:
.L_overlay_start_1:
0x0: {  	(tag) =	ssettag $0x1  }
0x1: {  	s0 =	rddreg [dreg:$0x0];
	s1 =	simm.s32 $0x0;
	s2 =	srdreg.scid  }
0x2: {  	s10 =	stileid.u32;
	s31 =	simm.s32 $0x80;
	s2 =	sand.u32 $0x1, s2  }
0x3: {  	s28 =	simm.s32 $0xE400;
	s4 =	sshll.u32 s10, $0x8;
	s6 =	sshll.u32 s2, $0x7  }
0x4: {  	s29 =	simm.s32 $0x5;
	s30 =	simm.s32 $0x6;
	s9 =	sor.u32 s6, s4  }
0x5: {  	[smem:$0x7FF] =	sst s1;
	s7 =	sadd.s32 $0x400, s0;
	s6 =	sshrl.u32 s9, $0x3  }
0x6: {  	s4 =	sadd.s32 $0xDCA00, s0;
	s13 =	sshll.u32 s9, $0x4;
	s11 =	sadd.s32 s7, s6  }
0x7: {  	_ =	strace $0x80000047;
	s12 =	sadd.s32 s4, s13;
	[dreg:$0x5] =	wrdreg s11  }
0x8: {  	s6 =	sadd.s32 $0xDCA08, s0;
	s14 =	sadd.s32 $0x800, s11;
	[dreg:$0x7] =	wrdreg s12  }
0x9: {  	s3 =	sadd.s32 $0x19400, s0;
	s15 =	sadd.s32 s13, s6;
	[dreg:$0x6] =	wrdreg s14  }
0xa: {  	s20 =	sshll.u32 s10, $0xF;
	s16 =	sadd.s32 $0x10000, s12;
	[dreg:$0x8] =	wrdreg s15  }
0xb: {  	s5 =	ssub.s32 $0x2, s2;
	s17 =	sadd.s32 $0x10008, s12;
	[dreg:$0x9] =	wrdreg s16  }
0xc: {  	s2 =	sshll.u32 s2, $0xE;
	s18 =	sadd.s32 $0x1000, s11;
	[dreg:$0xa] =	wrdreg s17  }
0xd: {  	s8 =	sshrl.u32 s5, $0x1;
	s19 =	sadd.s32 $0x20000, s12;
	[dreg:$0xb] =	wrdreg s18  }
0xe: {  	s5 =	ssub.s32 s5, s8;
	s21 =	sadd.s32 $0x20008, s12;
	[dreg:$0xc] =	wrdreg s19  }
0xf: {  	s0 =	sor.u32 s2, s20;
	s22 =	sadd.s32 $0x30000, s12;
	[dreg:$0xd] =	wrdreg s21  }
0x10: {  	s23 =	sadd.s32 $0x30008, s12;
	s24 =	sadd.s32 $0x1800, s11;
	[dreg:$0xe] =	wrdreg s22  }
0x11: {  	s25 =	sor.u32 $0x380000, s0;
	s26 =	sadd.s32 $0x600000, s12;
	[dreg:$0xf] =	wrdreg s23  }
0x12: {  	s10 =	sor.u32 $0x300000, s0;
	s11 =	sor.u32 $0x280000, s0;
	[dreg:$0x10] =	wrdreg s24  }
0x13: {  	s0 =	sor.u32 $0x200000, s0;
	[dreg:$0x11] =	wrdreg s26;
	s2 =	sshrl.u32 s25, $0x3  }
0x14: {  	s8 =	sshrl.u32 s10, $0x3;
	s14 =	sshrl.u32 s11, $0x3;
	s15 =	sadd.s32 $0x600008, s12  }
0x15: {  	s17 =	sor.u32 $0x14000, s9;
	s18 =	sor.u32 $0x10000, s9;
	[dreg:$0x18] =	wrdreg s0  }
0x16: {  	s19 =	sadd.s32 $0x610000, s12;
	s21 =	sadd.s32 $0x610008, s12;
	[dreg:$0x12] =	wrdreg s15  }
0x17: {  	s22 =	smax.u32 s5, $0x1;
	s23 =	sadd.s32 $0x620008, s12;
	[dreg:$0x13] =	wrdreg s19  }
0x18: {  	s24 =	sadd.s32 $0x620000, s12;
	s25 =	sadd.s32 $0x630000, s12;
	[dreg:$0x16] =	wrdreg s21  }
0x19: {  	s26 =	sadd.s32 $0x630008, s12;
	s0 =	simm.s32 $0x1000;
	[dreg:$0x17] =	wrdreg s22  }
0x1a: {  	s9 =	simm.s32 $0x400;
	s10 =	simm.s32 $0x2400;
	[dreg:$0x19] =	wrdreg s23  }
0x1b: {  	s12 =	simm.s32 $0x4400;
	s5 =	simm.s32 $0x4;
	[dreg:$0x1a] =	wrdreg s24  }
0x1c: {  	s11 =	simm.s32 $0x0;
	s2 =	sadd.s32 s2, s4;
	[dreg:$0x1b] =	wrdreg s25  }
0x1d: {  	s13 =	sadd.s32 s8, s4;
	s16 =	sadd.s32 s14, s4;
	[dreg:$0x1c] =	wrdreg s26  }
0x1e: {  	s8 =	sshrl.u32 s18, $0x3;
	s14 =	simm.s32 $0x6400;
	[dreg:$0x2] =	wrdreg s2  }
0x1f: {  	s15 =	simm.s32 $0x3;
	s18 =	simm.s32 $0x8400;
	[dreg:$0x3] =	wrdreg s13  }
0x20: {  	s24 =	simm.s32 $0xC400;
	[dreg:$0x4] =	wrdreg s16;
	s2 =	sshrl.u32 s17, $0x3  }
0x21: {  	s20 =	sadd.s32 s8, s7;
	s16 =	simm.s32 $0x40;
	s17 =	simm.s32 $0x2  }
0x22: {  	s2 =	sadd.s32 s2, s7;
	[dreg:$0x15] =	wrdreg s20;
	s7 =	simm.s32 $0x1  }
0x23: {  	s20 =	simm.s32 $0xA400;
	[dreg:$0x14] =	wrdreg s2;
	s2 =	simm.s32 $0x200  }
.LBB2_1:
0x24: {  	[dreg:$0x1d] =	wrdreg s11  }
0x25: {  	s8 =	rddreg [dreg:$0x5]  }
0x26: {  	[tilespmem:s1], [sflag:$0x1] =	stream.strided.gather [hbm4b:s8+s31], $0x200, s0, s31, $0x38;
	[tilespmem:$0x10400] =	vst v63  }
0x27: {  	s25 =	rddreg [dreg:$0x6]  }
0x28: {  	[tilespmem:s2], [sflag:$0x2] =	stream.strided.gather [hbm4b:s25+s31], $0x200, s0, s31, $0x38;
	[tilespmem:$0x10400] =	vst v63  }
0x29: {  	_ =	swait.ge [sflag:s7], $0x200  }
0x2a: {  	[sflag:s7] =	ssyncset.done $0x0  }
0x2b: {  	[sflag:s7] =	ssyncadd.s32 $0xFFFFFE00  }
0x2c: {  	[tilespmem:s9], [sflag:$0x3] =	stream.indirect.gather [hbm4b:s3+s31], $0x40, s1, s31, $0xb8;
	[tilespmem:$0x10400] =	vst v63  }
0x2d: {  	_ = 	snop  }
0x2e: {  	[tilespmem:s10], [sflag:$0x3] =	stream.indirect.gather [hbm4b:s3+s31], $0x40, s31, s31, $0xb8;
	[tilespmem:$0x10400] =	vst v63  }
0x2f: {  	s11 =	simm.s32 $0x100  }
0x30: {  	[tilespmem:s12], [sflag:$0x3] =	stream.indirect.gather [hbm4b:s3+s31], $0x40, s11, s31, $0xb8;
	[tilespmem:$0x10400] =	vst v63  }
0x31: {  	s13 =	simm.s32 $0x180  }
0x32: {  	[tilespmem:s14], [sflag:$0x3] =	stream.indirect.gather [hbm4b:s3+s31], $0x40, s13, s31, $0xb8;
	[tilespmem:$0x10400] =	vst v63  }
0x33: {  	_ =	swait.ge [sflag:s15], $0x2000  }
0x34: {  	[sflag:s15] =	ssyncset.done $0x0  }
0x35: {  	[sflag:s15] =	ssyncadd.s32 $0xFFFFE000  }
0x36: {  	_ =	swait.ge [sflag:s15], $0x2000  }
0x37: {  	[sflag:s15] =	ssyncset.done $0x0  }
0x38: {  	[sflag:s15] =	ssyncadd.s32 $0xFFFFE000  }
0x39: {  	_ =	swait.ge [sflag:s15], $0x2000  }
0x3a: {  	[sflag:s15] =	ssyncset.done $0x0  }
0x3b: {  	[sflag:s15] =	ssyncadd.s32 $0xFFFFE000  }
0x3c: {  	_ =	swait.ge [sflag:s15], $0x2000  }
0x3d: {  	[sflag:s15] =	ssyncset.done $0x0  }
0x3e: {  	s26 =	rddreg [dreg:$0x7];
	[sflag:s15] =	ssyncadd.s32 $0xFFFFE000  }
0x3f: {  	[hbm4b:s26+s16] =	stream.strided.scatter [tilespmem:s9], [sflag:$0x5], $0x2000, s31, s16, $0x38;
	[tilespmem:$0x10400] =	vst v63  }
0x40: {  	s19 =	rddreg [dreg:$0x8]  }
0x41: {  	[hbm4b:s19+s16] =	stream.strided.scatter [tilespmem:s10], [sflag:$0x5], $0x2000, s31, s16, $0x38;
	[tilespmem:$0x10400] =	vst v63  }
0x42: {  	s21 =	rddreg [dreg:$0x9]  }
0x43: {  	[hbm4b:s21+s16] =	stream.strided.scatter [tilespmem:s12], [sflag:$0x5], $0x2000, s31, s16, $0x38;
	[tilespmem:$0x10400] =	vst v63  }
0x44: {  	s22 =	rddreg [dreg:$0xa]  }
0x45: {  	[hbm4b:s22+s16] =	stream.strided.scatter [tilespmem:s14], [sflag:$0x5], $0x2000, s31, s16, $0x38;
	[tilespmem:$0x10400] =	vst v63  }
0x46: {  	s23 =	rddreg [dreg:$0xb]  }
0x47: {  	[tilespmem:s1], [sflag:$0x1] =	stream.strided.gather [hbm4b:s23+s31], $0x200, s0, s31, $0x38;
	[tilespmem:$0x10400] =	vst v63  }
0x48: {  	_ =	swait.ge [sflag:s17], $0x200  }
0x49: {  	[sflag:s17] =	ssyncset.done $0x0  }
0x4a: {  	[sflag:s17] =	ssyncadd.s32 $0xFFFFFE00  }
0x4b: {  	[tilespmem:s18], [sflag:$0x4] =	stream.indirect.gather [hbm4b:s3+s31], $0x40, s2, s31, $0xb8;
	[tilespmem:$0x10400] =	vst v63  }
0x4c: {  	s21 =	simm.s32 $0x280  }
0x4d: {  	[tilespmem:s20], [sflag:$0x4] =	stream.indirect.gather [hbm4b:s3+s31], $0x40, s21, s31, $0xb8;
	[tilespmem:$0x10400] =	vst v63  }
0x4e: {  	s22 =	simm.s32 $0x300  }
0x4f: {  	[tilespmem:s24], [sflag:$0x4] =	stream.indirect.gather [hbm4b:s3+s31], $0x40, s22, s31, $0xb8;
	[tilespmem:$0x10400] =	vst v63  }
0x50: {  	s23 =	simm.s32 $0x380  }
0x51: {  	[tilespmem:s28], [sflag:$0x4] =	stream.indirect.gather [hbm4b:s3+s31], $0x40, s23, s31, $0xb8;
	[tilespmem:$0x10400] =	vst v63  }
0x52: {  	_ =	swait.ge [sflag:s5], $0x2000  }
0x53: {  	[sflag:s5] =	ssyncset.done $0x0  }
0x54: {  	[sflag:s5] =	ssyncadd.s32 $0xFFFFE000  }
0x55: {  	_ =	swait.ge [sflag:s5], $0x2000  }
0x56: {  	[sflag:s5] =	ssyncset.done $0x0  }
0x57: {  	[sflag:s5] =	ssyncadd.s32 $0xFFFFE000  }
0x58: {  	_ =	swait.ge [sflag:s5], $0x2000  }
0x59: {  	[sflag:s5] =	ssyncset.done $0x0  }
0x5a: {  	[sflag:s5] =	ssyncadd.s32 $0xFFFFE000  }
0x5b: {  	_ =	swait.ge [sflag:s5], $0x2000  }
0x5c: {  	[sflag:s5] =	ssyncset.done $0x0  }
0x5d: {  	s25 =	rddreg [dreg:$0xc];
	[sflag:s5] =	ssyncadd.s32 $0xFFFFE000  }
0x5e: {  	[hbm4b:s25+s16] =	stream.strided.scatter [tilespmem:s18], [sflag:$0x6], $0x2000, s31, s16, $0x38;
	[tilespmem:$0x10400] =	vst v63  }
0x5f: {  	s26 =	rddreg [dreg:$0xd]  }
0x60: {  	[hbm4b:s26+s16] =	stream.strided.scatter [tilespmem:s20], [sflag:$0x6], $0x2000, s31, s16, $0x38;
	[tilespmem:$0x10400] =	vst v63  }
0x61: {  	s19 =	rddreg [dreg:$0xe]  }
0x62: {  	[hbm4b:s19+s16] =	stream.strided.scatter [tilespmem:s24], [sflag:$0x6], $0x2000, s31, s16, $0x38;
	[tilespmem:$0x10400] =	vst v63  }
0x63: {  	s25 =	rddreg [dreg:$0xf]  }
0x64: {  	[hbm4b:s25+s16] =	stream.strided.scatter [tilespmem:s28], [sflag:$0x6], $0x2000, s31, s16, $0x38;
	[tilespmem:$0x10400] =	vst v63  }
0x65: {  	s26 =	rddreg [dreg:$0x10]  }
0x66: {  	[tilespmem:s2], [sflag:$0x2] =	stream.strided.gather [hbm4b:s26+s31], $0x200, s0, s31, $0x38;
	[tilespmem:$0x10400] =	vst v63  }
0x67: {  	_ =	swait.ge [sflag:s7], $0x200  }
0x68: {  	[sflag:s7] =	ssyncset.done $0x0  }
0x69: {  	[sflag:s7] =	ssyncadd.s32 $0xFFFFFE00  }
0x6a: {  	_ =	swait.ge [sflag:s29], $0x2000  }
0x6b: {  	[sflag:s29] =	ssyncset.done $0x0  }
0x6c: {  	[sflag:s29] =	ssyncadd.s32 $0xFFFFE000  }
0x6d: {  	_ =	swait.ge [sflag:s29], $0x2000  }
0x6e: {  	[sflag:s29] =	ssyncset.done $0x0  }
0x6f: {  	[sflag:s29] =	ssyncadd.s32 $0xFFFFE000  }
0x70: {  	_ =	swait.ge [sflag:s29], $0x2000  }
0x71: {  	[sflag:s29] =	ssyncset.done $0x0  }
0x72: {  	[sflag:s29] =	ssyncadd.s32 $0xFFFFE000  }
0x73: {  	_ =	swait.ge [sflag:s29], $0x2000  }
0x74: {  	[sflag:s29] =	ssyncset.done $0x0  }
0x75: {  	[sflag:s29] =	ssyncadd.s32 $0xFFFFE000  }
0x76: {  	[tilespmem:s9], [sflag:$0x3] =	stream.indirect.gather [hbm4b:s3+s31], $0x40, s1, s31, $0xb8;
	[tilespmem:$0x10400] =	vst v63  }
0x77: {  	_ = 	snop  }
0x78: {  	[tilespmem:s10], [sflag:$0x3] =	stream.indirect.gather [hbm4b:s3+s31], $0x40, s31, s31, $0xb8;
	[tilespmem:$0x10400] =	vst v63  }
0x79: {  	_ = 	snop  }
0x7a: {  	[tilespmem:s12], [sflag:$0x3] =	stream.indirect.gather [hbm4b:s3+s31], $0x40, s11, s31, $0xb8;
	[tilespmem:$0x10400] =	vst v63  }
0x7b: {  	_ = 	snop  }
0x7c: {  	[tilespmem:s14], [sflag:$0x3] =	stream.indirect.gather [hbm4b:s3+s31], $0x40, s13, s31, $0xb8;
	[tilespmem:$0x10400] =	vst v63  }
0x7d: {  	_ =	swait.ge [sflag:s15], $0x2000  }
0x7e: {  	[sflag:s15] =	ssyncset.done $0x0  }
0x7f: {  	[sflag:s15] =	ssyncadd.s32 $0xFFFFE000  }
0x80: {  	_ =	swait.ge [sflag:s15], $0x2000  }
0x81: {  	[sflag:s15] =	ssyncset.done $0x0  }
0x82: {  	[sflag:s15] =	ssyncadd.s32 $0xFFFFE000  }
0x83: {  	_ =	swait.ge [sflag:s15], $0x2000  }
0x84: {  	[sflag:s15] =	ssyncset.done $0x0  }
0x85: {  	[sflag:s15] =	ssyncadd.s32 $0xFFFFE000  }
0x86: {  	_ =	swait.ge [sflag:s15], $0x2000  }
0x87: {  	s19 =	rddreg [dreg:$0x18]  }
0x88: {  	[sflag:s15] =	ssyncset.done $0x0;
	s13 =	sshrl.u32 s19, $0x3  }
0x89: {  	[sflag:s15] =	ssyncadd.s32 $0xFFFFE000;
	s25 =	sadd.s32 s4, s13  }
0x8a: {  	[hbm4b:s25+s16] =	stream.strided.scatter [tilespmem:s9], [sflag:$0x5], $0x2000, s31, s16, $0x38;
	[tilespmem:$0x10400] =	vst v63  }
0x8b: {  	s26 =	rddreg [dreg:$0x4];
	s8 =	sadd.s32 s13, s6  }
0x8c: {  	[hbm4b:s8+s16] =	stream.strided.scatter [tilespmem:s10], [sflag:$0x5], $0x2000, s31, s16, $0x38;
	[tilespmem:$0x10400] =	vst v63  }
0x8d: {  	s13 =	sadd.s32 $0x0, s26  }
0x8e: {  	[hbm4b:s13+s16] =	stream.strided.scatter [tilespmem:s12], [sflag:$0x5], $0x2000, s31, s16, $0x38;
	[tilespmem:$0x10400] =	vst v63  }
0x8f: {  	s8 =	sadd.s32 $0x8, s13  }
0x90: {  	[hbm4b:s8+s16] =	stream.strided.scatter [tilespmem:s14], [sflag:$0x5], $0x2000, s31, s16, $0x38;
	[tilespmem:$0x10400] =	vst v63  }
0x91: {  	s13 =	rddreg [dreg:$0x15]  }
0x92: {  	[tilespmem:s1], [sflag:$0x1] =	stream.strided.gather [hbm4b:s13+s31], $0x200, s0, s31, $0x38;
	[tilespmem:$0x10400] =	vst v63  }
0x93: {  	_ =	swait.ge [sflag:s17], $0x200  }
0x94: {  	[sflag:s17] =	ssyncset.done $0x0  }
0x95: {  	[sflag:s17] =	ssyncadd.s32 $0xFFFFFE00  }
0x96: {  	_ =	swait.ge [sflag:s30], $0x2000  }
0x97: {  	[sflag:s30] =	ssyncset.done $0x0  }
0x98: {  	[sflag:s30] =	ssyncadd.s32 $0xFFFFE000  }
0x99: {  	_ =	swait.ge [sflag:s30], $0x2000  }
0x9a: {  	[sflag:s30] =	ssyncset.done $0x0  }
0x9b: {  	[sflag:s30] =	ssyncadd.s32 $0xFFFFE000  }
0x9c: {  	_ =	swait.ge [sflag:s30], $0x2000  }
0x9d: {  	[sflag:s30] =	ssyncset.done $0x0  }
0x9e: {  	[sflag:s30] =	ssyncadd.s32 $0xFFFFE000  }
0x9f: {  	_ =	swait.ge [sflag:s30], $0x2000  }
0xa0: {  	[sflag:s30] =	ssyncset.done $0x0  }
0xa1: {  	[sflag:s30] =	ssyncadd.s32 $0xFFFFE000  }
0xa2: {  	[tilespmem:s18], [sflag:$0x4] =	stream.indirect.gather [hbm4b:s3+s31], $0x40, s2, s31, $0xb8;
	[tilespmem:$0x10400] =	vst v63  }
0xa3: {  	_ = 	snop  }
0xa4: {  	[tilespmem:s20], [sflag:$0x4] =	stream.indirect.gather [hbm4b:s3+s31], $0x40, s21, s31, $0xb8;
	[tilespmem:$0x10400] =	vst v63  }
0xa5: {  	_ = 	snop  }
0xa6: {  	[tilespmem:s24], [sflag:$0x4] =	stream.indirect.gather [hbm4b:s3+s31], $0x40, s22, s31, $0xb8;
	[tilespmem:$0x10400] =	vst v63  }
0xa7: {  	_ = 	snop  }
0xa8: {  	[tilespmem:s28], [sflag:$0x4] =	stream.indirect.gather [hbm4b:s3+s31], $0x40, s23, s31, $0xb8;
	[tilespmem:$0x10400] =	vst v63  }
0xa9: {  	_ =	swait.ge [sflag:s5], $0x2000  }
0xaa: {  	[sflag:s5] =	ssyncset.done $0x0  }
0xab: {  	[sflag:s5] =	ssyncadd.s32 $0xFFFFE000  }
0xac: {  	_ =	swait.ge [sflag:s5], $0x2000  }
0xad: {  	[sflag:s5] =	ssyncset.done $0x0  }
0xae: {  	[sflag:s5] =	ssyncadd.s32 $0xFFFFE000  }
0xaf: {  	_ =	swait.ge [sflag:s5], $0x2000  }
0xb0: {  	[sflag:s5] =	ssyncset.done $0x0  }
0xb1: {  	[sflag:s5] =	ssyncadd.s32 $0xFFFFE000  }
0xb2: {  	_ =	swait.ge [sflag:s5], $0x2000  }
0xb3: {  	s23 =	rddreg [dreg:$0x3];
	[sflag:s5] =	ssyncset.done $0x0  }
0xb4: {  	[sflag:s5] =	ssyncadd.s32 $0xFFFFE000;
	s8 =	sadd.s32 $0x0, s23  }
0xb5: {  	[hbm4b:s8+s16] =	stream.strided.scatter [tilespmem:s18], [sflag:$0x6], $0x2000, s31, s16, $0x38;
	[tilespmem:$0x10400] =	vst v63  }
0xb6: {  	s25 =	rddreg [dreg:$0x2];
	s8 =	sadd.s32 $0x8, s8  }
0xb7: {  	[hbm4b:s8+s16] =	stream.strided.scatter [tilespmem:s20], [sflag:$0x6], $0x2000, s31, s16, $0x38;
	[tilespmem:$0x10400] =	vst v63  }
0xb8: {  	s26 =	sadd.s32 $0x0, s25  }
0xb9: {  	[hbm4b:s26+s16] =	stream.strided.scatter [tilespmem:s24], [sflag:$0x6], $0x2000, s31, s16, $0x38;
	[tilespmem:$0x10400] =	vst v63  }
0xba: {  	s22 =	simm.s32 $0x40000;
	s11 =	rddreg [dreg:$0x14];
	s8 =	sadd.s32 $0x8, s26  }
0xbb: {  	[hbm4b:s8+s16] =	stream.strided.scatter [tilespmem:s28], [sflag:$0x6], $0x2000, s31, s16, $0x38;
	[tilespmem:$0x10400] =	vst v63  }
0xbc: {  	s25 =	sadd.s32 $0x200000, s19;
	s21 =	sadd.s32 $0x1000, s11;
	s8 =	sadd.s32 $0x1000, s13  }
.LBB2_2:
0xbd: {  	[tilespmem:s2], [sflag:$0x2] =	stream.strided.gather [hbm4b:s11+s31], $0x200, s0, s31, $0x38;
	[tilespmem:$0x10400] =	vst v63  }
0xbe: {  	_ =	swait.ge [sflag:s7], $0x200  }
0xbf: {  	[sflag:s7] =	ssyncset.done $0x0  }
0xc0: {  	[sflag:s7] =	ssyncadd.s32 $0xFFFFFE00  }
0xc1: {  	_ =	swait.ge [sflag:s29], $0x2000  }
0xc2: {  	[sflag:s29] =	ssyncset.done $0x0  }
0xc3: {  	[sflag:s29] =	ssyncadd.s32 $0xFFFFE000  }
0xc4: {  	_ =	swait.ge [sflag:s29], $0x2000  }
0xc5: {  	[sflag:s29] =	ssyncset.done $0x0  }
0xc6: {  	[sflag:s29] =	ssyncadd.s32 $0xFFFFE000  }
0xc7: {  	_ =	swait.ge [sflag:s29], $0x2000  }
0xc8: {  	[sflag:s29] =	ssyncset.done $0x0  }
0xc9: {  	[sflag:s29] =	ssyncadd.s32 $0xFFFFE000  }
0xca: {  	_ =	swait.ge [sflag:s29], $0x2000  }
0xcb: {  	[sflag:s29] =	ssyncset.done $0x0  }
0xcc: {  	[sflag:s29] =	ssyncadd.s32 $0xFFFFE000  }
0xcd: {  	[tilespmem:s9], [sflag:$0x3] =	stream.indirect.gather [hbm4b:s3+s31], $0x40, s1, s31, $0xb8;
	[tilespmem:$0x10400] =	vst v63  }
0xce: {  	_ = 	snop  }
0xcf: {  	[tilespmem:s10], [sflag:$0x3] =	stream.indirect.gather [hbm4b:s3+s31], $0x40, s31, s31, $0xb8;
	[tilespmem:$0x10400] =	vst v63  }
0xd0: {  	s19 =	simm.s32 $0x100  }
0xd1: {  	[tilespmem:s12], [sflag:$0x3] =	stream.indirect.gather [hbm4b:s3+s31], $0x40, s19, s31, $0xb8;
	[tilespmem:$0x10400] =	vst v63  }
0xd2: {  	s26 =	simm.s32 $0x180  }
0xd3: {  	[tilespmem:s14], [sflag:$0x3] =	stream.indirect.gather [hbm4b:s3+s31], $0x40, s26, s31, $0xb8;
	[tilespmem:$0x10400] =	vst v63  }
0xd4: {  	_ =	swait.ge [sflag:s15], $0x2000  }
0xd5: {  	[sflag:s15] =	ssyncset.done $0x0  }
0xd6: {  	[sflag:s15] =	ssyncadd.s32 $0xFFFFE000  }
0xd7: {  	_ =	swait.ge [sflag:s15], $0x2000  }
0xd8: {  	[sflag:s15] =	ssyncset.done $0x0  }
0xd9: {  	[sflag:s15] =	ssyncadd.s32 $0xFFFFE000  }
0xda: {  	_ =	swait.ge [sflag:s15], $0x2000  }
0xdb: {  	[sflag:s15] =	ssyncset.done $0x0  }
0xdc: {  	[sflag:s15] =	ssyncadd.s32 $0xFFFFE000  }
0xdd: {  	_ =	swait.ge [sflag:s15], $0x2000  }
0xde: {  	s19 =	sshrl.u32 s25, $0x3;
	[sflag:s15] =	ssyncset.done $0x0  }
0xdf: {  	s23 =	sadd.s32 s4, s19;
	[sflag:s15] =	ssyncadd.s32 $0xFFFFE000  }
0xe0: {  	[hbm4b:s23+s16] =	stream.strided.scatter [tilespmem:s9], [sflag:$0x5], $0x2000, s31, s16, $0x38;
	[tilespmem:$0x10400] =	vst v63  }
0xe1: {  	s13 =	smov.u32 s22;
	s19 =	sadd.s32 s19, s6;
	s26 =	rddreg [dreg:$0x4]  }
0xe2: {  	[hbm4b:s19+s16] =	stream.strided.scatter [tilespmem:s10], [sflag:$0x5], $0x2000, s31, s16, $0x38;
	[tilespmem:$0x10400] =	vst v63  }
0xe3: {  	s23 =	sadd.s32 s13, s26  }
0xe4: {  	[hbm4b:s23+s16] =	stream.strided.scatter [tilespmem:s12], [sflag:$0x5], $0x2000, s31, s16, $0x38;
	[tilespmem:$0x10400] =	vst v63  }
0xe5: {  	s19 =	sadd.s32 $0x8, s23  }
0xe6: {  	[hbm4b:s19+s16] =	stream.strided.scatter [tilespmem:s14], [sflag:$0x5], $0x2000, s31, s16, $0x38;
	[tilespmem:$0x10400] =	vst v63  }
0xe7: {  	_ = 	snop  }
0xe8: {  	[tilespmem:s1], [sflag:$0x1] =	stream.strided.gather [hbm4b:s8+s31], $0x200, s0, s31, $0x38;
	[tilespmem:$0x10400] =	vst v63  }
0xe9: {  	_ =	swait.ge [sflag:s17], $0x200  }
0xea: {  	[sflag:s17] =	ssyncset.done $0x0  }
0xeb: {  	[sflag:s17] =	ssyncadd.s32 $0xFFFFFE00  }
0xec: {  	_ =	swait.ge [sflag:s30], $0x2000  }
0xed: {  	[sflag:s30] =	ssyncset.done $0x0  }
0xee: {  	[sflag:s30] =	ssyncadd.s32 $0xFFFFE000  }
0xef: {  	_ =	swait.ge [sflag:s30], $0x2000  }
0xf0: {  	[sflag:s30] =	ssyncset.done $0x0  }
0xf1: {  	[sflag:s30] =	ssyncadd.s32 $0xFFFFE000  }
0xf2: {  	_ =	swait.ge [sflag:s30], $0x2000  }
0xf3: {  	[sflag:s30] =	ssyncset.done $0x0  }
0xf4: {  	[sflag:s30] =	ssyncadd.s32 $0xFFFFE000  }
0xf5: {  	_ =	swait.ge [sflag:s30], $0x2000  }
0xf6: {  	[sflag:s30] =	ssyncset.done $0x0  }
0xf7: {  	[sflag:s30] =	ssyncadd.s32 $0xFFFFE000  }
0xf8: {  	[tilespmem:s18], [sflag:$0x4] =	stream.indirect.gather [hbm4b:s3+s31], $0x40, s2, s31, $0xb8;
	[tilespmem:$0x10400] =	vst v63  }
0xf9: {  	s26 =	simm.s32 $0x280  }
0xfa: {  	[tilespmem:s20], [sflag:$0x4] =	stream.indirect.gather [hbm4b:s3+s31], $0x40, s26, s31, $0xb8;
	[tilespmem:$0x10400] =	vst v63  }
0xfb: {  	s23 =	simm.s32 $0x300  }
0xfc: {  	[tilespmem:s24], [sflag:$0x4] =	stream.indirect.gather [hbm4b:s3+s31], $0x40, s23, s31, $0xb8;
	[tilespmem:$0x10400] =	vst v63  }
0xfd: {  	s26 =	simm.s32 $0x380  }
0xfe: {  	[tilespmem:s28], [sflag:$0x4] =	stream.indirect.gather [hbm4b:s3+s31], $0x40, s26, s31, $0xb8;
	[tilespmem:$0x10400] =	vst v63  }
0xff: {  	_ =	swait.ge [sflag:s5], $0x2000  }
0x100: {  	[sflag:s5] =	ssyncset.done $0x0  }
0x101: {  	[sflag:s5] =	ssyncadd.s32 $0xFFFFE000  }
0x102: {  	_ =	swait.ge [sflag:s5], $0x2000  }
0x103: {  	[sflag:s5] =	ssyncset.done $0x0  }
0x104: {  	[sflag:s5] =	ssyncadd.s32 $0xFFFFE000  }
0x105: {  	_ =	swait.ge [sflag:s5], $0x2000  }
0x106: {  	[sflag:s5] =	ssyncset.done $0x0  }
0x107: {  	[sflag:s5] =	ssyncadd.s32 $0xFFFFE000  }
0x108: {  	_ =	swait.ge [sflag:s5], $0x2000  }
0x109: {  	s23 =	rddreg [dreg:$0x3];
	[sflag:s5] =	ssyncset.done $0x0  }
0x10a: {  	[sflag:s5] =	ssyncadd.s32 $0xFFFFE000;
	s19 =	sadd.s32 s13, s23  }
0x10b: {  	[hbm4b:s19+s16] =	stream.strided.scatter [tilespmem:s18], [sflag:$0x6], $0x2000, s31, s16, $0x38;
	[tilespmem:$0x10400] =	vst v63  }
0x10c: {  	p0 =	sne.s32 s22, $0x580000;
	s19 =	sadd.s32 $0x8, s19  }
0x10d: {  	[hbm4b:s19+s16] =	stream.strided.scatter [tilespmem:s20], [sflag:$0x6], $0x2000, s31, s16, $0x38;
	[tilespmem:$0x10400] =	vst v63  }
.Ltmp0:
0x10e: {  	s11 =	smov.u32 s21;
	s26 =	rddreg [dreg:$0x2];
	(pc) =	sbr.rel @p0 .LBB2_2-.Ltmp0, $4  }
0x10f: {  	s22 =	sadd.s32 $0x40000, s22;
	s21 =	sadd.s32 $0x1000, s21;
	s13 =	sadd.s32 s13, s26  }
0x110: {  	[hbm4b:s13+s16] =	stream.strided.scatter [tilespmem:s24], [sflag:$0x6], $0x2000, s31, s16, $0x38;
	[tilespmem:$0x10400] =	vst v63  }
0x111: {  	s25 =	sadd.s32 $0x200000, s25;
	s8 =	sadd.s32 $0x1000, s8;
	s13 =	sadd.s32 $0x8, s13  }
0x112: {  	[hbm4b:s13+s16] =	stream.strided.scatter [tilespmem:s28], [sflag:$0x6], $0x2000, s31, s16, $0x38;
	[tilespmem:$0x10400] =	vst v63  }
0x113: {  	[tilespmem:s2], [sflag:$0x2] =	stream.strided.gather [hbm4b:s11+s31], $0x200, s0, s31, $0x38;
	[tilespmem:$0x10400] =	vst v63  }
0x114: {  	_ =	swait.ge [sflag:s7], $0x200  }
0x115: {  	[sflag:s7] =	ssyncset.done $0x0  }
0x116: {  	[sflag:s7] =	ssyncadd.s32 $0xFFFFFE00  }
0x117: {  	_ =	swait.ge [sflag:s29], $0x2000  }
0x118: {  	[sflag:s29] =	ssyncset.done $0x0  }
0x119: {  	[sflag:s29] =	ssyncadd.s32 $0xFFFFE000  }
0x11a: {  	_ =	swait.ge [sflag:s29], $0x2000  }
0x11b: {  	[sflag:s29] =	ssyncset.done $0x0  }
0x11c: {  	[sflag:s29] =	ssyncadd.s32 $0xFFFFE000  }
0x11d: {  	_ =	swait.ge [sflag:s29], $0x2000  }
0x11e: {  	[sflag:s29] =	ssyncset.done $0x0  }
0x11f: {  	[sflag:s29] =	ssyncadd.s32 $0xFFFFE000  }
0x120: {  	_ =	swait.ge [sflag:s29], $0x2000  }
0x121: {  	[sflag:s29] =	ssyncset.done $0x0  }
0x122: {  	[sflag:s29] =	ssyncadd.s32 $0xFFFFE000  }
0x123: {  	[tilespmem:s9], [sflag:$0x3] =	stream.indirect.gather [hbm4b:s3+s31], $0x40, s1, s31, $0xb8;
	[tilespmem:$0x10400] =	vst v63  }
0x124: {  	_ = 	snop  }
0x125: {  	[tilespmem:s10], [sflag:$0x3] =	stream.indirect.gather [hbm4b:s3+s31], $0x40, s31, s31, $0xb8;
	[tilespmem:$0x10400] =	vst v63  }
0x126: {  	s8 =	simm.s32 $0x100  }
0x127: {  	[tilespmem:s12], [sflag:$0x3] =	stream.indirect.gather [hbm4b:s3+s31], $0x40, s8, s31, $0xb8;
	[tilespmem:$0x10400] =	vst v63  }
0x128: {  	s19 =	simm.s32 $0x180  }
0x129: {  	[tilespmem:s14], [sflag:$0x3] =	stream.indirect.gather [hbm4b:s3+s31], $0x40, s19, s31, $0xb8;
	[tilespmem:$0x10400] =	vst v63  }
0x12a: {  	_ =	swait.ge [sflag:s15], $0x2000  }
0x12b: {  	[sflag:s15] =	ssyncset.done $0x0  }
0x12c: {  	[sflag:s15] =	ssyncadd.s32 $0xFFFFE000  }
0x12d: {  	_ =	swait.ge [sflag:s15], $0x2000  }
0x12e: {  	[sflag:s15] =	ssyncset.done $0x0  }
0x12f: {  	[sflag:s15] =	ssyncadd.s32 $0xFFFFE000  }
0x130: {  	_ =	swait.ge [sflag:s15], $0x2000  }
0x131: {  	[sflag:s15] =	ssyncset.done $0x0  }
0x132: {  	[sflag:s15] =	ssyncadd.s32 $0xFFFFE000  }
0x133: {  	_ =	swait.ge [sflag:s15], $0x2000  }
0x134: {  	[sflag:s15] =	ssyncset.done $0x0  }
0x135: {  	s21 =	rddreg [dreg:$0x11];
	[sflag:s15] =	ssyncadd.s32 $0xFFFFE000  }
0x136: {  	[hbm4b:s21+s16] =	stream.strided.scatter [tilespmem:s9], [sflag:$0x5], $0x2000, s31, s16, $0x38;
	[tilespmem:$0x10400] =	vst v63  }
0x137: {  	s22 =	rddreg [dreg:$0x12]  }
0x138: {  	[hbm4b:s22+s16] =	stream.strided.scatter [tilespmem:s10], [sflag:$0x5], $0x2000, s31, s16, $0x38;
	[tilespmem:$0x10400] =	vst v63  }
0x139: {  	s23 =	rddreg [dreg:$0x13]  }
0x13a: {  	[hbm4b:s23+s16] =	stream.strided.scatter [tilespmem:s12], [sflag:$0x5], $0x2000, s31, s16, $0x38;
	[tilespmem:$0x10400] =	vst v63  }
0x13b: {  	s25 =	rddreg [dreg:$0x16]  }
0x13c: {  	[hbm4b:s25+s16] =	stream.strided.scatter [tilespmem:s14], [sflag:$0x5], $0x2000, s31, s16, $0x38;
	[tilespmem:$0x10400] =	vst v63  }
0x13d: {  	_ =	swait.ge [sflag:s17], $0x200  }
0x13e: {  	[sflag:s17] =	ssyncset.done $0x0  }
0x13f: {  	[sflag:s17] =	ssyncadd.s32 $0xFFFFFE00  }
0x140: {  	_ =	swait.ge [sflag:s30], $0x2000  }
0x141: {  	[sflag:s30] =	ssyncset.done $0x0  }
0x142: {  	[sflag:s30] =	ssyncadd.s32 $0xFFFFE000  }
0x143: {  	_ =	swait.ge [sflag:s30], $0x2000  }
0x144: {  	[sflag:s30] =	ssyncset.done $0x0  }
0x145: {  	[sflag:s30] =	ssyncadd.s32 $0xFFFFE000  }
0x146: {  	_ =	swait.ge [sflag:s30], $0x2000  }
0x147: {  	[sflag:s30] =	ssyncset.done $0x0  }
0x148: {  	[sflag:s30] =	ssyncadd.s32 $0xFFFFE000  }
0x149: {  	_ =	swait.ge [sflag:s30], $0x2000  }
0x14a: {  	[sflag:s30] =	ssyncset.done $0x0  }
0x14b: {  	[sflag:s30] =	ssyncadd.s32 $0xFFFFE000  }
0x14c: {  	[tilespmem:s18], [sflag:$0x4] =	stream.indirect.gather [hbm4b:s3+s31], $0x40, s2, s31, $0xb8;
	[tilespmem:$0x10400] =	vst v63  }
0x14d: {  	s26 =	simm.s32 $0x280  }
0x14e: {  	[tilespmem:s20], [sflag:$0x4] =	stream.indirect.gather [hbm4b:s3+s31], $0x40, s26, s31, $0xb8;
	[tilespmem:$0x10400] =	vst v63  }
0x14f: {  	s11 =	simm.s32 $0x300  }
0x150: {  	[tilespmem:s24], [sflag:$0x4] =	stream.indirect.gather [hbm4b:s3+s31], $0x40, s11, s31, $0xb8;
	[tilespmem:$0x10400] =	vst v63  }
0x151: {  	s13 =	simm.s32 $0x380  }
0x152: {  	[tilespmem:s28], [sflag:$0x4] =	stream.indirect.gather [hbm4b:s3+s31], $0x40, s13, s31, $0xb8;
	[tilespmem:$0x10400] =	vst v63  }
0x153: {  	_ =	swait.ge [sflag:s5], $0x2000  }
0x154: {  	[sflag:s5] =	ssyncset.done $0x0  }
0x155: {  	[sflag:s5] =	ssyncadd.s32 $0xFFFFE000  }
0x156: {  	_ =	swait.ge [sflag:s5], $0x2000  }
0x157: {  	[sflag:s5] =	ssyncset.done $0x0  }
0x158: {  	[sflag:s5] =	ssyncadd.s32 $0xFFFFE000  }
0x159: {  	_ =	swait.ge [sflag:s5], $0x2000  }
0x15a: {  	[sflag:s5] =	ssyncset.done $0x0  }
0x15b: {  	[sflag:s5] =	ssyncadd.s32 $0xFFFFE000  }
0x15c: {  	_ =	swait.ge [sflag:s5], $0x2000  }
0x15d: {  	[sflag:s5] =	ssyncset.done $0x0  }
0x15e: {  	s19 =	rddreg [dreg:$0x1a];
	[sflag:s5] =	ssyncadd.s32 $0xFFFFE000  }
0x15f: {  	[hbm4b:s19+s16] =	stream.strided.scatter [tilespmem:s18], [sflag:$0x6], $0x2000, s31, s16, $0x38;
	[tilespmem:$0x10400] =	vst v63  }
0x160: {  	s21 =	rddreg [dreg:$0x19]  }
0x161: {  	[hbm4b:s21+s16] =	stream.strided.scatter [tilespmem:s20], [sflag:$0x6], $0x2000, s31, s16, $0x38;
	[tilespmem:$0x10400] =	vst v63  }
0x162: {  	s22 =	rddreg [dreg:$0x1b]  }
0x163: {  	[hbm4b:s22+s16] =	stream.strided.scatter [tilespmem:s24], [sflag:$0x6], $0x2000, s31, s16, $0x38;
	[tilespmem:$0x10400] =	vst v63  }
0x164: {  	s23 =	rddreg [dreg:$0x1c]  }
0x165: {  	[hbm4b:s23+s16] =	stream.strided.scatter [tilespmem:s28], [sflag:$0x6], $0x2000, s31, s16, $0x38;
	[tilespmem:$0x10400] =	vst v63  }
0x166: {  	_ =	swait.ge [sflag:s29], $0x2000  }
0x167: {  	[sflag:s29] =	ssyncset.done $0x0  }
0x168: {  	[sflag:s29] =	ssyncadd.s32 $0xFFFFE000  }
0x169: {  	_ =	swait.ge [sflag:s29], $0x2000  }
0x16a: {  	[sflag:s29] =	ssyncset.done $0x0  }
0x16b: {  	[sflag:s29] =	ssyncadd.s32 $0xFFFFE000  }
0x16c: {  	_ =	swait.ge [sflag:s29], $0x2000  }
0x16d: {  	[sflag:s29] =	ssyncset.done $0x0  }
0x16e: {  	[sflag:s29] =	ssyncadd.s32 $0xFFFFE000  }
0x16f: {  	_ =	swait.ge [sflag:s29], $0x2000  }
0x170: {  	[sflag:s29] =	ssyncset.done $0x0  }
0x171: {  	[sflag:s29] =	ssyncadd.s32 $0xFFFFE000  }
0x172: {  	_ =	swait.ge [sflag:s30], $0x2000  }
0x173: {  	[sflag:s30] =	ssyncset.done $0x0  }
0x174: {  	[sflag:s30] =	ssyncadd.s32 $0xFFFFE000  }
0x175: {  	_ =	swait.ge [sflag:s30], $0x2000  }
0x176: {  	[sflag:s30] =	ssyncset.done $0x0  }
0x177: {  	[sflag:s30] =	ssyncadd.s32 $0xFFFFE000  }
0x178: {  	_ =	swait.ge [sflag:s30], $0x2000  }
0x179: {  	[sflag:s30] =	ssyncset.done $0x0  }
0x17a: {  	[sflag:s30] =	ssyncadd.s32 $0xFFFFE000  }
0x17b: {  	_ =	swait.ge [sflag:s30], $0x2000  }
0x17c: {  	s25 =	rddreg [dreg:$0x1d]  }
0x17d: {  	s26 =	rddreg [dreg:$0x17];
	s11 =	sadd.s32 $0x1, s25  }
0x17e: {  	p0 =	sne.s32 s11, s26  }
.Ltmp1:
0x17f: {  	_ = 	snop;
	(pc) =	sbr.rel @p0 .LBB2_1-.Ltmp1, $3  }
0x180: {  	_ =	sdelay $0x1  }
0x181: {  	[sflag:s30] =	ssyncset.done $0x0  }
0x182: {  	[sflag:s30] =	ssyncadd.s32 $0xFFFFE000  }
0x183: {  	_ =	sfence.sel $0x180000  }
0x184: {  	[bflag:$0x0] =	sbarrier.arrive $0xFFFF  }
0x185: {  	_ =	strace $0x90000047  }
0x186: {  	s0 =	stileid.u32;
	[bflag:$0x2] =	sbarrier.arrive $0xFFFF  }
0x187: {  	p0 =	sne.s32 s0, $0x0;
	s0 =	rddreg [dreg:$0x1]  }
0x188: {  	s0 =	sadd.s32 @!p0 $0x100000, s0  }
0x189: {  	[sflag:s0] =	ssyncadd.tile.s32 @!p0 $0x1;
	_ =	shalt  }
.Lfunc_end2:
_tile_overlayer_lowered:
.L_overlay_start_2:
0x18a: {  	(tag) =	ssettag $0x2  }
0x18b: {  	s0 =	rddreg [dreg:$0x0];
	s2 =	stileid.u32  }
0x18c: {  	s1 =	rddreg [dreg:$0x1];
	p0 =	sne.s32 s2, $0x0  }
0x18d: {  	s3 =	rddreg [dreg:$0x2];
	[bflag:$0x3] =	sbarrier.arrive $0xFFFF;
	s2 =	simm.s32 @!p0 $0x1C07  }
0x18e: {  	[timem:s3], [sflag:s2] =	dma.local @!p0 [hbm:s0], s1  }
0x18f: {  	s0 =	simm.s32 @!p0 $0x7  }
0x190: {  	_ =	swait.ge @!p0 [sflag:s0], s1  }
0x191: {  	s1 =	ssub.s32 @!p0 $0x0, s1;
	[sflag:s0] =	ssyncset.done @!p0 $0x0  }
0x192: {  	[sflag:s0] =	ssyncadd.s32 @!p0 s1  }
0x193: {  	[bflag:$0x3] =	sbarrier.arrive $0xFFFF  }
0x194: {  	_ =	shalt  }

</sc_bundles>
